<compile_context>
chip_gen: v7x
topology: tpu7x:2x2x1
jax: 0.10.2.dev20260603
libtpu: 0.0.44.dev20260713+nightly
codegen_flags: <defaults>
</compile_context>

<pallas_src>
import functools

import jax
import jax.numpy as jnp
from jax import lax
from jax.experimental import pallas as pl
from jax.experimental.pallas import tpu as pltpu
from jax.experimental.pallas import tpu_sc as plsc

N = 10000
F_IN = 128
H = 128
G = 64
E = 320000

N_PAD = 10112
NROW = N_PAD // 128
NC = 2
NS = 16
NW = NC * NS
CH = 128
NCH = 81
EW = NCH * CH
E_PAD = NW * EW
RPT = N_PAD // NS

_f32 = jnp.float32



_mesh = plsc.VectorSubcoreMesh(core_axis_name="c", subcore_axis_name="s",
                               num_cores=NC, num_subcores=NS)


@functools.partial(
    pl.kernel,
    out_type=(
        jax.ShapeDtypeStruct((NC, N_PAD, H), _f32),
        jax.ShapeDtypeStruct((NW, NROW, 128), _f32),
    ),
    mesh=_mesh,
    compiler_params=pltpu.CompilerParams(needs_layout_passes=False),
    scratch_types=[
        pltpu.VMEM((2, CH), jnp.int32),
        pltpu.VMEM((NROW, 128), _f32),
        pltpu.VMEM((NROW, 128), _f32),
        pltpu.VMEM((NROW, 128), _f32),
        pltpu.VMEM((2, CH), _f32),
        pltpu.VMEM((CH, H), _f32),
        pltpu.VMEM_SHARED((N_PAD, H), _f32),
        pltpu.SemaphoreType.DMA,
    ],
)
def _edge_kernel(src_hbm, dst_hbm, h_hbm, as_hbm, ad_hbm, acc_out, s_out,
                 sd, as_loc, ad_loc, s_part, ex_buf, rows, acc, sem):
    cid = lax.axis_index("c")
    sid = lax.axis_index("s")
    wid = cid * NS + sid
    zero16 = jnp.zeros((16,), _f32)
    z16 = jnp.zeros((16,), jnp.int32)

    def _zrow(i, _):
        for v in range(H // 16):
            rows[i, pl.ds(v * 16, 16)] = zero16
        return 0
    lax.fori_loop(0, CH, _zrow, 0)
    base = sid * RPT
    for k in range(RPT // CH):
        pltpu.sync_copy(rows, acc.at[pl.ds(base + k * CH, CH)])
    rem = RPT - (RPT // CH) * CH
    if rem:
        pltpu.sync_copy(rows.at[pl.ds(0, rem)],
                        acc.at[pl.ds(base + (RPT // CH) * CH, rem)])

    def _zs(i, _):
        for v in range(128 // 16):
            s_part[i, pl.ds(v * 16, 16)] = zero16
        return 0
    lax.fori_loop(0, NROW, _zs, 0)

    pltpu.sync_copy(as_hbm, as_loc)
    pltpu.sync_copy(ad_hbm, ad_loc)

    plsc.subcore_barrier()

    def _chunk(c, _):
        pltpu.sync_copy(src_hbm.at[wid, c], sd.at[0])
        pltpu.sync_copy(dst_hbm.at[wid, c], sd.at[1])
        pltpu.async_copy(h_hbm.at[sd.at[0]], rows, sem)
        for k in range(CH // 16):
            s16 = sd[0, pl.ds(k * 16, 16)]
            d16 = sd[1, pl.ds(k * 16, 16)]
            e = (plsc.load_gather(as_loc, [s16 >> 7, s16 & 127])
                 + plsc.load_gather(ad_loc, [d16 >> 7, d16 & 127]))
            e = jnp.where(e > 0.0, e, 0.2 * e)
            ex = jnp.exp(e)
            ex_buf[0, pl.ds(k * 16, 16)] = ex
            plsc.addupdate_scatter(s_part, [d16 >> 7, d16 & 127], ex)

        pltpu.make_async_copy(h_hbm.at[sd.at[0]], rows, sem).wait()

        def _mul(i, _):
            for u in range(2):
                r = 2 * i + u
                a = plsc.load_gather(ex_buf, [z16, z16 + r])
                for v in range(H // 16):
                    rows[r, pl.ds(v * 16, 16)] = rows[r, pl.ds(v * 16, 16)] * a
            return 0
        lax.fori_loop(0, CH // 2, _mul, 0)

        pltpu.sync_copy(rows, acc.at[sd.at[1]], add=True)
        return 0

    lax.fori_loop(0, NCH, _chunk, 0)

    plsc.subcore_barrier()
    pltpu.sync_copy(s_part, s_out.at[wid])
    pltpu.sync_copy(acc.at[pl.ds(base, RPT)],
                    acc_out.at[cid, pl.ds(base, RPT)])



def _proj_body(x_ref, w_ref, aws_ref, awd_ref, h_ref, as_ref, ad_ref):
    h = jnp.dot(x_ref[...], w_ref[...], preferred_element_type=_f32)
    h_ref[...] = h
    as_ref[...] = jnp.dot(h, aws_ref[...], preferred_element_type=_f32)
    ad_ref[...] = jnp.dot(h, awd_ref[...], preferred_element_type=_f32)


_proj = pl.pallas_call(
    _proj_body,
    out_shape=(
        jax.ShapeDtypeStruct((N_PAD, H), _f32),
        jax.ShapeDtypeStruct((N_PAD, 1), _f32),
        jax.ShapeDtypeStruct((N_PAD, 1), _f32),
    ),
)


def _spsum_body(sp_ref, out_ref):
    s = sp_ref[0]
    for k in range(1, NW):
        s = s + sp_ref[k]
    out_ref[...] = jnp.where(s == 0.0, 1.0, s)


_spsum = pl.pallas_call(
    _spsum_body,
    out_shape=jax.ShapeDtypeStruct((NROW, 128), _f32),
)


def _sum_parts(acc_ref, s_ref, b_ref):
    return (acc_ref[0] + acc_ref[1]) / s_ref[...] + b_ref[...]


def _combine_body(acc_ref, s_ref, b_ref, w_ref, aws_ref, awd_ref,
                  h_ref, as_ref, ad_ref):
    o = jnp.maximum(_sum_parts(acc_ref, s_ref, b_ref), 0.0)
    h = jnp.dot(o, w_ref[...], preferred_element_type=_f32)
    h_ref[...] = h
    as_ref[...] = jnp.dot(h, aws_ref[...], preferred_element_type=_f32)
    ad_ref[...] = jnp.dot(h, awd_ref[...], preferred_element_type=_f32)


_combine = pl.pallas_call(
    _combine_body,
    out_shape=(
        jax.ShapeDtypeStruct((N_PAD, H), _f32),
        jax.ShapeDtypeStruct((N_PAD, 1), _f32),
        jax.ShapeDtypeStruct((N_PAD, 1), _f32),
    ),
)


def _final_body(acc_ref, s_ref, b_ref, bc_ref, br_ref, gw_ref, gb_ref,
                lw_ref, lb_ref, out_ref):
    h2 = _sum_parts(acc_ref, s_ref, b_ref)[:N]
    gate = jnp.dot(h2, gw_ref[...], preferred_element_type=_f32) + gb_ref[...]
    oh = lax.broadcasted_iota(jnp.int32, (N, G), 1) == bc_ref[...]
    gm = jnp.max(jnp.where(oh, gate, -1e30), axis=0, keepdims=True)
    gm_n = jnp.max(jnp.where(oh, gm, -1e30), axis=1, keepdims=True)
    ge = jnp.exp(gate - gm_n)
    gs = jnp.sum(jnp.where(oh, ge, 0.0), axis=0, keepdims=True)
    gs_n = jnp.sum(jnp.where(oh, gs, 0.0), axis=1, keepdims=True)
    wh = h2 * (ge / gs_n)
    oht = (lax.broadcasted_iota(jnp.int32, (G, N), 0) == br_ref[...]).astype(_f32)
    pooled = jnp.dot(oht, wh, preferred_element_type=_f32)
    out_ref[...] = jnp.dot(pooled, lw_ref[...],
                           preferred_element_type=_f32) + lb_ref[...]


_final = pl.pallas_call(
    _final_body,
    out_shape=jax.ShapeDtypeStruct((G, H), _f32),
)



def kernel(x, edge_index, batch, W1, a_src1, a_dst1, b1, W2, a_src2, a_dst2,
           b2, gate_W, gate_b, lin_W, lin_b):
    x_pad = jnp.pad(x, ((0, N_PAD - N), (0, 0)))
    loop = jnp.arange(N, dtype=jnp.int32)
    pad_idx = jnp.full((E_PAD - E - N,), N, jnp.int32)
    src = jnp.concatenate([edge_index[0], loop, pad_idx]).reshape(NW, NCH, CH)
    dst = jnp.concatenate([edge_index[1], loop, pad_idx]).reshape(NW, NCH, CH)

    h1, as1, ad1 = _proj(x_pad, W1, a_src1.reshape(H, 1), a_dst1.reshape(H, 1))
    acc1, sp1 = _edge_kernel(src, dst, h1, as1.reshape(NROW, 128),
                             ad1.reshape(NROW, 128))
    s1 = _spsum(sp1).reshape(N_PAD, 1)
    h2, as2, ad2 = _combine(acc1, s1, b1.reshape(1, H),
                            W2, a_src2.reshape(H, 1), a_dst2.reshape(H, 1))
    acc2, sp2 = _edge_kernel(src, dst, h2, as2.reshape(NROW, 128),
                             ad2.reshape(NROW, 128))
    s2 = _spsum(sp2).reshape(N_PAD, 1)
    return _final(acc2, s2, b2.reshape(1, H),
                  batch.reshape(N, 1), batch.reshape(1, N),
                  gate_W, gate_b.reshape(1, 1), lin_W, lin_b.reshape(1, H))

# --- scband reference (transcript-rebuilt; emitter-appended) ---
"""Pipeline reference for scband-no-edge-attr-gat-88149908783509 (READ-ONLY COPY).

The authoritative reference and input builder live on the scoring server;
editing this copy changes nothing except your own understanding.
"""

import jax, jax.numpy as jnp
import numpy as np

N = 10000
E = 320000
F_IN = 128
H = 128
G = 64


def setup_inputs(seed: int = 0):
    key = jax.random.key(seed)
    ks = jax.random.split(key, 20)

    def nrm(k, shape, scale):
        return jax.random.normal(k, shape, dtype=jnp.float32) * scale

    x = jax.random.normal(ks[0], (N, F_IN), dtype=jnp.float32)
    edge_index = jax.random.randint(ks[1], (2, E), 0, N, dtype=jnp.int32)
    batch = jnp.sort(jax.random.randint(ks[2], (N,), 0, G, dtype=jnp.int32))
    inp = {
        "x": x,
        "edge_index": edge_index,
        "batch": batch,
        "W1": nrm(ks[3], (F_IN, H), 1.0 / np.sqrt(F_IN)),
        "a_src1": nrm(ks[4], (H,), 1.0 / np.sqrt(H)),
        "a_dst1": nrm(ks[5], (H,), 1.0 / np.sqrt(H)),
        "b1": jnp.zeros((H,), jnp.float32),
        "W2": nrm(ks[6], (H, H), 1.0 / np.sqrt(H)),
        "a_src2": nrm(ks[7], (H,), 1.0 / np.sqrt(H)),
        "a_dst2": nrm(ks[8], (H,), 1.0 / np.sqrt(H)),
        "b2": jnp.zeros((H,), jnp.float32),
        "gate_W": nrm(ks[9], (H, 1), 1.0 / np.sqrt(H)),
        "gate_b": jnp.zeros((1,), jnp.float32),
        "lin_W": nrm(ks[10], (H, H), 1.0 / np.sqrt(H)),
        "lin_b": jnp.zeros((H,), jnp.float32),
    }
    return inp


def _gat_conv(x, src, dst, W, a_s, a_d, b):
    # GATConv, heads=1, concat=True, negative_slope=0.2, add_self_loops applied by caller
    h = x @ W
    alpha_src = (h * a_s).sum(axis=-1)
    alpha_dst = (h * a_d).sum(axis=-1)
    e = alpha_src[src] + alpha_dst[dst]
    e = jnp.where(e > 0, e, 0.2 * e)  # leaky_relu
    m = jax.ops.segment_max(e, dst, num_segments=N)
    ex = jnp.exp(e - m[dst])
    s = jax.ops.segment_sum(ex, dst, num_segments=N)
    a = ex / s[dst]
    out = jax.ops.segment_sum(h[src] * a[:, None], dst, num_segments=N)
    return out + b


def reference(x, edge_index, batch, W1, a_src1, a_dst1, b1, W2, a_src2, a_dst2, b2, gate_W, gate_b, lin_W, lin_b):
    loop = jnp.arange(N, dtype=edge_index.dtype)
    src = jnp.concatenate([edge_index[0], loop])
    dst = jnp.concatenate([edge_index[1], loop])
    # GAT backbone (BasicGNN): relu between layers, none after last
    h = _gat_conv(x, src, dst, W1, a_src1, a_dst1, b1)
    h = jax.nn.relu(h)
    h = _gat_conv(h, src, dst, W2, a_src2, a_dst2, b2)
    # GlobalAttention pooling: gate_nn = Linear(H, 1), nn=None
    gate = h @ gate_W + gate_b
    gm = jax.ops.segment_max(gate[:, 0], batch, num_segments=G)
    ge = jnp.exp(gate[:, 0] - gm[batch])
    gs = jax.ops.segment_sum(ge, batch, num_segments=G)
    attn = (ge / gs[batch])[:, None]
    pooled = jax.ops.segment_sum(attn * h, batch, num_segments=G)
    # lin1
    return pooled @ lin_W + lin_b

if __name__ == "__main__":
    import jax
    _d = setup_inputs()
    print(jax.jit(kernel)(*tuple(_d.values())))

</pallas_src>

<mosaic_0001>
#map = affine_map<(d0, d1) -> (0, 0, 0)>
#map1 = affine_map<(d0, d1) -> (0, 0)>
module attributes {stable_mosaic.version = 14 : i64} {
  func.func @_edge_kernel(%arg0: i32, %arg1: i32, %arg2: memref<32x81x128xi32, #tpu.memory_space<hbm>>, %arg3: memref<32x81x128xi32, #tpu.memory_space<hbm>>, %arg4: memref<10112x128xf32, #tpu.memory_space<hbm>>, %arg5: memref<79x128xf32, #tpu.memory_space<hbm>>, %arg6: memref<79x128xf32, #tpu.memory_space<hbm>>, %arg7: memref<2x10112x128xf32, #tpu.memory_space<hbm>>, %arg8: memref<32x79x128xf32, #tpu.memory_space<hbm>>, %arg9: memref<2x128xi32, #tpu.memory_space<vmem>>, %arg10: memref<79x128xf32, #tpu.memory_space<vmem>>, %arg11: memref<79x128xf32, #tpu.memory_space<vmem>>, %arg12: memref<79x128xf32, #tpu.memory_space<vmem>>, %arg13: memref<2x128xf32, #tpu.memory_space<vmem>>, %arg14: memref<128x128xf32, #tpu.memory_space<vmem>>, %arg15: memref<10112x128xf32, #tpu.memory_space<vmem_shared>>, %arg16: memref<!tpu.dma_semaphore, #tpu.memory_space<semaphore_mem>>) attributes {dimension_semantics = [#tpu.dimension_semantics<core_parallel>, #tpu.dimension_semantics<subcore_parallel>], iteration_bounds = array<i64: 2, 16>, scalar_prefetch = 0 : i64, scratch_operands = 8 : i64, tpu.core_type = #tpu.core_type<sc_vector_subcore>, window_params = [{transform_indices = #map}, {transform_indices = #map}, {transform_indices = #map1}, {transform_indices = #map1}, {transform_indices = #map1}, {transform_indices = #map}, {transform_indices = #map}]} {
    %mul3A = arith.constant 16 : i32
    %mul3A_0 = arith.muli %arg0, %mul3A : i32
    %add3A = arith.addi %mul3A_0, %arg1 : i32
    %broadcast_in_dim3A = arith.constant 0.000000e+00 : f32
    %broadcast_in_dim3A_1 = vector.broadcast %broadcast_in_dim3A : f32 to vector<16xf32>
    %broadcast_in_dim3A_2 = arith.constant 0 : i32
    %broadcast_in_dim3A_3 = vector.broadcast %broadcast_in_dim3A_2 : i32 to vector<16xi32>
    %scan3A = arith.constant 0 : i32
    %scan3A_4 = arith.constant 0 : i32
    %scan3A_5 = arith.constant 128 : i32
    %scan3A_6 = arith.addi %scan3A_4, %scan3A_5 : i32
    %scan3A_7 = arith.constant 1 : i32
    %scan3A_8 = scf.for %scan3A_37 = %scan3A_4 to %scan3A_6 step %scan3A_7 iter_args(%scan3A_38 = %scan3A) -> (i32)  : i32 {
      %swap3A = arith.index_cast %scan3A_37 : i32 to index
      %swap3A_39 = arith.constant 0 : index
      %swap3A_40 = tpu.vector_load %arg14[%swap3A, %swap3A_39] {strides = array<i32>} : memref<128x128xf32, #tpu.memory_space<vmem>>, vector<16xf32>,
      tpu.vector_store %arg14[%swap3A, %swap3A_39], %broadcast_in_dim3A_1 {strides = array<i32>} : memref<128x128xf32, #tpu.memory_space<vmem>>, vector<16xf32>,
      %swap3A_41 = arith.index_cast %scan3A_37 : i32 to index
      %swap3A_42 = arith.constant 16 : index
      %swap3A_43 = tpu.vector_load %arg14[%swap3A_41, %swap3A_42] {strides = array<i32>} : memref<128x128xf32, #tpu.memory_space<vmem>>, vector<16xf32>,
      tpu.vector_store %arg14[%swap3A_41, %swap3A_42], %broadcast_in_dim3A_1 {strides = array<i32>} : memref<128x128xf32, #tpu.memory_space<vmem>>, vector<16xf32>,
      %swap3A_44 = arith.index_cast %scan3A_37 : i32 to index
      %swap3A_45 = arith.constant 32 : index
      %swap3A_46 = tpu.vector_load %arg14[%swap3A_44, %swap3A_45] {strides = array<i32>} : memref<128x128xf32, #tpu.memory_space<vmem>>, vector<16xf32>,
      tpu.vector_store %arg14[%swap3A_44, %swap3A_45], %broadcast_in_dim3A_1 {strides = array<i32>} : memref<128x128xf32, #tpu.memory_space<vmem>>, vector<16xf32>,
      %swap3A_47 = arith.index_cast %scan3A_37 : i32 to index
      %swap3A_48 = arith.constant 48 : index
      %swap3A_49 = tpu.vector_load %arg14[%swap3A_47, %swap3A_48] {strides = array<i32>} : memref<128x128xf32, #tpu.memory_space<vmem>>, vector<16xf32>,
      tpu.vector_store %arg14[%swap3A_47, %swap3A_48], %broadcast_in_dim3A_1 {strides = array<i32>} : memref<128x128xf32, #tpu.memory_space<vmem>>, vector<16xf32>,
      %swap3A_50 = arith.index_cast %scan3A_37 : i32 to index
      %swap3A_51 = arith.constant 64 : index
      %swap3A_52 = tpu.vector_load %arg14[%swap3A_50, %swap3A_51] {strides = array<i32>} : memref<128x128xf32, #tpu.memory_space<vmem>>, vector<16xf32>,
      tpu.vector_store %arg14[%swap3A_50, %swap3A_51], %broadcast_in_dim3A_1 {strides = array<i32>} : memref<128x128xf32, #tpu.memory_space<vmem>>, vector<16xf32>,
      %swap3A_53 = arith.index_cast %scan3A_37 : i32 to index
      %swap3A_54 = arith.constant 80 : index
      %swap3A_55 = tpu.vector_load %arg14[%swap3A_53, %swap3A_54] {strides = array<i32>} : memref<128x128xf32, #tpu.memory_space<vmem>>, vector<16xf32>,
      tpu.vector_store %arg14[%swap3A_53, %swap3A_54], %broadcast_in_dim3A_1 {strides = array<i32>} : memref<128x128xf32, #tpu.memory_space<vmem>>, vector<16xf32>,
      %swap3A_56 = arith.index_cast %scan3A_37 : i32 to index
      %swap3A_57 = arith.constant 96 : index
      %swap3A_58 = tpu.vector_load %arg14[%swap3A_56, %swap3A_57] {strides = array<i32>} : memref<128x128xf32, #tpu.memory_space<vmem>>, vector<16xf32>,
      tpu.vector_store %arg14[%swap3A_56, %swap3A_57], %broadcast_in_dim3A_1 {strides = array<i32>} : memref<128x128xf32, #tpu.memory_space<vmem>>, vector<16xf32>,
      %swap3A_59 = arith.index_cast %scan3A_37 : i32 to index
      %swap3A_60 = arith.constant 112 : index
      %swap3A_61 = tpu.vector_load %arg14[%swap3A_59, %swap3A_60] {strides = array<i32>} : memref<128x128xf32, #tpu.memory_space<vmem>>, vector<16xf32>,
      tpu.vector_store %arg14[%swap3A_59, %swap3A_60], %broadcast_in_dim3A_1 {strides = array<i32>} : memref<128x128xf32, #tpu.memory_space<vmem>>, vector<16xf32>,
      %scan3A_62 = arith.constant 0 : i32
      scf.yield %scan3A_62 : i32
    }
    %scan3A_9 = arith.constant 128 : i32
    %mul3A_10 = arith.constant 632 : i32
    %mul3A_11 = arith.muli %arg1, %mul3A_10 : i32
    %add3A_12 = arith.constant 0 : i32
    %add3A_13 = arith.addi %mul3A_11, %add3A_12 : i32
    "tpu.region"() ({
      %run_scoped3A = tpu.sem_alloc : memref<!tpu.dma_semaphore, #tpu.memory_space<semaphore_mem>>
      %dma_start3A = arith.constant 0 : i32
      %dma_start3A_37 = tpu.memref_slice %arg15[%add3A_13, %dma_start3A] : memref<10112x128xf32, #tpu.memory_space<vmem_shared>> -> memref<128x128xf32, #tpu.memory_space<vmem_shared>>
      %dma_start3A_38 = arith.constant 0 : i32
      %dma_start3A_39 = tpu.memref_slice %arg15[%add3A_13, %dma_start3A_38] : memref<10112x128xf32, #tpu.memory_space<vmem_shared>> -> memref<128x128xf32, #tpu.memory_space<vmem_shared>>
      tpu.enqueue_dma source(%arg14 : memref<128x128xf32, #tpu.memory_space<vmem>>) target(%dma_start3A_39 : memref<128x128xf32, #tpu.memory_space<vmem_shared>>) target_semaphore(%run_scoped3A : memref<!tpu.dma_semaphore, #tpu.memory_space<semaphore_mem>>)
      %dma_wait3A = arith.constant 0 : i32
      %dma_wait3A_40 = tpu.memref_slice %arg15[%add3A_13, %dma_wait3A] : memref<10112x128xf32, #tpu.memory_space<vmem_shared>> -> memref<128x128xf32, #tpu.memory_space<vmem_shared>>
      %dma_wait3A_41 = arith.constant 0 : i32
      %dma_wait3A_42 = tpu.memref_slice %arg15[%add3A_13, %dma_wait3A_41] : memref<10112x128xf32, #tpu.memory_space<vmem_shared>> -> memref<128x128xf32, #tpu.memory_space<vmem_shared>>
      tpu.wait_dma2 semaphore(%run_scoped3A : memref<!tpu.dma_semaphore, #tpu.memory_space<semaphore_mem>>) src(%arg14 : memref<128x128xf32, #tpu.memory_space<vmem>>) dst(%dma_wait3A_42 : memref<128x128xf32, #tpu.memory_space<vmem_shared>>)
      tpu.yield
    }) : () -> ()
    %add3A_14 = arith.constant 128 : i32
    %add3A_15 = arith.addi %mul3A_11, %add3A_14 : i32
    "tpu.region"() ({
      %run_scoped3A = tpu.sem_alloc : memref<!tpu.dma_semaphore, #tpu.memory_space<semaphore_mem>>
      %dma_start3A = arith.constant 0 : i32
      %dma_start3A_37 = tpu.memref_slice %arg15[%add3A_15, %dma_start3A] : memref<10112x128xf32, #tpu.memory_space<vmem_shared>> -> memref<128x128xf32, #tpu.memory_space<vmem_shared>>
      %dma_start3A_38 = arith.constant 0 : i32
      %dma_start3A_39 = tpu.memref_slice %arg15[%add3A_15, %dma_start3A_38] : memref<10112x128xf32, #tpu.memory_space<vmem_shared>> -> memref<128x128xf32, #tpu.memory_space<vmem_shared>>
      tpu.enqueue_dma source(%arg14 : memref<128x128xf32, #tpu.memory_space<vmem>>) target(%dma_start3A_39 : memref<128x128xf32, #tpu.memory_space<vmem_shared>>) target_semaphore(%run_scoped3A : memref<!tpu.dma_semaphore, #tpu.memory_space<semaphore_mem>>)
      %dma_wait3A = arith.constant 0 : i32
      %dma_wait3A_40 = tpu.memref_slice %arg15[%add3A_15, %dma_wait3A] : memref<10112x128xf32, #tpu.memory_space<vmem_shared>> -> memref<128x128xf32, #tpu.memory_space<vmem_shared>>
      %dma_wait3A_41 = arith.constant 0 : i32
      %dma_wait3A_42 = tpu.memref_slice %arg15[%add3A_15, %dma_wait3A_41] : memref<10112x128xf32, #tpu.memory_space<vmem_shared>> -> memref<128x128xf32, #tpu.memory_space<vmem_shared>>
      tpu.wait_dma2 semaphore(%run_scoped3A : memref<!tpu.dma_semaphore, #tpu.memory_space<semaphore_mem>>) src(%arg14 : memref<128x128xf32, #tpu.memory_space<vmem>>) dst(%dma_wait3A_42 : memref<128x128xf32, #tpu.memory_space<vmem_shared>>)
      tpu.yield
    }) : () -> ()
    %add3A_16 = arith.constant 256 : i32
    %add3A_17 = arith.addi %mul3A_11, %add3A_16 : i32
    "tpu.region"() ({
      %run_scoped3A = tpu.sem_alloc : memref<!tpu.dma_semaphore, #tpu.memory_space<semaphore_mem>>
      %dma_start3A = arith.constant 0 : i32
      %dma_start3A_37 = tpu.memref_slice %arg15[%add3A_17, %dma_start3A] : memref<10112x128xf32, #tpu.memory_space<vmem_shared>> -> memref<128x128xf32, #tpu.memory_space<vmem_shared>>
      %dma_start3A_38 = arith.constant 0 : i32
      %dma_start3A_39 = tpu.memref_slice %arg15[%add3A_17, %dma_start3A_38] : memref<10112x128xf32, #tpu.memory_space<vmem_shared>> -> memref<128x128xf32, #tpu.memory_space<vmem_shared>>
      tpu.enqueue_dma source(%arg14 : memref<128x128xf32, #tpu.memory_space<vmem>>) target(%dma_start3A_39 : memref<128x128xf32, #tpu.memory_space<vmem_shared>>) target_semaphore(%run_scoped3A : memref<!tpu.dma_semaphore, #tpu.memory_space<semaphore_mem>>)
      %dma_wait3A = arith.constant 0 : i32
      %dma_wait3A_40 = tpu.memref_slice %arg15[%add3A_17, %dma_wait3A] : memref<10112x128xf32, #tpu.memory_space<vmem_shared>> -> memref<128x128xf32, #tpu.memory_space<vmem_shared>>
      %dma_wait3A_41 = arith.constant 0 : i32
      %dma_wait3A_42 = tpu.memref_slice %arg15[%add3A_17, %dma_wait3A_41] : memref<10112x128xf32, #tpu.memory_space<vmem_shared>> -> memref<128x128xf32, #tpu.memory_space<vmem_shared>>
      tpu.wait_dma2 semaphore(%run_scoped3A : memref<!tpu.dma_semaphore, #tpu.memory_space<semaphore_mem>>) src(%arg14 : memref<128x128xf32, #tpu.memory_space<vmem>>) dst(%dma_wait3A_42 : memref<128x128xf32, #tpu.memory_space<vmem_shared>>)
      tpu.yield
    }) : () -> ()
    %add3A_18 = arith.constant 384 : i32
    %add3A_19 = arith.addi %mul3A_11, %add3A_18 : i32
    "tpu.region"() ({
      %run_scoped3A = tpu.sem_alloc : memref<!tpu.dma_semaphore, #tpu.memory_space<semaphore_mem>>
      %dma_start3A = arith.constant 0 : i32
      %dma_start3A_37 = tpu.memref_slice %arg15[%add3A_19, %dma_start3A] : memref<10112x128xf32, #tpu.memory_space<vmem_shared>> -> memref<128x128xf32, #tpu.memory_space<vmem_shared>>
      %dma_start3A_38 = arith.constant 0 : i32
      %dma_start3A_39 = tpu.memref_slice %arg15[%add3A_19, %dma_start3A_38] : memref<10112x128xf32, #tpu.memory_space<vmem_shared>> -> memref<128x128xf32, #tpu.memory_space<vmem_shared>>
      tpu.enqueue_dma source(%arg14 : memref<128x128xf32, #tpu.memory_space<vmem>>) target(%dma_start3A_39 : memref<128x128xf32, #tpu.memory_space<vmem_shared>>) target_semaphore(%run_scoped3A : memref<!tpu.dma_semaphore, #tpu.memory_space<semaphore_mem>>)
      %dma_wait3A = arith.constant 0 : i32
      %dma_wait3A_40 = tpu.memref_slice %arg15[%add3A_19, %dma_wait3A] : memref<10112x128xf32, #tpu.memory_space<vmem_shared>> -> memref<128x128xf32, #tpu.memory_space<vmem_shared>>
      %dma_wait3A_41 = arith.constant 0 : i32
      %dma_wait3A_42 = tpu.memref_slice %arg15[%add3A_19, %dma_wait3A_41] : memref<10112x128xf32, #tpu.memory_space<vmem_shared>> -> memref<128x128xf32, #tpu.memory_space<vmem_shared>>
      tpu.wait_dma2 semaphore(%run_scoped3A : memref<!tpu.dma_semaphore, #tpu.memory_space<semaphore_mem>>) src(%arg14 : memref<128x128xf32, #tpu.memory_space<vmem>>) dst(%dma_wait3A_42 : memref<128x128xf32, #tpu.memory_space<vmem_shared>>)
      tpu.yield
    }) : () -> ()
    %add3A_20 = arith.constant 512 : i32
    %add3A_21 = arith.addi %mul3A_11, %add3A_20 : i32
    "tpu.region"() ({
      %run_scoped3A = tpu.sem_alloc : memref<!tpu.dma_semaphore, #tpu.memory_space<semaphore_mem>>
      %dma_start3A = arith.constant 0 : i32
      %dma_start3A_37 = arith.constant 0 : i32
      %dma_start3A_38 = tpu.memref_slice %arg14[%dma_start3A, %dma_start3A_37] : memref<128x128xf32, #tpu.memory_space<vmem>> -> memref<120x128xf32, #tpu.memory_space<vmem>>
      %dma_start3A_39 = arith.constant 0 : i32
      %dma_start3A_40 = tpu.memref_slice %arg15[%add3A_21, %dma_start3A_39] : memref<10112x128xf32, #tpu.memory_space<vmem_shared>> -> memref<120x128xf32, #tpu.memory_space<vmem_shared>>
      %dma_start3A_41 = arith.constant 0 : i32
      %dma_start3A_42 = tpu.memref_slice %arg15[%add3A_21, %dma_start3A_41] : memref<10112x128xf32, #tpu.memory_space<vmem_shared>> -> memref<120x128xf32, #tpu.memory_space<vmem_shared>>
      %dma_start3A_43 = arith.constant 0 : i32
      %dma_start3A_44 = arith.constant 0 : i32
      %dma_start3A_45 = tpu.memref_slice %arg14[%dma_start3A_43, %dma_start3A_44] : memref<128x128xf32, #tpu.memory_space<vmem>> -> memref<120x128xf32, #tpu.memory_space<vmem>>
      tpu.enqueue_dma source(%dma_start3A_45 : memref<120x128xf32, #tpu.memory_space<vmem>>) target(%dma_start3A_42 : memref<120x128xf32, #tpu.memory_space<vmem_shared>>) target_semaphore(%run_scoped3A : memref<!tpu.dma_semaphore, #tpu.memory_space<semaphore_mem>>)
      %dma_wait3A = arith.constant 0 : i32
      %dma_wait3A_46 = arith.constant 0 : i32
      %dma_wait3A_47 = tpu.memref_slice %arg14[%dma_wait3A, %dma_wait3A_46] : memref<128x128xf32, #tpu.memory_space<vmem>> -> memref<120x128xf32, #tpu.memory_space<vmem>>
      %dma_wait3A_48 = arith.constant 0 : i32
      %dma_wait3A_49 = tpu.memref_slice %arg15[%add3A_21, %dma_wait3A_48] : memref<10112x128xf32, #tpu.memory_space<vmem_shared>> -> memref<120x128xf32, #tpu.memory_space<vmem_shared>>
      %dma_wait3A_50 = arith.constant 0 : i32
      %dma_wait3A_51 = tpu.memref_slice %arg15[%add3A_21, %dma_wait3A_50] : memref<10112x128xf32, #tpu.memory_space<vmem_shared>> -> memref<120x128xf32, #tpu.memory_space<vmem_shared>>
      %dma_wait3A_52 = arith.constant 0 : i32
      %dma_wait3A_53 = arith.constant 0 : i32
      %dma_wait3A_54 = tpu.memref_slice %arg14[%dma_wait3A_52, %dma_wait3A_53] : memref<128x128xf32, #tpu.memory_space<vmem>> -> memref<120x128xf32, #tpu.memory_space<vmem>>
      tpu.wait_dma2 semaphore(%run_scoped3A : memref<!tpu.dma_semaphore, #tpu.memory_space<semaphore_mem>>) src(%dma_wait3A_54 : memref<120x128xf32, #tpu.memory_space<vmem>>) dst(%dma_wait3A_51 : memref<120x128xf32, #tpu.memory_space<vmem_shared>>)
      tpu.yield
    }) : () -> ()
    %scan3A_22 = arith.constant 0 : i32
    %scan3A_23 = arith.constant 0 : i32
    %scan3A_24 = arith.constant 79 : i32
    %scan3A_25 = arith.addi %scan3A_23, %scan3A_24 : i32
    %scan3A_26 = arith.constant 1 : i32
    %scan3A_27 = scf.for %scan3A_37 = %scan3A_23 to %scan3A_25 step %scan3A_26 iter_args(%scan3A_38 = %scan3A_22) -> (i32)  : i32 {
      %swap3A = arith.index_cast %scan3A_37 : i32 to index
      %swap3A_39 = arith.constant 0 : index
      %swap3A_40 = tpu.vector_load %arg12[%swap3A, %swap3A_39] {strides = array<i32>} : memref<79x128xf32, #tpu.memory_space<vmem>>, vector<16xf32>,
      tpu.vector_store %arg12[%swap3A, %swap3A_39], %broadcast_in_dim3A_1 {strides = array<i32>} : memref<79x128xf32, #tpu.memory_space<vmem>>, vector<16xf32>,
      %swap3A_41 = arith.index_cast %scan3A_37 : i32 to index
      %swap3A_42 = arith.constant 16 : index
      %swap3A_43 = tpu.vector_load %arg12[%swap3A_41, %swap3A_42] {strides = array<i32>} : memref<79x128xf32, #tpu.memory_space<vmem>>, vector<16xf32>,
      tpu.vector_store %arg12[%swap3A_41, %swap3A_42], %broadcast_in_dim3A_1 {strides = array<i32>} : memref<79x128xf32, #tpu.memory_space<vmem>>, vector<16xf32>,
      %swap3A_44 = arith.index_cast %scan3A_37 : i32 to index
      %swap3A_45 = arith.constant 32 : index
      %swap3A_46 = tpu.vector_load %arg12[%swap3A_44, %swap3A_45] {strides = array<i32>} : memref<79x128xf32, #tpu.memory_space<vmem>>, vector<16xf32>,
      tpu.vector_store %arg12[%swap3A_44, %swap3A_45], %broadcast_in_dim3A_1 {strides = array<i32>} : memref<79x128xf32, #tpu.memory_space<vmem>>, vector<16xf32>,
      %swap3A_47 = arith.index_cast %scan3A_37 : i32 to index
      %swap3A_48 = arith.constant 48 : index
      %swap3A_49 = tpu.vector_load %arg12[%swap3A_47, %swap3A_48] {strides = array<i32>} : memref<79x128xf32, #tpu.memory_space<vmem>>, vector<16xf32>,
      tpu.vector_store %arg12[%swap3A_47, %swap3A_48], %broadcast_in_dim3A_1 {strides = array<i32>} : memref<79x128xf32, #tpu.memory_space<vmem>>, vector<16xf32>,
      %swap3A_50 = arith.index_cast %scan3A_37 : i32 to index
      %swap3A_51 = arith.constant 64 : index
      %swap3A_52 = tpu.vector_load %arg12[%swap3A_50, %swap3A_51] {strides = array<i32>} : memref<79x128xf32, #tpu.memory_space<vmem>>, vector<16xf32>,
      tpu.vector_store %arg12[%swap3A_50, %swap3A_51], %broadcast_in_dim3A_1 {strides = array<i32>} : memref<79x128xf32, #tpu.memory_space<vmem>>, vector<16xf32>,
      %swap3A_53 = arith.index_cast %scan3A_37 : i32 to index
      %swap3A_54 = arith.constant 80 : index
      %swap3A_55 = tpu.vector_load %arg12[%swap3A_53, %swap3A_54] {strides = array<i32>} : memref<79x128xf32, #tpu.memory_space<vmem>>, vector<16xf32>,
      tpu.vector_store %arg12[%swap3A_53, %swap3A_54], %broadcast_in_dim3A_1 {strides = array<i32>} : memref<79x128xf32, #tpu.memory_space<vmem>>, vector<16xf32>,
      %swap3A_56 = arith.index_cast %scan3A_37 : i32 to index
      %swap3A_57 = arith.constant 96 : index
      %swap3A_58 = tpu.vector_load %arg12[%swap3A_56, %swap3A_57] {strides = array<i32>} : memref<79x128xf32, #tpu.memory_space<vmem>>, vector<16xf32>,
      tpu.vector_store %arg12[%swap3A_56, %swap3A_57], %broadcast_in_dim3A_1 {strides = array<i32>} : memref<79x128xf32, #tpu.memory_space<vmem>>, vector<16xf32>,
      %swap3A_59 = arith.index_cast %scan3A_37 : i32 to index
      %swap3A_60 = arith.constant 112 : index
      %swap3A_61 = tpu.vector_load %arg12[%swap3A_59, %swap3A_60] {strides = array<i32>} : memref<79x128xf32, #tpu.memory_space<vmem>>, vector<16xf32>,
      tpu.vector_store %arg12[%swap3A_59, %swap3A_60], %broadcast_in_dim3A_1 {strides = array<i32>} : memref<79x128xf32, #tpu.memory_space<vmem>>, vector<16xf32>,
      %scan3A_62 = arith.constant 0 : i32
      scf.yield %scan3A_62 : i32
    }
    %scan3A_28 = arith.constant 79 : i32
    "tpu.region"() ({
      %run_scoped3A = tpu.sem_alloc : memref<!tpu.dma_semaphore, #tpu.memory_space<semaphore_mem>>
      tpu.enqueue_dma source(%arg5 : memref<79x128xf32, #tpu.memory_space<hbm>>) target(%arg10 : memref<79x128xf32, #tpu.memory_space<vmem>>) target_semaphore(%run_scoped3A : memref<!tpu.dma_semaphore, #tpu.memory_space<semaphore_mem>>)
      tpu.wait_dma2 semaphore(%run_scoped3A : memref<!tpu.dma_semaphore, #tpu.memory_space<semaphore_mem>>) src(%arg5 : memref<79x128xf32, #tpu.memory_space<hbm>>) dst(%arg10 : memref<79x128xf32, #tpu.memory_space<vmem>>)
      tpu.yield
    }) : () -> ()
    "tpu.region"() ({
      %run_scoped3A = tpu.sem_alloc : memref<!tpu.dma_semaphore, #tpu.memory_space<semaphore_mem>>
      tpu.enqueue_dma source(%arg6 : memref<79x128xf32, #tpu.memory_space<hbm>>) target(%arg11 : memref<79x128xf32, #tpu.memory_space<vmem>>) target_semaphore(%run_scoped3A : memref<!tpu.dma_semaphore, #tpu.memory_space<semaphore_mem>>)
      tpu.wait_dma2 semaphore(%run_scoped3A : memref<!tpu.dma_semaphore, #tpu.memory_space<semaphore_mem>>) src(%arg6 : memref<79x128xf32, #tpu.memory_space<hbm>>) dst(%arg11 : memref<79x128xf32, #tpu.memory_space<vmem>>)
      tpu.yield
    }) : () -> ()
    %barrier3A = arith.constant 0 : index
    tpu.barrier barrier_id(%barrier3A)
    %scan3A_29 = arith.constant 0 : i32
    %scan3A_30 = arith.constant 0 : i32
    %scan3A_31 = arith.constant 81 : i32
    %scan3A_32 = arith.addi %scan3A_30, %scan3A_31 : i32
    %scan3A_33 = arith.constant 1 : i32
    %scan3A_34 = scf.for %scan3A_37 = %scan3A_30 to %scan3A_32 step %scan3A_33 iter_args(%scan3A_38 = %scan3A_29) -> (i32)  : i32 {
      %run_scoped3A = arith.constant 0 : i32
      "tpu.region"() ({
        %run_scoped3A_381 = tpu.sem_alloc : memref<!tpu.dma_semaphore, #tpu.memory_space<semaphore_mem>>
        %dma_start3A_382 = arith.constant 0 : i32
        %dma_start3A_383 = tpu.memref_slice %arg9[%run_scoped3A, %dma_start3A_382] : memref<2x128xi32, #tpu.memory_space<vmem>> -> memref<1x128xi32, #tpu.memory_space<vmem>>
        %dma_start3A_384 = tpu.memref_squeeze %dma_start3A_383 : memref<1x128xi32, #tpu.memory_space<vmem>> -> memref<128xi32, #tpu.memory_space<vmem>>
        %dma_start3A_385 = arith.constant 0 : i32
        %dma_start3A_386 = tpu.memref_slice %arg2[%add3A, %scan3A_37, %dma_start3A_385] : memref<32x81x128xi32, #tpu.memory_space<hbm>> -> memref<1x1x128xi32, #tpu.memory_space<hbm>>
        %dma_start3A_387 = tpu.memref_squeeze %dma_start3A_386 : memref<1x1x128xi32, #tpu.memory_space<hbm>> -> memref<128xi32, #tpu.memory_space<hbm>>
        %dma_start3A_388 = arith.constant 0 : i32
        %dma_start3A_389 = tpu.memref_slice %arg9[%run_scoped3A, %dma_start3A_388] : memref<2x128xi32, #tpu.memory_space<vmem>> -> memref<1x128xi32, #tpu.memory_space<vmem>>
        %dma_start3A_390 = tpu.memref_squeeze %dma_start3A_389 : memref<1x128xi32, #tpu.memory_space<vmem>> -> memref<128xi32, #tpu.memory_space<vmem>>
        %dma_start3A_391 = arith.constant 0 : i32
        %dma_start3A_392 = tpu.memref_slice %arg2[%add3A, %scan3A_37, %dma_start3A_391] : memref<32x81x128xi32, #tpu.memory_space<hbm>> -> memref<1x1x128xi32, #tpu.memory_space<hbm>>
        %dma_start3A_393 = tpu.memref_squeeze %dma_start3A_392 : memref<1x1x128xi32, #tpu.memory_space<hbm>> -> memref<128xi32, #tpu.memory_space<hbm>>
        tpu.enqueue_dma source(%dma_start3A_393 : memref<128xi32, #tpu.memory_space<hbm>>) target(%dma_start3A_390 : memref<128xi32, #tpu.memory_space<vmem>>) target_semaphore(%run_scoped3A_381 : memref<!tpu.dma_semaphore, #tpu.memory_space<semaphore_mem>>)
        %dma_wait3A_394 = arith.constant 0 : i32
        %dma_wait3A_395 = tpu.memref_slice %arg9[%run_scoped3A, %dma_wait3A_394] : memref<2x128xi32, #tpu.memory_space<vmem>> -> memref<1x128xi32, #tpu.memory_space<vmem>>
        %dma_wait3A_396 = tpu.memref_squeeze %dma_wait3A_395 : memref<1x128xi32, #tpu.memory_space<vmem>> -> memref<128xi32, #tpu.memory_space<vmem>>
        %dma_wait3A_397 = arith.constant 0 : i32
        %dma_wait3A_398 = tpu.memref_slice %arg2[%add3A, %scan3A_37, %dma_wait3A_397] : memref<32x81x128xi32, #tpu.memory_space<hbm>> -> memref<1x1x128xi32, #tpu.memory_space<hbm>>
        %dma_wait3A_399 = tpu.memref_squeeze %dma_wait3A_398 : memref<1x1x128xi32, #tpu.memory_space<hbm>> -> memref<128xi32, #tpu.memory_space<hbm>>
        %dma_wait3A_400 = arith.constant 0 : i32
        %dma_wait3A_401 = tpu.memref_slice %arg9[%run_scoped3A, %dma_wait3A_400] : memref<2x128xi32, #tpu.memory_space<vmem>> -> memref<1x128xi32, #tpu.memory_space<vmem>>
        %dma_wait3A_402 = tpu.memref_squeeze %dma_wait3A_401 : memref<1x128xi32, #tpu.memory_space<vmem>> -> memref<128xi32, #tpu.memory_space<vmem>>
        %dma_wait3A_403 = arith.constant 0 : i32
        %dma_wait3A_404 = tpu.memref_slice %arg2[%add3A, %scan3A_37, %dma_wait3A_403] : memref<32x81x128xi32, #tpu.memory_space<hbm>> -> memref<1x1x128xi32, #tpu.memory_space<hbm>>
        %dma_wait3A_405 = tpu.memref_squeeze %dma_wait3A_404 : memref<1x1x128xi32, #tpu.memory_space<hbm>> -> memref<128xi32, #tpu.memory_space<hbm>>
        tpu.wait_dma2 semaphore(%run_scoped3A_381 : memref<!tpu.dma_semaphore, #tpu.memory_space<semaphore_mem>>) src(%dma_wait3A_405 : memref<128xi32, #tpu.memory_space<hbm>>) dst(%dma_wait3A_402 : memref<128xi32, #tpu.memory_space<vmem>>)
        tpu.yield
      }) : () -> ()
      %run_scoped3A_39 = arith.constant 1 : i32
      "tpu.region"() ({
        %run_scoped3A_381 = tpu.sem_alloc : memref<!tpu.dma_semaphore, #tpu.memory_space<semaphore_mem>>
        %dma_start3A_382 = arith.constant 0 : i32
        %dma_start3A_383 = tpu.memref_slice %arg9[%run_scoped3A_39, %dma_start3A_382] : memref<2x128xi32, #tpu.memory_space<vmem>> -> memref<1x128xi32, #tpu.memory_space<vmem>>
        %dma_start3A_384 = tpu.memref_squeeze %dma_start3A_383 : memref<1x128xi32, #tpu.memory_space<vmem>> -> memref<128xi32, #tpu.memory_space<vmem>>
        %dma_start3A_385 = arith.constant 0 : i32
        %dma_start3A_386 = tpu.memref_slice %arg3[%add3A, %scan3A_37, %dma_start3A_385] : memref<32x81x128xi32, #tpu.memory_space<hbm>> -> memref<1x1x128xi32, #tpu.memory_space<hbm>>
        %dma_start3A_387 = tpu.memref_squeeze %dma_start3A_386 : memref<1x1x128xi32, #tpu.memory_space<hbm>> -> memref<128xi32, #tpu.memory_space<hbm>>
        %dma_start3A_388 = arith.constant 0 : i32
        %dma_start3A_389 = tpu.memref_slice %arg9[%run_scoped3A_39, %dma_start3A_388] : memref<2x128xi32, #tpu.memory_space<vmem>> -> memref<1x128xi32, #tpu.memory_space<vmem>>
        %dma_start3A_390 = tpu.memref_squeeze %dma_start3A_389 : memref<1x128xi32, #tpu.memory_space<vmem>> -> memref<128xi32, #tpu.memory_space<vmem>>
        %dma_start3A_391 = arith.constant 0 : i32
        %dma_start3A_392 = tpu.memref_slice %arg3[%add3A, %scan3A_37, %dma_start3A_391] : memref<32x81x128xi32, #tpu.memory_space<hbm>> -> memref<1x1x128xi32, #tpu.memory_space<hbm>>
        %dma_start3A_393 = tpu.memref_squeeze %dma_start3A_392 : memref<1x1x128xi32, #tpu.memory_space<hbm>> -> memref<128xi32, #tpu.memory_space<hbm>>
        tpu.enqueue_dma source(%dma_start3A_393 : memref<128xi32, #tpu.memory_space<hbm>>) target(%dma_start3A_390 : memref<128xi32, #tpu.memory_space<vmem>>) target_semaphore(%run_scoped3A_381 : memref<!tpu.dma_semaphore, #tpu.memory_space<semaphore_mem>>)
        %dma_wait3A_394 = arith.constant 0 : i32
        %dma_wait3A_395 = tpu.memref_slice %arg9[%run_scoped3A_39, %dma_wait3A_394] : memref<2x128xi32, #tpu.memory_space<vmem>> -> memref<1x128xi32, #tpu.memory_space<vmem>>
        %dma_wait3A_396 = tpu.memref_squeeze %dma_wait3A_395 : memref<1x128xi32, #tpu.memory_space<vmem>> -> memref<128xi32, #tpu.memory_space<vmem>>
        %dma_wait3A_397 = arith.constant 0 : i32
        %dma_wait3A_398 = tpu.memref_slice %arg3[%add3A, %scan3A_37, %dma_wait3A_397] : memref<32x81x128xi32, #tpu.memory_space<hbm>> -> memref<1x1x128xi32, #tpu.memory_space<hbm>>
        %dma_wait3A_399 = tpu.memref_squeeze %dma_wait3A_398 : memref<1x1x128xi32, #tpu.memory_space<hbm>> -> memref<128xi32, #tpu.memory_space<hbm>>
        %dma_wait3A_400 = arith.constant 0 : i32
        %dma_wait3A_401 = tpu.memref_slice %arg9[%run_scoped3A_39, %dma_wait3A_400] : memref<2x128xi32, #tpu.memory_space<vmem>> -> memref<1x128xi32, #tpu.memory_space<vmem>>
        %dma_wait3A_402 = tpu.memref_squeeze %dma_wait3A_401 : memref<1x128xi32, #tpu.memory_space<vmem>> -> memref<128xi32, #tpu.memory_space<vmem>>
        %dma_wait3A_403 = arith.constant 0 : i32
        %dma_wait3A_404 = tpu.memref_slice %arg3[%add3A, %scan3A_37, %dma_wait3A_403] : memref<32x81x128xi32, #tpu.memory_space<hbm>> -> memref<1x1x128xi32, #tpu.memory_space<hbm>>
        %dma_wait3A_405 = tpu.memref_squeeze %dma_wait3A_404 : memref<1x1x128xi32, #tpu.memory_space<hbm>> -> memref<128xi32, #tpu.memory_space<hbm>>
        tpu.wait_dma2 semaphore(%run_scoped3A_381 : memref<!tpu.dma_semaphore, #tpu.memory_space<semaphore_mem>>) src(%dma_wait3A_405 : memref<128xi32, #tpu.memory_space<hbm>>) dst(%dma_wait3A_402 : memref<128xi32, #tpu.memory_space<vmem>>)
        tpu.yield
      }) : () -> ()
      %dma_start3A = arith.constant 0 : i32
      %dma_start3A_40 = arith.constant 0 : i32
      %dma_start3A_41 = tpu.memref_slice %arg9[%dma_start3A, %dma_start3A_40] : memref<2x128xi32, #tpu.memory_space<vmem>> -> memref<1x128xi32, #tpu.memory_space<vmem>>
      %dma_start3A_42 = tpu.memref_squeeze %dma_start3A_41 : memref<1x128xi32, #tpu.memory_space<vmem>> -> memref<128xi32, #tpu.memory_space<vmem>>
      %dma_start3A_43 = arith.constant 0 : i32
      %dma_start3A_44 = arith.constant 0 : i32
      %dma_start3A_45 = tpu.memref_slice %arg4[%dma_start3A_43, %dma_start3A_44] : memref<10112x128xf32, #tpu.memory_space<hbm>> -> memref<10112x128xf32, #tpu.memory_space<hbm>>
      tpu.enqueue_indirect_dma source(%dma_start3A_45 : memref<10112x128xf32, #tpu.memory_space<hbm>>) target(%arg14 : memref<128x128xf32, #tpu.memory_space<vmem>>) offsets(%dma_start3A_42 : memref<128xi32, #tpu.memory_space<vmem>>) semaphore(%arg16 : memref<!tpu.dma_semaphore, #tpu.memory_space<semaphore_mem>>)
      %get3A = arith.constant 0 : i32
      %get3A_46 = arith.index_cast %get3A : i32 to index
      %get3A_47 = arith.constant 0 : index
      %get3A_48 = tpu.vector_load %arg9[%get3A_46, %get3A_47] {strides = array<i32>} : memref<2x128xi32, #tpu.memory_space<vmem>>, vector<16xi32>,
      %get3A_49 = arith.constant 1 : i32
      %get3A_50 = arith.index_cast %get3A_49 : i32 to index
      %get3A_51 = arith.constant 0 : index
      %get3A_52 = tpu.vector_load %arg9[%get3A_50, %get3A_51] {strides = array<i32>} : memref<2x128xi32, #tpu.memory_space<vmem>>, vector<16xi32>,
      %shift_right_arithmetic3A = arith.constant 7 : i32
      %shift_right_arithmetic3A_53 = vector.broadcast %shift_right_arithmetic3A : i32 to vector<16xi32>
      %shift_right_arithmetic3A_54 = arith.shrsi %get3A_48, %shift_right_arithmetic3A_53 : vector<16xi32>
      %and3A = arith.constant 127 : i32
      %and3A_55 = vector.broadcast %and3A : i32 to vector<16xi32>
      %and3A_56 = arith.andi %get3A_48, %and3A_55 : vector<16xi32>
      %gather3A = tpu.vector_load_idx %arg10[%shift_right_arithmetic3A_54, %and3A_56] : memref<79x128xf32, #tpu.memory_space<vmem>>[vector<16xi32>, vector<16xi32>], vector<16xf32>,
      %shift_right_arithmetic3A_57 = arith.constant 7 : i32
      %shift_right_arithmetic3A_58 = vector.broadcast %shift_right_arithmetic3A_57 : i32 to vector<16xi32>
      %shift_right_arithmetic3A_59 = arith.shrsi %get3A_52, %shift_right_arithmetic3A_58 : vector<16xi32>
      %and3A_60 = arith.constant 127 : i32
      %and3A_61 = vector.broadcast %and3A_60 : i32 to vector<16xi32>
      %and3A_62 = arith.andi %get3A_52, %and3A_61 : vector<16xi32>
      %gather3A_63 = tpu.vector_load_idx %arg11[%shift_right_arithmetic3A_59, %and3A_62] : memref<79x128xf32, #tpu.memory_space<vmem>>[vector<16xi32>, vector<16xi32>], vector<16xf32>,
      %add3A_64 = arith.addf %gather3A, %gather3A_63 : vector<16xf32>
      %gt3A = arith.constant 0.000000e+00 : f32
      %gt3A_65 = vector.broadcast %gt3A : f32 to vector<16xf32>
      %gt3A_66 = arith.cmpf ogt, %add3A_64, %gt3A_65 : vector<16xf32>
      %mul3A_67 = arith.constant 2.000000e-01 : f32
      %mul3A_68 = vector.broadcast %mul3A_67 : f32 to vector<16xf32>
      %mul3A_69 = arith.mulf %mul3A_68, %add3A_64 : vector<16xf32>
      %select_n3A = arith.select %gt3A_66, %add3A_64, %mul3A_69 : vector<16xi1>, vector<16xf32>
      %exp3A = math.exp %select_n3A : vector<16xf32>
      %swap3A = arith.constant 0 : i32
      %swap3A_70 = arith.index_cast %swap3A : i32 to index
      %swap3A_71 = arith.constant 0 : index
      %swap3A_72 = tpu.vector_load %arg13[%swap3A_70, %swap3A_71] {strides = array<i32>} : memref<2x128xf32, #tpu.memory_space<vmem>>, vector<16xf32>,
      tpu.vector_store %arg13[%swap3A_70, %swap3A_71], %exp3A {strides = array<i32>} : memref<2x128xf32, #tpu.memory_space<vmem>>, vector<16xf32>,
      %shift_right_arithmetic3A_73 = arith.constant 7 : i32
      %shift_right_arithmetic3A_74 = vector.broadcast %shift_right_arithmetic3A_73 : i32 to vector<16xi32>
      %shift_right_arithmetic3A_75 = arith.shrsi %get3A_52, %shift_right_arithmetic3A_74 : vector<16xi32>
      %and3A_76 = arith.constant 127 : i32
      %and3A_77 = vector.broadcast %and3A_76 : i32 to vector<16xi32>
      %and3A_78 = arith.andi %get3A_52, %and3A_77 : vector<16xi32>
      tpu.vector_store_idx %arg12[%shift_right_arithmetic3A_75, %and3A_78], %exp3A {add = true} : memref<79x128xf32, #tpu.memory_space<vmem>>[vector<16xi32>, vector<16xi32>], vector<16xf32>,
      %get3A_79 = arith.constant 0 : i32
      %get3A_80 = arith.index_cast %get3A_79 : i32 to index
      %get3A_81 = arith.constant 16 : index
      %get3A_82 = tpu.vector_load %arg9[%get3A_80, %get3A_81] {strides = array<i32>} : memref<2x128xi32, #tpu.memory_space<vmem>>, vector<16xi32>,
      %get3A_83 = arith.constant 1 : i32
      %get3A_84 = arith.index_cast %get3A_83 : i32 to index
      %get3A_85 = arith.constant 16 : index
      %get3A_86 = tpu.vector_load %arg9[%get3A_84, %get3A_85] {strides = array<i32>} : memref<2x128xi32, #tpu.memory_space<vmem>>, vector<16xi32>,
      %shift_right_arithmetic3A_87 = arith.constant 7 : i32
      %shift_right_arithmetic3A_88 = vector.broadcast %shift_right_arithmetic3A_87 : i32 to vector<16xi32>
      %shift_right_arithmetic3A_89 = arith.shrsi %get3A_82, %shift_right_arithmetic3A_88 : vector<16xi32>
      %and3A_90 = arith.constant 127 : i32
      %and3A_91 = vector.broadcast %and3A_90 : i32 to vector<16xi32>
      %and3A_92 = arith.andi %get3A_82, %and3A_91 : vector<16xi32>
      %gather3A_93 = tpu.vector_load_idx %arg10[%shift_right_arithmetic3A_89, %and3A_92] : memref<79x128xf32, #tpu.memory_space<vmem>>[vector<16xi32>, vector<16xi32>], vector<16xf32>,
      %shift_right_arithmetic3A_94 = arith.constant 7 : i32
      %shift_right_arithmetic3A_95 = vector.broadcast %shift_right_arithmetic3A_94 : i32 to vector<16xi32>
      %shift_right_arithmetic3A_96 = arith.shrsi %get3A_86, %shift_right_arithmetic3A_95 : vector<16xi32>
      %and3A_97 = arith.constant 127 : i32
      %and3A_98 = vector.broadcast %and3A_97 : i32 to vector<16xi32>
      %and3A_99 = arith.andi %get3A_86, %and3A_98 : vector<16xi32>
      %gather3A_100 = tpu.vector_load_idx %arg11[%shift_right_arithmetic3A_96, %and3A_99] : memref<79x128xf32, #tpu.memory_space<vmem>>[vector<16xi32>, vector<16xi32>], vector<16xf32>,
      %add3A_101 = arith.addf %gather3A_93, %gather3A_100 : vector<16xf32>
      %gt3A_102 = arith.constant 0.000000e+00 : f32
      %gt3A_103 = vector.broadcast %gt3A_102 : f32 to vector<16xf32>
      %gt3A_104 = arith.cmpf ogt, %add3A_101, %gt3A_103 : vector<16xf32>
      %mul3A_105 = arith.constant 2.000000e-01 : f32
      %mul3A_106 = vector.broadcast %mul3A_105 : f32 to vector<16xf32>
      %mul3A_107 = arith.mulf %mul3A_106, %add3A_101 : vector<16xf32>
      %select_n3A_108 = arith.select %gt3A_104, %add3A_101, %mul3A_107 : vector<16xi1>, vector<16xf32>
      %exp3A_109 = math.exp %select_n3A_108 : vector<16xf32>
      %swap3A_110 = arith.constant 0 : i32
      %swap3A_111 = arith.index_cast %swap3A_110 : i32 to index
      %swap3A_112 = arith.constant 16 : index
      %swap3A_113 = tpu.vector_load %arg13[%swap3A_111, %swap3A_112] {strides = array<i32>} : memref<2x128xf32, #tpu.memory_space<vmem>>, vector<16xf32>,
      tpu.vector_store %arg13[%swap3A_111, %swap3A_112], %exp3A_109 {strides = array<i32>} : memref<2x128xf32, #tpu.memory_space<vmem>>, vector<16xf32>,
      %shift_right_arithmetic3A_114 = arith.constant 7 : i32
      %shift_right_arithmetic3A_115 = vector.broadcast %shift_right_arithmetic3A_114 : i32 to vector<16xi32>
      %shift_right_arithmetic3A_116 = arith.shrsi %get3A_86, %shift_right_arithmetic3A_115 : vector<16xi32>
      %and3A_117 = arith.constant 127 : i32
      %and3A_118 = vector.broadcast %and3A_117 : i32 to vector<16xi32>
      %and3A_119 = arith.andi %get3A_86, %and3A_118 : vector<16xi32>
      tpu.vector_store_idx %arg12[%shift_right_arithmetic3A_116, %and3A_119], %exp3A_109 {add = true} : memref<79x128xf32, #tpu.memory_space<vmem>>[vector<16xi32>, vector<16xi32>], vector<16xf32>,
      %get3A_120 = arith.constant 0 : i32
      %get3A_121 = arith.index_cast %get3A_120 : i32 to index
      %get3A_122 = arith.constant 32 : index
      %get3A_123 = tpu.vector_load %arg9[%get3A_121, %get3A_122] {strides = array<i32>} : memref<2x128xi32, #tpu.memory_space<vmem>>, vector<16xi32>,
      %get3A_124 = arith.constant 1 : i32
      %get3A_125 = arith.index_cast %get3A_124 : i32 to index
      %get3A_126 = arith.constant 32 : index
      %get3A_127 = tpu.vector_load %arg9[%get3A_125, %get3A_126] {strides = array<i32>} : memref<2x128xi32, #tpu.memory_space<vmem>>, vector<16xi32>,
      %shift_right_arithmetic3A_128 = arith.constant 7 : i32
      %shift_right_arithmetic3A_129 = vector.broadcast %shift_right_arithmetic3A_128 : i32 to vector<16xi32>
      %shift_right_arithmetic3A_130 = arith.shrsi %get3A_123, %shift_right_arithmetic3A_129 : vector<16xi32>
      %and3A_131 = arith.constant 127 : i32
      %and3A_132 = vector.broadcast %and3A_131 : i32 to vector<16xi32>
      %and3A_133 = arith.andi %get3A_123, %and3A_132 : vector<16xi32>
      %gather3A_134 = tpu.vector_load_idx %arg10[%shift_right_arithmetic3A_130, %and3A_133] : memref<79x128xf32, #tpu.memory_space<vmem>>[vector<16xi32>, vector<16xi32>], vector<16xf32>,
      %shift_right_arithmetic3A_135 = arith.constant 7 : i32
      %shift_right_arithmetic3A_136 = vector.broadcast %shift_right_arithmetic3A_135 : i32 to vector<16xi32>
      %shift_right_arithmetic3A_137 = arith.shrsi %get3A_127, %shift_right_arithmetic3A_136 : vector<16xi32>
      %and3A_138 = arith.constant 127 : i32
      %and3A_139 = vector.broadcast %and3A_138 : i32 to vector<16xi32>
      %and3A_140 = arith.andi %get3A_127, %and3A_139 : vector<16xi32>
      %gather3A_141 = tpu.vector_load_idx %arg11[%shift_right_arithmetic3A_137, %and3A_140] : memref<79x128xf32, #tpu.memory_space<vmem>>[vector<16xi32>, vector<16xi32>], vector<16xf32>,
      %add3A_142 = arith.addf %gather3A_134, %gather3A_141 : vector<16xf32>
      %gt3A_143 = arith.constant 0.000000e+00 : f32
      %gt3A_144 = vector.broadcast %gt3A_143 : f32 to vector<16xf32>
      %gt3A_145 = arith.cmpf ogt, %add3A_142, %gt3A_144 : vector<16xf32>
      %mul3A_146 = arith.constant 2.000000e-01 : f32
      %mul3A_147 = vector.broadcast %mul3A_146 : f32 to vector<16xf32>
      %mul3A_148 = arith.mulf %mul3A_147, %add3A_142 : vector<16xf32>
      %select_n3A_149 = arith.select %gt3A_145, %add3A_142, %mul3A_148 : vector<16xi1>, vector<16xf32>
      %exp3A_150 = math.exp %select_n3A_149 : vector<16xf32>
      %swap3A_151 = arith.constant 0 : i32
      %swap3A_152 = arith.index_cast %swap3A_151 : i32 to index
      %swap3A_153 = arith.constant 32 : index
      %swap3A_154 = tpu.vector_load %arg13[%swap3A_152, %swap3A_153] {strides = array<i32>} : memref<2x128xf32, #tpu.memory_space<vmem>>, vector<16xf32>,
      tpu.vector_store %arg13[%swap3A_152, %swap3A_153], %exp3A_150 {strides = array<i32>} : memref<2x128xf32, #tpu.memory_space<vmem>>, vector<16xf32>,
      %shift_right_arithmetic3A_155 = arith.constant 7 : i32
      %shift_right_arithmetic3A_156 = vector.broadcast %shift_right_arithmetic3A_155 : i32 to vector<16xi32>
      %shift_right_arithmetic3A_157 = arith.shrsi %get3A_127, %shift_right_arithmetic3A_156 : vector<16xi32>
      %and3A_158 = arith.constant 127 : i32
      %and3A_159 = vector.broadcast %and3A_158 : i32 to vector<16xi32>
      %and3A_160 = arith.andi %get3A_127, %and3A_159 : vector<16xi32>
      tpu.vector_store_idx %arg12[%shift_right_arithmetic3A_157, %and3A_160], %exp3A_150 {add = true} : memref<79x128xf32, #tpu.memory_space<vmem>>[vector<16xi32>, vector<16xi32>], vector<16xf32>,
      %get3A_161 = arith.constant 0 : i32
      %get3A_162 = arith.index_cast %get3A_161 : i32 to index
      %get3A_163 = arith.constant 48 : index
      %get3A_164 = tpu.vector_load %arg9[%get3A_162, %get3A_163] {strides = array<i32>} : memref<2x128xi32, #tpu.memory_space<vmem>>, vector<16xi32>,
      %get3A_165 = arith.constant 1 : i32
      %get3A_166 = arith.index_cast %get3A_165 : i32 to index
      %get3A_167 = arith.constant 48 : index
      %get3A_168 = tpu.vector_load %arg9[%get3A_166, %get3A_167] {strides = array<i32>} : memref<2x128xi32, #tpu.memory_space<vmem>>, vector<16xi32>,
      %shift_right_arithmetic3A_169 = arith.constant 7 : i32
      %shift_right_arithmetic3A_170 = vector.broadcast %shift_right_arithmetic3A_169 : i32 to vector<16xi32>
      %shift_right_arithmetic3A_171 = arith.shrsi %get3A_164, %shift_right_arithmetic3A_170 : vector<16xi32>
      %and3A_172 = arith.constant 127 : i32
      %and3A_173 = vector.broadcast %and3A_172 : i32 to vector<16xi32>
      %and3A_174 = arith.andi %get3A_164, %and3A_173 : vector<16xi32>
      %gather3A_175 = tpu.vector_load_idx %arg10[%shift_right_arithmetic3A_171, %and3A_174] : memref<79x128xf32, #tpu.memory_space<vmem>>[vector<16xi32>, vector<16xi32>], vector<16xf32>,
      %shift_right_arithmetic3A_176 = arith.constant 7 : i32
      %shift_right_arithmetic3A_177 = vector.broadcast %shift_right_arithmetic3A_176 : i32 to vector<16xi32>
      %shift_right_arithmetic3A_178 = arith.shrsi %get3A_168, %shift_right_arithmetic3A_177 : vector<16xi32>
      %and3A_179 = arith.constant 127 : i32
      %and3A_180 = vector.broadcast %and3A_179 : i32 to vector<16xi32>
      %and3A_181 = arith.andi %get3A_168, %and3A_180 : vector<16xi32>
      %gather3A_182 = tpu.vector_load_idx %arg11[%shift_right_arithmetic3A_178, %and3A_181] : memref<79x128xf32, #tpu.memory_space<vmem>>[vector<16xi32>, vector<16xi32>], vector<16xf32>,
      %add3A_183 = arith.addf %gather3A_175, %gather3A_182 : vector<16xf32>
      %gt3A_184 = arith.constant 0.000000e+00 : f32
      %gt3A_185 = vector.broadcast %gt3A_184 : f32 to vector<16xf32>
      %gt3A_186 = arith.cmpf ogt, %add3A_183, %gt3A_185 : vector<16xf32>
      %mul3A_187 = arith.constant 2.000000e-01 : f32
      %mul3A_188 = vector.broadcast %mul3A_187 : f32 to vector<16xf32>
      %mul3A_189 = arith.mulf %mul3A_188, %add3A_183 : vector<16xf32>
      %select_n3A_190 = arith.select %gt3A_186, %add3A_183, %mul3A_189 : vector<16xi1>, vector<16xf32>
      %exp3A_191 = math.exp %select_n3A_190 : vector<16xf32>
      %swap3A_192 = arith.constant 0 : i32
      %swap3A_193 = arith.index_cast %swap3A_192 : i32 to index
      %swap3A_194 = arith.constant 48 : index
      %swap3A_195 = tpu.vector_load %arg13[%swap3A_193, %swap3A_194] {strides = array<i32>} : memref<2x128xf32, #tpu.memory_space<vmem>>, vector<16xf32>,
      tpu.vector_store %arg13[%swap3A_193, %swap3A_194], %exp3A_191 {strides = array<i32>} : memref<2x128xf32, #tpu.memory_space<vmem>>, vector<16xf32>,
      %shift_right_arithmetic3A_196 = arith.constant 7 : i32
      %shift_right_arithmetic3A_197 = vector.broadcast %shift_right_arithmetic3A_196 : i32 to vector<16xi32>
      %shift_right_arithmetic3A_198 = arith.shrsi %get3A_168, %shift_right_arithmetic3A_197 : vector<16xi32>
      %and3A_199 = arith.constant 127 : i32
      %and3A_200 = vector.broadcast %and3A_199 : i32 to vector<16xi32>
      %and3A_201 = arith.andi %get3A_168, %and3A_200 : vector<16xi32>
      tpu.vector_store_idx %arg12[%shift_right_arithmetic3A_198, %and3A_201], %exp3A_191 {add = true} : memref<79x128xf32, #tpu.memory_space<vmem>>[vector<16xi32>, vector<16xi32>], vector<16xf32>,
      %get3A_202 = arith.constant 0 : i32
      %get3A_203 = arith.index_cast %get3A_202 : i32 to index
      %get3A_204 = arith.constant 64 : index
      %get3A_205 = tpu.vector_load %arg9[%get3A_203, %get3A_204] {strides = array<i32>} : memref<2x128xi32, #tpu.memory_space<vmem>>, vector<16xi32>,
      %get3A_206 = arith.constant 1 : i32
      %get3A_207 = arith.index_cast %get3A_206 : i32 to index
      %get3A_208 = arith.constant 64 : index
      %get3A_209 = tpu.vector_load %arg9[%get3A_207, %get3A_208] {strides = array<i32>} : memref<2x128xi32, #tpu.memory_space<vmem>>, vector<16xi32>,
      %shift_right_arithmetic3A_210 = arith.constant 7 : i32
      %shift_right_arithmetic3A_211 = vector.broadcast %shift_right_arithmetic3A_210 : i32 to vector<16xi32>
      %shift_right_arithmetic3A_212 = arith.shrsi %get3A_205, %shift_right_arithmetic3A_211 : vector<16xi32>
      %and3A_213 = arith.constant 127 : i32
      %and3A_214 = vector.broadcast %and3A_213 : i32 to vector<16xi32>
      %and3A_215 = arith.andi %get3A_205, %and3A_214 : vector<16xi32>
      %gather3A_216 = tpu.vector_load_idx %arg10[%shift_right_arithmetic3A_212, %and3A_215] : memref<79x128xf32, #tpu.memory_space<vmem>>[vector<16xi32>, vector<16xi32>], vector<16xf32>,
      %shift_right_arithmetic3A_217 = arith.constant 7 : i32
      %shift_right_arithmetic3A_218 = vector.broadcast %shift_right_arithmetic3A_217 : i32 to vector<16xi32>
      %shift_right_arithmetic3A_219 = arith.shrsi %get3A_209, %shift_right_arithmetic3A_218 : vector<16xi32>
      %and3A_220 = arith.constant 127 : i32
      %and3A_221 = vector.broadcast %and3A_220 : i32 to vector<16xi32>
      %and3A_222 = arith.andi %get3A_209, %and3A_221 : vector<16xi32>
      %gather3A_223 = tpu.vector_load_idx %arg11[%shift_right_arithmetic3A_219, %and3A_222] : memref<79x128xf32, #tpu.memory_space<vmem>>[vector<16xi32>, vector<16xi32>], vector<16xf32>,
      %add3A_224 = arith.addf %gather3A_216, %gather3A_223 : vector<16xf32>
      %gt3A_225 = arith.constant 0.000000e+00 : f32
      %gt3A_226 = vector.broadcast %gt3A_225 : f32 to vector<16xf32>
      %gt3A_227 = arith.cmpf ogt, %add3A_224, %gt3A_226 : vector<16xf32>
      %mul3A_228 = arith.constant 2.000000e-01 : f32
      %mul3A_229 = vector.broadcast %mul3A_228 : f32 to vector<16xf32>
      %mul3A_230 = arith.mulf %mul3A_229, %add3A_224 : vector<16xf32>
      %select_n3A_231 = arith.select %gt3A_227, %add3A_224, %mul3A_230 : vector<16xi1>, vector<16xf32>
      %exp3A_232 = math.exp %select_n3A_231 : vector<16xf32>
      %swap3A_233 = arith.constant 0 : i32
      %swap3A_234 = arith.index_cast %swap3A_233 : i32 to index
      %swap3A_235 = arith.constant 64 : index
      %swap3A_236 = tpu.vector_load %arg13[%swap3A_234, %swap3A_235] {strides = array<i32>} : memref<2x128xf32, #tpu.memory_space<vmem>>, vector<16xf32>,
      tpu.vector_store %arg13[%swap3A_234, %swap3A_235], %exp3A_232 {strides = array<i32>} : memref<2x128xf32, #tpu.memory_space<vmem>>, vector<16xf32>,
      %shift_right_arithmetic3A_237 = arith.constant 7 : i32
      %shift_right_arithmetic3A_238 = vector.broadcast %shift_right_arithmetic3A_237 : i32 to vector<16xi32>
      %shift_right_arithmetic3A_239 = arith.shrsi %get3A_209, %shift_right_arithmetic3A_238 : vector<16xi32>
      %and3A_240 = arith.constant 127 : i32
      %and3A_241 = vector.broadcast %and3A_240 : i32 to vector<16xi32>
      %and3A_242 = arith.andi %get3A_209, %and3A_241 : vector<16xi32>
      tpu.vector_store_idx %arg12[%shift_right_arithmetic3A_239, %and3A_242], %exp3A_232 {add = true} : memref<79x128xf32, #tpu.memory_space<vmem>>[vector<16xi32>, vector<16xi32>], vector<16xf32>,
      %get3A_243 = arith.constant 0 : i32
      %get3A_244 = arith.index_cast %get3A_243 : i32 to index
      %get3A_245 = arith.constant 80 : index
      %get3A_246 = tpu.vector_load %arg9[%get3A_244, %get3A_245] {strides = array<i32>} : memref<2x128xi32, #tpu.memory_space<vmem>>, vector<16xi32>,
      %get3A_247 = arith.constant 1 : i32
      %get3A_248 = arith.index_cast %get3A_247 : i32 to index
      %get3A_249 = arith.constant 80 : index
      %get3A_250 = tpu.vector_load %arg9[%get3A_248, %get3A_249] {strides = array<i32>} : memref<2x128xi32, #tpu.memory_space<vmem>>, vector<16xi32>,
      %shift_right_arithmetic3A_251 = arith.constant 7 : i32
      %shift_right_arithmetic3A_252 = vector.broadcast %shift_right_arithmetic3A_251 : i32 to vector<16xi32>
      %shift_right_arithmetic3A_253 = arith.shrsi %get3A_246, %shift_right_arithmetic3A_252 : vector<16xi32>
      %and3A_254 = arith.constant 127 : i32
      %and3A_255 = vector.broadcast %and3A_254 : i32 to vector<16xi32>
      %and3A_256 = arith.andi %get3A_246, %and3A_255 : vector<16xi32>
      %gather3A_257 = tpu.vector_load_idx %arg10[%shift_right_arithmetic3A_253, %and3A_256] : memref<79x128xf32, #tpu.memory_space<vmem>>[vector<16xi32>, vector<16xi32>], vector<16xf32>,
      %shift_right_arithmetic3A_258 = arith.constant 7 : i32
      %shift_right_arithmetic3A_259 = vector.broadcast %shift_right_arithmetic3A_258 : i32 to vector<16xi32>
      %shift_right_arithmetic3A_260 = arith.shrsi %get3A_250, %shift_right_arithmetic3A_259 : vector<16xi32>
      %and3A_261 = arith.constant 127 : i32
      %and3A_262 = vector.broadcast %and3A_261 : i32 to vector<16xi32>
      %and3A_263 = arith.andi %get3A_250, %and3A_262 : vector<16xi32>
      %gather3A_264 = tpu.vector_load_idx %arg11[%shift_right_arithmetic3A_260, %and3A_263] : memref<79x128xf32, #tpu.memory_space<vmem>>[vector<16xi32>, vector<16xi32>], vector<16xf32>,
      %add3A_265 = arith.addf %gather3A_257, %gather3A_264 : vector<16xf32>
      %gt3A_266 = arith.constant 0.000000e+00 : f32
      %gt3A_267 = vector.broadcast %gt3A_266 : f32 to vector<16xf32>
      %gt3A_268 = arith.cmpf ogt, %add3A_265, %gt3A_267 : vector<16xf32>
      %mul3A_269 = arith.constant 2.000000e-01 : f32
      %mul3A_270 = vector.broadcast %mul3A_269 : f32 to vector<16xf32>
      %mul3A_271 = arith.mulf %mul3A_270, %add3A_265 : vector<16xf32>
      %select_n3A_272 = arith.select %gt3A_268, %add3A_265, %mul3A_271 : vector<16xi1>, vector<16xf32>
      %exp3A_273 = math.exp %select_n3A_272 : vector<16xf32>
      %swap3A_274 = arith.constant 0 : i32
      %swap3A_275 = arith.index_cast %swap3A_274 : i32 to index
      %swap3A_276 = arith.constant 80 : index
      %swap3A_277 = tpu.vector_load %arg13[%swap3A_275, %swap3A_276] {strides = array<i32>} : memref<2x128xf32, #tpu.memory_space<vmem>>, vector<16xf32>,
      tpu.vector_store %arg13[%swap3A_275, %swap3A_276], %exp3A_273 {strides = array<i32>} : memref<2x128xf32, #tpu.memory_space<vmem>>, vector<16xf32>,
      %shift_right_arithmetic3A_278 = arith.constant 7 : i32
      %shift_right_arithmetic3A_279 = vector.broadcast %shift_right_arithmetic3A_278 : i32 to vector<16xi32>
      %shift_right_arithmetic3A_280 = arith.shrsi %get3A_250, %shift_right_arithmetic3A_279 : vector<16xi32>
      %and3A_281 = arith.constant 127 : i32
      %and3A_282 = vector.broadcast %and3A_281 : i32 to vector<16xi32>
      %and3A_283 = arith.andi %get3A_250, %and3A_282 : vector<16xi32>
      tpu.vector_store_idx %arg12[%shift_right_arithmetic3A_280, %and3A_283], %exp3A_273 {add = true} : memref<79x128xf32, #tpu.memory_space<vmem>>[vector<16xi32>, vector<16xi32>], vector<16xf32>,
      %get3A_284 = arith.constant 0 : i32
      %get3A_285 = arith.index_cast %get3A_284 : i32 to index
      %get3A_286 = arith.constant 96 : index
      %get3A_287 = tpu.vector_load %arg9[%get3A_285, %get3A_286] {strides = array<i32>} : memref<2x128xi32, #tpu.memory_space<vmem>>, vector<16xi32>,
      %get3A_288 = arith.constant 1 : i32
      %get3A_289 = arith.index_cast %get3A_288 : i32 to index
      %get3A_290 = arith.constant 96 : index
      %get3A_291 = tpu.vector_load %arg9[%get3A_289, %get3A_290] {strides = array<i32>} : memref<2x128xi32, #tpu.memory_space<vmem>>, vector<16xi32>,
      %shift_right_arithmetic3A_292 = arith.constant 7 : i32
      %shift_right_arithmetic3A_293 = vector.broadcast %shift_right_arithmetic3A_292 : i32 to vector<16xi32>
      %shift_right_arithmetic3A_294 = arith.shrsi %get3A_287, %shift_right_arithmetic3A_293 : vector<16xi32>
      %and3A_295 = arith.constant 127 : i32
      %and3A_296 = vector.broadcast %and3A_295 : i32 to vector<16xi32>
      %and3A_297 = arith.andi %get3A_287, %and3A_296 : vector<16xi32>
      %gather3A_298 = tpu.vector_load_idx %arg10[%shift_right_arithmetic3A_294, %and3A_297] : memref<79x128xf32, #tpu.memory_space<vmem>>[vector<16xi32>, vector<16xi32>], vector<16xf32>,
      %shift_right_arithmetic3A_299 = arith.constant 7 : i32
      %shift_right_arithmetic3A_300 = vector.broadcast %shift_right_arithmetic3A_299 : i32 to vector<16xi32>
      %shift_right_arithmetic3A_301 = arith.shrsi %get3A_291, %shift_right_arithmetic3A_300 : vector<16xi32>
      %and3A_302 = arith.constant 127 : i32
      %and3A_303 = vector.broadcast %and3A_302 : i32 to vector<16xi32>
      %and3A_304 = arith.andi %get3A_291, %and3A_303 : vector<16xi32>
      %gather3A_305 = tpu.vector_load_idx %arg11[%shift_right_arithmetic3A_301, %and3A_304] : memref<79x128xf32, #tpu.memory_space<vmem>>[vector<16xi32>, vector<16xi32>], vector<16xf32>,
      %add3A_306 = arith.addf %gather3A_298, %gather3A_305 : vector<16xf32>
      %gt3A_307 = arith.constant 0.000000e+00 : f32
      %gt3A_308 = vector.broadcast %gt3A_307 : f32 to vector<16xf32>
      %gt3A_309 = arith.cmpf ogt, %add3A_306, %gt3A_308 : vector<16xf32>
      %mul3A_310 = arith.constant 2.000000e-01 : f32
      %mul3A_311 = vector.broadcast %mul3A_310 : f32 to vector<16xf32>
      %mul3A_312 = arith.mulf %mul3A_311, %add3A_306 : vector<16xf32>
      %select_n3A_313 = arith.select %gt3A_309, %add3A_306, %mul3A_312 : vector<16xi1>, vector<16xf32>
      %exp3A_314 = math.exp %select_n3A_313 : vector<16xf32>
      %swap3A_315 = arith.constant 0 : i32
      %swap3A_316 = arith.index_cast %swap3A_315 : i32 to index
      %swap3A_317 = arith.constant 96 : index
      %swap3A_318 = tpu.vector_load %arg13[%swap3A_316, %swap3A_317] {strides = array<i32>} : memref<2x128xf32, #tpu.memory_space<vmem>>, vector<16xf32>,
      tpu.vector_store %arg13[%swap3A_316, %swap3A_317], %exp3A_314 {strides = array<i32>} : memref<2x128xf32, #tpu.memory_space<vmem>>, vector<16xf32>,
      %shift_right_arithmetic3A_319 = arith.constant 7 : i32
      %shift_right_arithmetic3A_320 = vector.broadcast %shift_right_arithmetic3A_319 : i32 to vector<16xi32>
      %shift_right_arithmetic3A_321 = arith.shrsi %get3A_291, %shift_right_arithmetic3A_320 : vector<16xi32>
      %and3A_322 = arith.constant 127 : i32
      %and3A_323 = vector.broadcast %and3A_322 : i32 to vector<16xi32>
      %and3A_324 = arith.andi %get3A_291, %and3A_323 : vector<16xi32>
      tpu.vector_store_idx %arg12[%shift_right_arithmetic3A_321, %and3A_324], %exp3A_314 {add = true} : memref<79x128xf32, #tpu.memory_space<vmem>>[vector<16xi32>, vector<16xi32>], vector<16xf32>,
      %get3A_325 = arith.constant 0 : i32
      %get3A_326 = arith.index_cast %get3A_325 : i32 to index
      %get3A_327 = arith.constant 112 : index
      %get3A_328 = tpu.vector_load %arg9[%get3A_326, %get3A_327] {strides = array<i32>} : memref<2x128xi32, #tpu.memory_space<vmem>>, vector<16xi32>,
      %get3A_329 = arith.constant 1 : i32
      %get3A_330 = arith.index_cast %get3A_329 : i32 to index
      %get3A_331 = arith.constant 112 : index
      %get3A_332 = tpu.vector_load %arg9[%get3A_330, %get3A_331] {strides = array<i32>} : memref<2x128xi32, #tpu.memory_space<vmem>>, vector<16xi32>,
      %shift_right_arithmetic3A_333 = arith.constant 7 : i32
      %shift_right_arithmetic3A_334 = vector.broadcast %shift_right_arithmetic3A_333 : i32 to vector<16xi32>
      %shift_right_arithmetic3A_335 = arith.shrsi %get3A_328, %shift_right_arithmetic3A_334 : vector<16xi32>
      %and3A_336 = arith.constant 127 : i32
      %and3A_337 = vector.broadcast %and3A_336 : i32 to vector<16xi32>
      %and3A_338 = arith.andi %get3A_328, %and3A_337 : vector<16xi32>
      %gather3A_339 = tpu.vector_load_idx %arg10[%shift_right_arithmetic3A_335, %and3A_338] : memref<79x128xf32, #tpu.memory_space<vmem>>[vector<16xi32>, vector<16xi32>], vector<16xf32>,
      %shift_right_arithmetic3A_340 = arith.constant 7 : i32
      %shift_right_arithmetic3A_341 = vector.broadcast %shift_right_arithmetic3A_340 : i32 to vector<16xi32>
      %shift_right_arithmetic3A_342 = arith.shrsi %get3A_332, %shift_right_arithmetic3A_341 : vector<16xi32>
      %and3A_343 = arith.constant 127 : i32
      %and3A_344 = vector.broadcast %and3A_343 : i32 to vector<16xi32>
      %and3A_345 = arith.andi %get3A_332, %and3A_344 : vector<16xi32>
      %gather3A_346 = tpu.vector_load_idx %arg11[%shift_right_arithmetic3A_342, %and3A_345] : memref<79x128xf32, #tpu.memory_space<vmem>>[vector<16xi32>, vector<16xi32>], vector<16xf32>,
      %add3A_347 = arith.addf %gather3A_339, %gather3A_346 : vector<16xf32>
      %gt3A_348 = arith.constant 0.000000e+00 : f32
      %gt3A_349 = vector.broadcast %gt3A_348 : f32 to vector<16xf32>
      %gt3A_350 = arith.cmpf ogt, %add3A_347, %gt3A_349 : vector<16xf32>
      %mul3A_351 = arith.constant 2.000000e-01 : f32
      %mul3A_352 = vector.broadcast %mul3A_351 : f32 to vector<16xf32>
      %mul3A_353 = arith.mulf %mul3A_352, %add3A_347 : vector<16xf32>
      %select_n3A_354 = arith.select %gt3A_350, %add3A_347, %mul3A_353 : vector<16xi1>, vector<16xf32>
      %exp3A_355 = math.exp %select_n3A_354 : vector<16xf32>
      %swap3A_356 = arith.constant 0 : i32
      %swap3A_357 = arith.index_cast %swap3A_356 : i32 to index
      %swap3A_358 = arith.constant 112 : index
      %swap3A_359 = tpu.vector_load %arg13[%swap3A_357, %swap3A_358] {strides = array<i32>} : memref<2x128xf32, #tpu.memory_space<vmem>>, vector<16xf32>,
      tpu.vector_store %arg13[%swap3A_357, %swap3A_358], %exp3A_355 {strides = array<i32>} : memref<2x128xf32, #tpu.memory_space<vmem>>, vector<16xf32>,
      %shift_right_arithmetic3A_360 = arith.constant 7 : i32
      %shift_right_arithmetic3A_361 = vector.broadcast %shift_right_arithmetic3A_360 : i32 to vector<16xi32>
      %shift_right_arithmetic3A_362 = arith.shrsi %get3A_332, %shift_right_arithmetic3A_361 : vector<16xi32>
      %and3A_363 = arith.constant 127 : i32
      %and3A_364 = vector.broadcast %and3A_363 : i32 to vector<16xi32>
      %and3A_365 = arith.andi %get3A_332, %and3A_364 : vector<16xi32>
      tpu.vector_store_idx %arg12[%shift_right_arithmetic3A_362, %and3A_365], %exp3A_355 {add = true} : memref<79x128xf32, #tpu.memory_space<vmem>>[vector<16xi32>, vector<16xi32>], vector<16xf32>,
      %dma_wait3A = arith.constant 0 : i32
      %dma_wait3A_366 = arith.constant 0 : i32
      %dma_wait3A_367 = tpu.memref_slice %arg9[%dma_wait3A, %dma_wait3A_366] : memref<2x128xi32, #tpu.memory_space<vmem>> -> memref<1x128xi32, #tpu.memory_space<vmem>>
      %dma_wait3A_368 = tpu.memref_squeeze %dma_wait3A_367 : memref<1x128xi32, #tpu.memory_space<vmem>> -> memref<128xi32, #tpu.memory_space<vmem>>
      %dma_wait3A_369 = arith.constant 0 : i32
      %dma_wait3A_370 = arith.constant 0 : i32
      %dma_wait3A_371 = tpu.memref_slice %arg4[%dma_wait3A_369, %dma_wait3A_370] : memref<10112x128xf32, #tpu.memory_space<hbm>> -> memref<10112x128xf32, #tpu.memory_space<hbm>>
      tpu.wait_indirect_dma semaphore(%arg16 : memref<!tpu.dma_semaphore, #tpu.memory_space<semaphore_mem>>) src(%dma_wait3A_371 : memref<10112x128xf32, #tpu.memory_space<hbm>>) dst(%arg14 : memref<128x128xf32, #tpu.memory_space<vmem>>)
      %scan3A_372 = arith.constant 0 : i32
      %scan3A_373 = arith.constant 0 : i32
      %scan3A_374 = arith.constant 64 : i32
      %scan3A_375 = arith.addi %scan3A_373, %scan3A_374 : i32
      %scan3A_376 = arith.constant 1 : i32
      %scan3A_377 = scf.for %scan3A_381 = %scan3A_373 to %scan3A_375 step %scan3A_376 iter_args(%scan3A_382 = %scan3A_372) -> (i32)  : i32 {
        %mul3A_383 = arith.constant 2 : i32
        %mul3A_384 = arith.muli %mul3A_383, %scan3A_381 : i32
        %add3A_385 = arith.constant 0 : i32
        %add3A_386 = arith.addi %mul3A_384, %add3A_385 : i32
        %add3A_387 = vector.broadcast %add3A_386 : i32 to vector<16xi32>
        %add3A_388 = arith.addi %broadcast_in_dim3A_3, %add3A_387 : vector<16xi32>
        %gather3A_389 = tpu.vector_load_idx %arg13[%broadcast_in_dim3A_3, %add3A_388] : memref<2x128xf32, #tpu.memory_space<vmem>>[vector<16xi32>, vector<16xi32>], vector<16xf32>,
        %get3A_390 = arith.index_cast %add3A_386 : i32 to index
        %get3A_391 = arith.constant 0 : index
        %get3A_392 = tpu.vector_load %arg14[%get3A_390, %get3A_391] {strides = array<i32>} : memref<128x128xf32, #tpu.memory_space<vmem>>, vector<16xf32>,
        %mul3A_393 = arith.mulf %get3A_392, %gather3A_389 : vector<16xf32>
        %swap3A_394 = arith.index_cast %add3A_386 : i32 to index
        %swap3A_395 = arith.constant 0 : index
        %swap3A_396 = tpu.vector_load %arg14[%swap3A_394, %swap3A_395] {strides = array<i32>} : memref<128x128xf32, #tpu.memory_space<vmem>>, vector<16xf32>,
        tpu.vector_store %arg14[%swap3A_394, %swap3A_395], %mul3A_393 {strides = array<i32>} : memref<128x128xf32, #tpu.memory_space<vmem>>, vector<16xf32>,
        %get3A_397 = arith.index_cast %add3A_386 : i32 to index
        %get3A_398 = arith.constant 16 : index
        %get3A_399 = tpu.vector_load %arg14[%get3A_397, %get3A_398] {strides = array<i32>} : memref<128x128xf32, #tpu.memory_space<vmem>>, vector<16xf32>,
        %mul3A_400 = arith.mulf %get3A_399, %gather3A_389 : vector<16xf32>
        %swap3A_401 = arith.index_cast %add3A_386 : i32 to index
        %swap3A_402 = arith.constant 16 : index
        %swap3A_403 = tpu.vector_load %arg14[%swap3A_401, %swap3A_402] {strides = array<i32>} : memref<128x128xf32, #tpu.memory_space<vmem>>, vector<16xf32>,
        tpu.vector_store %arg14[%swap3A_401, %swap3A_402], %mul3A_400 {strides = array<i32>} : memref<128x128xf32, #tpu.memory_space<vmem>>, vector<16xf32>,
        %get3A_404 = arith.index_cast %add3A_386 : i32 to index
        %get3A_405 = arith.constant 32 : index
        %get3A_406 = tpu.vector_load %arg14[%get3A_404, %get3A_405] {strides = array<i32>} : memref<128x128xf32, #tpu.memory_space<vmem>>, vector<16xf32>,
        %mul3A_407 = arith.mulf %get3A_406, %gather3A_389 : vector<16xf32>
        %swap3A_408 = arith.index_cast %add3A_386 : i32 to index
        %swap3A_409 = arith.constant 32 : index
        %swap3A_410 = tpu.vector_load %arg14[%swap3A_408, %swap3A_409] {strides = array<i32>} : memref<128x128xf32, #tpu.memory_space<vmem>>, vector<16xf32>,
        tpu.vector_store %arg14[%swap3A_408, %swap3A_409], %mul3A_407 {strides = array<i32>} : memref<128x128xf32, #tpu.memory_space<vmem>>, vector<16xf32>,
        %get3A_411 = arith.index_cast %add3A_386 : i32 to index
        %get3A_412 = arith.constant 48 : index
        %get3A_413 = tpu.vector_load %arg14[%get3A_411, %get3A_412] {strides = array<i32>} : memref<128x128xf32, #tpu.memory_space<vmem>>, vector<16xf32>,
        %mul3A_414 = arith.mulf %get3A_413, %gather3A_389 : vector<16xf32>
        %swap3A_415 = arith.index_cast %add3A_386 : i32 to index
        %swap3A_416 = arith.constant 48 : index
        %swap3A_417 = tpu.vector_load %arg14[%swap3A_415, %swap3A_416] {strides = array<i32>} : memref<128x128xf32, #tpu.memory_space<vmem>>, vector<16xf32>,
        tpu.vector_store %arg14[%swap3A_415, %swap3A_416], %mul3A_414 {strides = array<i32>} : memref<128x128xf32, #tpu.memory_space<vmem>>, vector<16xf32>,
        %get3A_418 = arith.index_cast %add3A_386 : i32 to index
        %get3A_419 = arith.constant 64 : index
        %get3A_420 = tpu.vector_load %arg14[%get3A_418, %get3A_419] {strides = array<i32>} : memref<128x128xf32, #tpu.memory_space<vmem>>, vector<16xf32>,
        %mul3A_421 = arith.mulf %get3A_420, %gather3A_389 : vector<16xf32>
        %swap3A_422 = arith.index_cast %add3A_386 : i32 to index
        %swap3A_423 = arith.constant 64 : index
        %swap3A_424 = tpu.vector_load %arg14[%swap3A_422, %swap3A_423] {strides = array<i32>} : memref<128x128xf32, #tpu.memory_space<vmem>>, vector<16xf32>,
        tpu.vector_store %arg14[%swap3A_422, %swap3A_423], %mul3A_421 {strides = array<i32>} : memref<128x128xf32, #tpu.memory_space<vmem>>, vector<16xf32>,
        %get3A_425 = arith.index_cast %add3A_386 : i32 to index
        %get3A_426 = arith.constant 80 : index
        %get3A_427 = tpu.vector_load %arg14[%get3A_425, %get3A_426] {strides = array<i32>} : memref<128x128xf32, #tpu.memory_space<vmem>>, vector<16xf32>,
        %mul3A_428 = arith.mulf %get3A_427, %gather3A_389 : vector<16xf32>
        %swap3A_429 = arith.index_cast %add3A_386 : i32 to index
        %swap3A_430 = arith.constant 80 : index
        %swap3A_431 = tpu.vector_load %arg14[%swap3A_429, %swap3A_430] {strides = array<i32>} : memref<128x128xf32, #tpu.memory_space<vmem>>, vector<16xf32>,
        tpu.vector_store %arg14[%swap3A_429, %swap3A_430], %mul3A_428 {strides = array<i32>} : memref<128x128xf32, #tpu.memory_space<vmem>>, vector<16xf32>,
        %get3A_432 = arith.index_cast %add3A_386 : i32 to index
        %get3A_433 = arith.constant 96 : index
        %get3A_434 = tpu.vector_load %arg14[%get3A_432, %get3A_433] {strides = array<i32>} : memref<128x128xf32, #tpu.memory_space<vmem>>, vector<16xf32>,
        %mul3A_435 = arith.mulf %get3A_434, %gather3A_389 : vector<16xf32>
        %swap3A_436 = arith.index_cast %add3A_386 : i32 to index
        %swap3A_437 = arith.constant 96 : index
        %swap3A_438 = tpu.vector_load %arg14[%swap3A_436, %swap3A_437] {strides = array<i32>} : memref<128x128xf32, #tpu.memory_space<vmem>>, vector<16xf32>,
        tpu.vector_store %arg14[%swap3A_436, %swap3A_437], %mul3A_435 {strides = array<i32>} : memref<128x128xf32, #tpu.memory_space<vmem>>, vector<16xf32>,
        %get3A_439 = arith.index_cast %add3A_386 : i32 to index
        %get3A_440 = arith.constant 112 : index
        %get3A_441 = tpu.vector_load %arg14[%get3A_439, %get3A_440] {strides = array<i32>} : memref<128x128xf32, #tpu.memory_space<vmem>>, vector<16xf32>,
        %mul3A_442 = arith.mulf %get3A_441, %gather3A_389 : vector<16xf32>
        %swap3A_443 = arith.index_cast %add3A_386 : i32 to index
        %swap3A_444 = arith.constant 112 : index
        %swap3A_445 = tpu.vector_load %arg14[%swap3A_443, %swap3A_444] {strides = array<i32>} : memref<128x128xf32, #tpu.memory_space<vmem>>, vector<16xf32>,
        tpu.vector_store %arg14[%swap3A_443, %swap3A_444], %mul3A_442 {strides = array<i32>} : memref<128x128xf32, #tpu.memory_space<vmem>>, vector<16xf32>,
        %mul3A_446 = arith.constant 2 : i32
        %mul3A_447 = arith.muli %mul3A_446, %scan3A_381 : i32
        %add3A_448 = arith.constant 1 : i32
        %add3A_449 = arith.addi %mul3A_447, %add3A_448 : i32
        %add3A_450 = vector.broadcast %add3A_449 : i32 to vector<16xi32>
        %add3A_451 = arith.addi %broadcast_in_dim3A_3, %add3A_450 : vector<16xi32>
        %gather3A_452 = tpu.vector_load_idx %arg13[%broadcast_in_dim3A_3, %add3A_451] : memref<2x128xf32, #tpu.memory_space<vmem>>[vector<16xi32>, vector<16xi32>], vector<16xf32>,
        %get3A_453 = arith.index_cast %add3A_449 : i32 to index
        %get3A_454 = arith.constant 0 : index
        %get3A_455 = tpu.vector_load %arg14[%get3A_453, %get3A_454] {strides = array<i32>} : memref<128x128xf32, #tpu.memory_space<vmem>>, vector<16xf32>,
        %mul3A_456 = arith.mulf %get3A_455, %gather3A_452 : vector<16xf32>
        %swap3A_457 = arith.index_cast %add3A_449 : i32 to index
        %swap3A_458 = arith.constant 0 : index
        %swap3A_459 = tpu.vector_load %arg14[%swap3A_457, %swap3A_458] {strides = array<i32>} : memref<128x128xf32, #tpu.memory_space<vmem>>, vector<16xf32>,
        tpu.vector_store %arg14[%swap3A_457, %swap3A_458], %mul3A_456 {strides = array<i32>} : memref<128x128xf32, #tpu.memory_space<vmem>>, vector<16xf32>,
        %get3A_460 = arith.index_cast %add3A_449 : i32 to index
        %get3A_461 = arith.constant 16 : index
        %get3A_462 = tpu.vector_load %arg14[%get3A_460, %get3A_461] {strides = array<i32>} : memref<128x128xf32, #tpu.memory_space<vmem>>, vector<16xf32>,
        %mul3A_463 = arith.mulf %get3A_462, %gather3A_452 : vector<16xf32>
        %swap3A_464 = arith.index_cast %add3A_449 : i32 to index
        %swap3A_465 = arith.constant 16 : index
        %swap3A_466 = tpu.vector_load %arg14[%swap3A_464, %swap3A_465] {strides = array<i32>} : memref<128x128xf32, #tpu.memory_space<vmem>>, vector<16xf32>,
        tpu.vector_store %arg14[%swap3A_464, %swap3A_465], %mul3A_463 {strides = array<i32>} : memref<128x128xf32, #tpu.memory_space<vmem>>, vector<16xf32>,
        %get3A_467 = arith.index_cast %add3A_449 : i32 to index
        %get3A_468 = arith.constant 32 : index
        %get3A_469 = tpu.vector_load %arg14[%get3A_467, %get3A_468] {strides = array<i32>} : memref<128x128xf32, #tpu.memory_space<vmem>>, vector<16xf32>,
        %mul3A_470 = arith.mulf %get3A_469, %gather3A_452 : vector<16xf32>
        %swap3A_471 = arith.index_cast %add3A_449 : i32 to index
        %swap3A_472 = arith.constant 32 : index
        %swap3A_473 = tpu.vector_load %arg14[%swap3A_471, %swap3A_472] {strides = array<i32>} : memref<128x128xf32, #tpu.memory_space<vmem>>, vector<16xf32>,
        tpu.vector_store %arg14[%swap3A_471, %swap3A_472], %mul3A_470 {strides = array<i32>} : memref<128x128xf32, #tpu.memory_space<vmem>>, vector<16xf32>,
        %get3A_474 = arith.index_cast %add3A_449 : i32 to index
        %get3A_475 = arith.constant 48 : index
        %get3A_476 = tpu.vector_load %arg14[%get3A_474, %get3A_475] {strides = array<i32>} : memref<128x128xf32, #tpu.memory_space<vmem>>, vector<16xf32>,
        %mul3A_477 = arith.mulf %get3A_476, %gather3A_452 : vector<16xf32>
        %swap3A_478 = arith.index_cast %add3A_449 : i32 to index
        %swap3A_479 = arith.constant 48 : index
        %swap3A_480 = tpu.vector_load %arg14[%swap3A_478, %swap3A_479] {strides = array<i32>} : memref<128x128xf32, #tpu.memory_space<vmem>>, vector<16xf32>,
        tpu.vector_store %arg14[%swap3A_478, %swap3A_479], %mul3A_477 {strides = array<i32>} : memref<128x128xf32, #tpu.memory_space<vmem>>, vector<16xf32>,
        %get3A_481 = arith.index_cast %add3A_449 : i32 to index
        %get3A_482 = arith.constant 64 : index
        %get3A_483 = tpu.vector_load %arg14[%get3A_481, %get3A_482] {strides = array<i32>} : memref<128x128xf32, #tpu.memory_space<vmem>>, vector<16xf32>,
        %mul3A_484 = arith.mulf %get3A_483, %gather3A_452 : vector<16xf32>
        %swap3A_485 = arith.index_cast %add3A_449 : i32 to index
        %swap3A_486 = arith.constant 64 : index
        %swap3A_487 = tpu.vector_load %arg14[%swap3A_485, %swap3A_486] {strides = array<i32>} : memref<128x128xf32, #tpu.memory_space<vmem>>, vector<16xf32>,
        tpu.vector_store %arg14[%swap3A_485, %swap3A_486], %mul3A_484 {strides = array<i32>} : memref<128x128xf32, #tpu.memory_space<vmem>>, vector<16xf32>,
        %get3A_488 = arith.index_cast %add3A_449 : i32 to index
        %get3A_489 = arith.constant 80 : index
        %get3A_490 = tpu.vector_load %arg14[%get3A_488, %get3A_489] {strides = array<i32>} : memref<128x128xf32, #tpu.memory_space<vmem>>, vector<16xf32>,
        %mul3A_491 = arith.mulf %get3A_490, %gather3A_452 : vector<16xf32>
        %swap3A_492 = arith.index_cast %add3A_449 : i32 to index
        %swap3A_493 = arith.constant 80 : index
        %swap3A_494 = tpu.vector_load %arg14[%swap3A_492, %swap3A_493] {strides = array<i32>} : memref<128x128xf32, #tpu.memory_space<vmem>>, vector<16xf32>,
        tpu.vector_store %arg14[%swap3A_492, %swap3A_493], %mul3A_491 {strides = array<i32>} : memref<128x128xf32, #tpu.memory_space<vmem>>, vector<16xf32>,
        %get3A_495 = arith.index_cast %add3A_449 : i32 to index
        %get3A_496 = arith.constant 96 : index
        %get3A_497 = tpu.vector_load %arg14[%get3A_495, %get3A_496] {strides = array<i32>} : memref<128x128xf32, #tpu.memory_space<vmem>>, vector<16xf32>,
        %mul3A_498 = arith.mulf %get3A_497, %gather3A_452 : vector<16xf32>
        %swap3A_499 = arith.index_cast %add3A_449 : i32 to index
        %swap3A_500 = arith.constant 96 : index
        %swap3A_501 = tpu.vector_load %arg14[%swap3A_499, %swap3A_500] {strides = array<i32>} : memref<128x128xf32, #tpu.memory_space<vmem>>, vector<16xf32>,
        tpu.vector_store %arg14[%swap3A_499, %swap3A_500], %mul3A_498 {strides = array<i32>} : memref<128x128xf32, #tpu.memory_space<vmem>>, vector<16xf32>,
        %get3A_502 = arith.index_cast %add3A_449 : i32 to index
        %get3A_503 = arith.constant 112 : index
        %get3A_504 = tpu.vector_load %arg14[%get3A_502, %get3A_503] {strides = array<i32>} : memref<128x128xf32, #tpu.memory_space<vmem>>, vector<16xf32>,
        %mul3A_505 = arith.mulf %get3A_504, %gather3A_452 : vector<16xf32>
        %swap3A_506 = arith.index_cast %add3A_449 : i32 to index
        %swap3A_507 = arith.constant 112 : index
        %swap3A_508 = tpu.vector_load %arg14[%swap3A_506, %swap3A_507] {strides = array<i32>} : memref<128x128xf32, #tpu.memory_space<vmem>>, vector<16xf32>,
        tpu.vector_store %arg14[%swap3A_506, %swap3A_507], %mul3A_505 {strides = array<i32>} : memref<128x128xf32, #tpu.memory_space<vmem>>, vector<16xf32>,
        %scan3A_509 = arith.constant 0 : i32
        scf.yield %scan3A_509 : i32
      }
      %scan3A_378 = arith.constant 64 : i32
      %run_scoped3A_379 = arith.constant 1 : i32
      "tpu.region"() ({
        %run_scoped3A_381 = tpu.sem_alloc : memref<!tpu.dma_semaphore, #tpu.memory_space<semaphore_mem>>
        %dma_start3A_382 = arith.constant 0 : i32
        %dma_start3A_383 = tpu.memref_slice %arg9[%run_scoped3A_379, %dma_start3A_382] : memref<2x128xi32, #tpu.memory_space<vmem>> -> memref<1x128xi32, #tpu.memory_space<vmem>>
        %dma_start3A_384 = tpu.memref_squeeze %dma_start3A_383 : memref<1x128xi32, #tpu.memory_space<vmem>> -> memref<128xi32, #tpu.memory_space<vmem>>
        %dma_start3A_385 = arith.constant 0 : i32
        %dma_start3A_386 = arith.constant 0 : i32
        %dma_start3A_387 = tpu.memref_slice %arg15[%dma_start3A_385, %dma_start3A_386] : memref<10112x128xf32, #tpu.memory_space<vmem_shared>> -> memref<10112x128xf32, #tpu.memory_space<vmem_shared>>
        tpu.enqueue_indirect_dma source(%arg14 : memref<128x128xf32, #tpu.memory_space<vmem>>) target(%dma_start3A_387 : memref<10112x128xf32, #tpu.memory_space<vmem_shared>>) offsets(%dma_start3A_384 : memref<128xi32, #tpu.memory_space<vmem>>) semaphore(%run_scoped3A_381 : memref<!tpu.dma_semaphore, #tpu.memory_space<semaphore_mem>>) {add = true}
        %dma_wait3A_388 = arith.constant 0 : i32
        %dma_wait3A_389 = tpu.memref_slice %arg9[%run_scoped3A_379, %dma_wait3A_388] : memref<2x128xi32, #tpu.memory_space<vmem>> -> memref<1x128xi32, #tpu.memory_space<vmem>>
        %dma_wait3A_390 = tpu.memref_squeeze %dma_wait3A_389 : memref<1x128xi32, #tpu.memory_space<vmem>> -> memref<128xi32, #tpu.memory_space<vmem>>
        %dma_wait3A_391 = arith.constant 0 : i32
        %dma_wait3A_392 = arith.constant 0 : i32
        %dma_wait3A_393 = tpu.memref_slice %arg15[%dma_wait3A_391, %dma_wait3A_392] : memref<10112x128xf32, #tpu.memory_space<vmem_shared>> -> memref<10112x128xf32, #tpu.memory_space<vmem_shared>>
        tpu.wait_indirect_dma semaphore(%run_scoped3A_381 : memref<!tpu.dma_semaphore, #tpu.memory_space<semaphore_mem>>) src(%arg14 : memref<128x128xf32, #tpu.memory_space<vmem>>) dst(%dma_wait3A_393 : memref<10112x128xf32, #tpu.memory_space<vmem_shared>>)
        tpu.yield
      }) : () -> ()
      %scan3A_380 = arith.constant 0 : i32
      scf.yield %scan3A_380 : i32
    }
    %scan3A_35 = arith.constant 81 : i32
    %barrier3A_36 = arith.constant 0 : index
    tpu.barrier barrier_id(%barrier3A_36)
    "tpu.region"() ({
      %run_scoped3A = tpu.sem_alloc : memref<!tpu.dma_semaphore, #tpu.memory_space<semaphore_mem>>
      %dma_start3A = arith.constant 0 : i32
      %dma_start3A_37 = arith.constant 0 : i32
      %dma_start3A_38 = tpu.memref_slice %arg8[%add3A, %dma_start3A, %dma_start3A_37] : memref<32x79x128xf32, #tpu.memory_space<hbm>> -> memref<1x79x128xf32, #tpu.memory_space<hbm>>
      %dma_start3A_39 = tpu.memref_squeeze %dma_start3A_38 : memref<1x79x128xf32, #tpu.memory_space<hbm>> -> memref<79x128xf32, #tpu.memory_space<hbm>>
      %dma_start3A_40 = arith.constant 0 : i32
      %dma_start3A_41 = arith.constant 0 : i32
      %dma_start3A_42 = tpu.memref_slice %arg8[%add3A, %dma_start3A_40, %dma_start3A_41] : memref<32x79x128xf32, #tpu.memory_space<hbm>> -> memref<1x79x128xf32, #tpu.memory_space<hbm>>
      %dma_start3A_43 = tpu.memref_squeeze %dma_start3A_42 : memref<1x79x128xf32, #tpu.memory_space<hbm>> -> memref<79x128xf32, #tpu.memory_space<hbm>>
      tpu.enqueue_dma source(%arg12 : memref<79x128xf32, #tpu.memory_space<vmem>>) target(%dma_start3A_43 : memref<79x128xf32, #tpu.memory_space<hbm>>) target_semaphore(%run_scoped3A : memref<!tpu.dma_semaphore, #tpu.memory_space<semaphore_mem>>)
      %dma_wait3A = arith.constant 0 : i32
      %dma_wait3A_44 = arith.constant 0 : i32
      %dma_wait3A_45 = tpu.memref_slice %arg8[%add3A, %dma_wait3A, %dma_wait3A_44] : memref<32x79x128xf32, #tpu.memory_space<hbm>> -> memref<1x79x128xf32, #tpu.memory_space<hbm>>
      %dma_wait3A_46 = tpu.memref_squeeze %dma_wait3A_45 : memref<1x79x128xf32, #tpu.memory_space<hbm>> -> memref<79x128xf32, #tpu.memory_space<hbm>>
      %dma_wait3A_47 = arith.constant 0 : i32
      %dma_wait3A_48 = arith.constant 0 : i32
      %dma_wait3A_49 = tpu.memref_slice %arg8[%add3A, %dma_wait3A_47, %dma_wait3A_48] : memref<32x79x128xf32, #tpu.memory_space<hbm>> -> memref<1x79x128xf32, #tpu.memory_space<hbm>>
      %dma_wait3A_50 = tpu.memref_squeeze %dma_wait3A_49 : memref<1x79x128xf32, #tpu.memory_space<hbm>> -> memref<79x128xf32, #tpu.memory_space<hbm>>
      tpu.wait_dma2 semaphore(%run_scoped3A : memref<!tpu.dma_semaphore, #tpu.memory_space<semaphore_mem>>) src(%arg12 : memref<79x128xf32, #tpu.memory_space<vmem>>) dst(%dma_wait3A_50 : memref<79x128xf32, #tpu.memory_space<hbm>>)
      tpu.yield
    }) : () -> ()
    "tpu.region"() ({
      %run_scoped3A = tpu.sem_alloc : memref<!tpu.dma_semaphore, #tpu.memory_space<semaphore_mem>>
      %dma_start3A = arith.constant 0 : i32
      %dma_start3A_37 = tpu.memref_slice %arg7[%arg0, %mul3A_11, %dma_start3A] : memref<2x10112x128xf32, #tpu.memory_space<hbm>> -> memref<1x632x128xf32, #tpu.memory_space<hbm>>
      %dma_start3A_38 = tpu.memref_squeeze %dma_start3A_37 : memref<1x632x128xf32, #tpu.memory_space<hbm>> -> memref<632x128xf32, #tpu.memory_space<hbm>>
      %dma_start3A_39 = arith.constant 0 : i32
      %dma_start3A_40 = tpu.memref_slice %arg15[%mul3A_11, %dma_start3A_39] : memref<10112x128xf32, #tpu.memory_space<vmem_shared>> -> memref<632x128xf32, #tpu.memory_space<vmem_shared>>
      tpu.enqueue_dma source(%dma_start3A_40 : memref<632x128xf32, #tpu.memory_space<vmem_shared>>) target(%dma_start3A_38 : memref<632x128xf32, #tpu.memory_space<hbm>>) target_semaphore(%run_scoped3A : memref<!tpu.dma_semaphore, #tpu.memory_space<semaphore_mem>>)
      %dma_wait3A = arith.constant 0 : i32
      %dma_wait3A_41 = tpu.memref_slice %arg7[%arg0, %mul3A_11, %dma_wait3A] : memref<2x10112x128xf32, #tpu.memory_space<hbm>> -> memref<1x632x128xf32, #tpu.memory_space<hbm>>
      %dma_wait3A_42 = tpu.memref_squeeze %dma_wait3A_41 : memref<1x632x128xf32, #tpu.memory_space<hbm>> -> memref<632x128xf32, #tpu.memory_space<hbm>>
      %dma_wait3A_43 = arith.constant 0 : i32
      %dma_wait3A_44 = tpu.memref_slice %arg15[%mul3A_11, %dma_wait3A_43] : memref<10112x128xf32, #tpu.memory_space<vmem_shared>> -> memref<632x128xf32, #tpu.memory_space<vmem_shared>>
      tpu.wait_dma2 semaphore(%run_scoped3A : memref<!tpu.dma_semaphore, #tpu.memory_space<semaphore_mem>>) src(%dma_wait3A_44 : memref<632x128xf32, #tpu.memory_space<vmem_shared>>) dst(%dma_wait3A_42 : memref<632x128xf32, #tpu.memory_space<hbm>>)
      tpu.yield
    }) : () -> ()
    return
  }
}

#map = affine_map<(d0, d1) -> (0, 0, 0)>
#map1 = affine_map<(d0, d1) -> (0, 0)>
module attributes {stable_mosaic.version = 14 : i64} {
  func.func @_edge_kernel(%arg0: i32, %arg1: i32, %arg2: memref<32x81x128xi32, #tpu.memory_space<hbm>>, %arg3: memref<32x81x128xi32, #tpu.memory_space<hbm>>, %arg4: memref<10112x128xf32, #tpu.memory_space<hbm>>, %arg5: memref<79x128xf32, #tpu.memory_space<hbm>>, %arg6: memref<79x128xf32, #tpu.memory_space<hbm>>, %arg7: memref<2x10112x128xf32, #tpu.memory_space<hbm>>, %arg8: memref<32x79x128xf32, #tpu.memory_space<hbm>>, %arg9: memref<2x128xi32, #tpu.memory_space<vmem>>, %arg10: memref<79x128xf32, #tpu.memory_space<vmem>>, %arg11: memref<79x128xf32, #tpu.memory_space<vmem>>, %arg12: memref<79x128xf32, #tpu.memory_space<vmem>>, %arg13: memref<2x128xf32, #tpu.memory_space<vmem>>, %arg14: memref<128x128xf32, #tpu.memory_space<vmem>>, %arg15: memref<10112x128xf32, #tpu.memory_space<vmem_shared>>, %arg16: memref<!tpu.dma_semaphore, #tpu.memory_space<semaphore_mem>>) attributes {dimension_semantics = [#tpu.dimension_semantics<core_parallel>, #tpu.dimension_semantics<subcore_parallel>], iteration_bounds = array<i64: 2, 16>, scalar_prefetch = 0 : i64, scratch_operands = 8 : i64, tpu.core_type = #tpu.core_type<sc_vector_subcore>, window_params = [{transform_indices = #map}, {transform_indices = #map}, {transform_indices = #map1}, {transform_indices = #map1}, {transform_indices = #map1}, {transform_indices = #map}, {transform_indices = #map}]} {
    %mul3A = arith.constant 16 : i32
    %mul3A_0 = arith.muli %arg0, %mul3A : i32
    %add3A = arith.addi %mul3A_0, %arg1 : i32
    %broadcast_in_dim3A = arith.constant 0.000000e+00 : f32
    %broadcast_in_dim3A_1 = vector.broadcast %broadcast_in_dim3A : f32 to vector<16xf32>
    %broadcast_in_dim3A_2 = arith.constant 0 : i32
    %broadcast_in_dim3A_3 = vector.broadcast %broadcast_in_dim3A_2 : i32 to vector<16xi32>
    %scan3A = arith.constant 0 : i32
    %scan3A_4 = arith.constant 0 : i32
    %scan3A_5 = arith.constant 128 : i32
    %scan3A_6 = arith.addi %scan3A_4, %scan3A_5 : i32
    %scan3A_7 = arith.constant 1 : i32
    %scan3A_8 = scf.for %scan3A_37 = %scan3A_4 to %scan3A_6 step %scan3A_7 iter_args(%scan3A_38 = %scan3A) -> (i32)  : i32 {
      %swap3A = arith.index_cast %scan3A_37 : i32 to index
      %swap3A_39 = arith.constant 0 : index
      %swap3A_40 = tpu.vector_load %arg14[%swap3A, %swap3A_39] {strides = array<i32>} : memref<128x128xf32, #tpu.memory_space<vmem>>, vector<16xf32>,
      tpu.vector_store %arg14[%swap3A, %swap3A_39], %broadcast_in_dim3A_1 {strides = array<i32>} : memref<128x128xf32, #tpu.memory_space<vmem>>, vector<16xf32>,
      %swap3A_41 = arith.index_cast %scan3A_37 : i32 to index
      %swap3A_42 = arith.constant 16 : index
      %swap3A_43 = tpu.vector_load %arg14[%swap3A_41, %swap3A_42] {strides = array<i32>} : memref<128x128xf32, #tpu.memory_space<vmem>>, vector<16xf32>,
      tpu.vector_store %arg14[%swap3A_41, %swap3A_42], %broadcast_in_dim3A_1 {strides = array<i32>} : memref<128x128xf32, #tpu.memory_space<vmem>>, vector<16xf32>,
      %swap3A_44 = arith.index_cast %scan3A_37 : i32 to index
      %swap3A_45 = arith.constant 32 : index
      %swap3A_46 = tpu.vector_load %arg14[%swap3A_44, %swap3A_45] {strides = array<i32>} : memref<128x128xf32, #tpu.memory_space<vmem>>, vector<16xf32>,
      tpu.vector_store %arg14[%swap3A_44, %swap3A_45], %broadcast_in_dim3A_1 {strides = array<i32>} : memref<128x128xf32, #tpu.memory_space<vmem>>, vector<16xf32>,
      %swap3A_47 = arith.index_cast %scan3A_37 : i32 to index
      %swap3A_48 = arith.constant 48 : index
      %swap3A_49 = tpu.vector_load %arg14[%swap3A_47, %swap3A_48] {strides = array<i32>} : memref<128x128xf32, #tpu.memory_space<vmem>>, vector<16xf32>,
      tpu.vector_store %arg14[%swap3A_47, %swap3A_48], %broadcast_in_dim3A_1 {strides = array<i32>} : memref<128x128xf32, #tpu.memory_space<vmem>>, vector<16xf32>,
      %swap3A_50 = arith.index_cast %scan3A_37 : i32 to index
      %swap3A_51 = arith.constant 64 : index
      %swap3A_52 = tpu.vector_load %arg14[%swap3A_50, %swap3A_51] {strides = array<i32>} : memref<128x128xf32, #tpu.memory_space<vmem>>, vector<16xf32>,
      tpu.vector_store %arg14[%swap3A_50, %swap3A_51], %broadcast_in_dim3A_1 {strides = array<i32>} : memref<128x128xf32, #tpu.memory_space<vmem>>, vector<16xf32>,
      %swap3A_53 = arith.index_cast %scan3A_37 : i32 to index
      %swap3A_54 = arith.constant 80 : index
      %swap3A_55 = tpu.vector_load %arg14[%swap3A_53, %swap3A_54] {strides = array<i32>} : memref<128x128xf32, #tpu.memory_space<vmem>>, vector<16xf32>,
      tpu.vector_store %arg14[%swap3A_53, %swap3A_54], %broadcast_in_dim3A_1 {strides = array<i32>} : memref<128x128xf32, #tpu.memory_space<vmem>>, vector<16xf32>,
      %swap3A_56 = arith.index_cast %scan3A_37 : i32 to index
      %swap3A_57 = arith.constant 96 : index
      %swap3A_58 = tpu.vector_load %arg14[%swap3A_56, %swap3A_57] {strides = array<i32>} : memref<128x128xf32, #tpu.memory_space<vmem>>, vector<16xf32>,
      tpu.vector_store %arg14[%swap3A_56, %swap3A_57], %broadcast_in_dim3A_1 {strides = array<i32>} : memref<128x128xf32, #tpu.memory_space<vmem>>, vector<16xf32>,
      %swap3A_59 = arith.index_cast %scan3A_37 : i32 to index
      %swap3A_60 = arith.constant 112 : index
      %swap3A_61 = tpu.vector_load %arg14[%swap3A_59, %swap3A_60] {strides = array<i32>} : memref<128x128xf32, #tpu.memory_space<vmem>>, vector<16xf32>,
      tpu.vector_store %arg14[%swap3A_59, %swap3A_60], %broadcast_in_dim3A_1 {strides = array<i32>} : memref<128x128xf32, #tpu.memory_space<vmem>>, vector<16xf32>,
      %scan3A_62 = arith.constant 0 : i32
      scf.yield %scan3A_62 : i32
    }
    %scan3A_9 = arith.constant 128 : i32
    %mul3A_10 = arith.constant 632 : i32
    %mul3A_11 = arith.muli %arg1, %mul3A_10 : i32
    %add3A_12 = arith.constant 0 : i32
    %add3A_13 = arith.addi %mul3A_11, %add3A_12 : i32
    "tpu.region"() ({
      %run_scoped3A = tpu.sem_alloc : memref<!tpu.dma_semaphore, #tpu.memory_space<semaphore_mem>>
      %dma_start3A = arith.constant 0 : i32
      %dma_start3A_37 = tpu.memref_slice %arg15[%add3A_13, %dma_start3A] : memref<10112x128xf32, #tpu.memory_space<vmem_shared>> -> memref<128x128xf32, #tpu.memory_space<vmem_shared>>
      %dma_start3A_38 = arith.constant 0 : i32
      %dma_start3A_39 = tpu.memref_slice %arg15[%add3A_13, %dma_start3A_38] : memref<10112x128xf32, #tpu.memory_space<vmem_shared>> -> memref<128x128xf32, #tpu.memory_space<vmem_shared>>
      tpu.enqueue_dma source(%arg14 : memref<128x128xf32, #tpu.memory_space<vmem>>) target(%dma_start3A_39 : memref<128x128xf32, #tpu.memory_space<vmem_shared>>) target_semaphore(%run_scoped3A : memref<!tpu.dma_semaphore, #tpu.memory_space<semaphore_mem>>)
      %dma_wait3A = arith.constant 0 : i32
      %dma_wait3A_40 = tpu.memref_slice %arg15[%add3A_13, %dma_wait3A] : memref<10112x128xf32, #tpu.memory_space<vmem_shared>> -> memref<128x128xf32, #tpu.memory_space<vmem_shared>>
      %dma_wait3A_41 = arith.constant 0 : i32
      %dma_wait3A_42 = tpu.memref_slice %arg15[%add3A_13, %dma_wait3A_41] : memref<10112x128xf32, #tpu.memory_space<vmem_shared>> -> memref<128x128xf32, #tpu.memory_space<vmem_shared>>
      tpu.wait_dma2 semaphore(%run_scoped3A : memref<!tpu.dma_semaphore, #tpu.memory_space<semaphore_mem>>) src(%arg14 : memref<128x128xf32, #tpu.memory_space<vmem>>) dst(%dma_wait3A_42 : memref<128x128xf32, #tpu.memory_space<vmem_shared>>)
      tpu.yield
    }) : () -> ()
    %add3A_14 = arith.constant 128 : i32
    %add3A_15 = arith.addi %mul3A_11, %add3A_14 : i32
    "tpu.region"() ({
      %run_scoped3A = tpu.sem_alloc : memref<!tpu.dma_semaphore, #tpu.memory_space<semaphore_mem>>
      %dma_start3A = arith.constant 0 : i32
      %dma_start3A_37 = tpu.memref_slice %arg15[%add3A_15, %dma_start3A] : memref<10112x128xf32, #tpu.memory_space<vmem_shared>> -> memref<128x128xf32, #tpu.memory_space<vmem_shared>>
      %dma_start3A_38 = arith.constant 0 : i32
      %dma_start3A_39 = tpu.memref_slice %arg15[%add3A_15, %dma_start3A_38] : memref<10112x128xf32, #tpu.memory_space<vmem_shared>> -> memref<128x128xf32, #tpu.memory_space<vmem_shared>>
      tpu.enqueue_dma source(%arg14 : memref<128x128xf32, #tpu.memory_space<vmem>>) target(%dma_start3A_39 : memref<128x128xf32, #tpu.memory_space<vmem_shared>>) target_semaphore(%run_scoped3A : memref<!tpu.dma_semaphore, #tpu.memory_space<semaphore_mem>>)
      %dma_wait3A = arith.constant 0 : i32
      %dma_wait3A_40 = tpu.memref_slice %arg15[%add3A_15, %dma_wait3A] : memref<10112x128xf32, #tpu.memory_space<vmem_shared>> -> memref<128x128xf32, #tpu.memory_space<vmem_shared>>
      %dma_wait3A_41 = arith.constant 0 : i32
      %dma_wait3A_42 = tpu.memref_slice %arg15[%add3A_15, %dma_wait3A_41] : memref<10112x128xf32, #tpu.memory_space<vmem_shared>> -> memref<128x128xf32, #tpu.memory_space<vmem_shared>>
      tpu.wait_dma2 semaphore(%run_scoped3A : memref<!tpu.dma_semaphore, #tpu.memory_space<semaphore_mem>>) src(%arg14 : memref<128x128xf32, #tpu.memory_space<vmem>>) dst(%dma_wait3A_42 : memref<128x128xf32, #tpu.memory_space<vmem_shared>>)
      tpu.yield
    }) : () -> ()
    %add3A_16 = arith.constant 256 : i32
    %add3A_17 = arith.addi %mul3A_11, %add3A_16 : i32
    "tpu.region"() ({
      %run_scoped3A = tpu.sem_alloc : memref<!tpu.dma_semaphore, #tpu.memory_space<semaphore_mem>>
      %dma_start3A = arith.constant 0 : i32
      %dma_start3A_37 = tpu.memref_slice %arg15[%add3A_17, %dma_start3A] : memref<10112x128xf32, #tpu.memory_space<vmem_shared>> -> memref<128x128xf32, #tpu.memory_space<vmem_shared>>
      %dma_start3A_38 = arith.constant 0 : i32
      %dma_start3A_39 = tpu.memref_slice %arg15[%add3A_17, %dma_start3A_38] : memref<10112x128xf32, #tpu.memory_space<vmem_shared>> -> memref<128x128xf32, #tpu.memory_space<vmem_shared>>
      tpu.enqueue_dma source(%arg14 : memref<128x128xf32, #tpu.memory_space<vmem>>) target(%dma_start3A_39 : memref<128x128xf32, #tpu.memory_space<vmem_shared>>) target_semaphore(%run_scoped3A : memref<!tpu.dma_semaphore, #tpu.memory_space<semaphore_mem>>)
      %dma_wait3A = arith.constant 0 : i32
      %dma_wait3A_40 = tpu.memref_slice %arg15[%add3A_17, %dma_wait3A] : memref<10112x128xf32, #tpu.memory_space<vmem_shared>> -> memref<128x128xf32, #tpu.memory_space<vmem_shared>>
      %dma_wait3A_41 = arith.constant 0 : i32
      %dma_wait3A_42 = tpu.memref_slice %arg15[%add3A_17, %dma_wait3A_41] : memref<10112x128xf32, #tpu.memory_space<vmem_shared>> -> memref<128x128xf32, #tpu.memory_space<vmem_shared>>
      tpu.wait_dma2 semaphore(%run_scoped3A : memref<!tpu.dma_semaphore, #tpu.memory_space<semaphore_mem>>) src(%arg14 : memref<128x128xf32, #tpu.memory_space<vmem>>) dst(%dma_wait3A_42 : memref<128x128xf32, #tpu.memory_space<vmem_shared>>)
      tpu.yield
    }) : () -> ()
    %add3A_18 = arith.constant 384 : i32
    %add3A_19 = arith.addi %mul3A_11, %add3A_18 : i32
    "tpu.region"() ({
      %run_scoped3A = tpu.sem_alloc : memref<!tpu.dma_semaphore, #tpu.memory_space<semaphore_mem>>
      %dma_start3A = arith.constant 0 : i32
      %dma_start3A_37 = tpu.memref_slice %arg15[%add3A_19, %dma_start3A] : memref<10112x128xf32, #tpu.memory_space<vmem_shared>> -> memref<128x128xf32, #tpu.memory_space<vmem_shared>>
      %dma_start3A_38 = arith.constant 0 : i32
      %dma_start3A_39 = tpu.memref_slice %arg15[%add3A_19, %dma_start3A_38] : memref<10112x128xf32, #tpu.memory_space<vmem_shared>> -> memref<128x128xf32, #tpu.memory_space<vmem_shared>>
      tpu.enqueue_dma source(%arg14 : memref<128x128xf32, #tpu.memory_space<vmem>>) target(%dma_start3A_39 : memref<128x128xf32, #tpu.memory_space<vmem_shared>>) target_semaphore(%run_scoped3A : memref<!tpu.dma_semaphore, #tpu.memory_space<semaphore_mem>>)
      %dma_wait3A = arith.constant 0 : i32
      %dma_wait3A_40 = tpu.memref_slice %arg15[%add3A_19, %dma_wait3A] : memref<10112x128xf32, #tpu.memory_space<vmem_shared>> -> memref<128x128xf32, #tpu.memory_space<vmem_shared>>
      %dma_wait3A_41 = arith.constant 0 : i32
      %dma_wait3A_42 = tpu.memref_slice %arg15[%add3A_19, %dma_wait3A_41] : memref<10112x128xf32, #tpu.memory_space<vmem_shared>> -> memref<128x128xf32, #tpu.memory_space<vmem_shared>>
      tpu.wait_dma2 semaphore(%run_scoped3A : memref<!tpu.dma_semaphore, #tpu.memory_space<semaphore_mem>>) src(%arg14 : memref<128x128xf32, #tpu.memory_space<vmem>>) dst(%dma_wait3A_42 : memref<128x128xf32, #tpu.memory_space<vmem_shared>>)
      tpu.yield
    }) : () -> ()
    %add3A_20 = arith.constant 512 : i32
    %add3A_21 = arith.addi %mul3A_11, %add3A_20 : i32
    "tpu.region"() ({
      %run_scoped3A = tpu.sem_alloc : memref<!tpu.dma_semaphore, #tpu.memory_space<semaphore_mem>>
      %dma_start3A = arith.constant 0 : i32
      %dma_start3A_37 = arith.constant 0 : i32
      %dma_start3A_38 = tpu.memref_slice %arg14[%dma_start3A, %dma_start3A_37] : memref<128x128xf32, #tpu.memory_space<vmem>> -> memref<120x128xf32, #tpu.memory_space<vmem>>
      %dma_start3A_39 = arith.constant 0 : i32
      %dma_start3A_40 = tpu.memref_slice %arg15[%add3A_21, %dma_start3A_39] : memref<10112x128xf32, #tpu.memory_space<vmem_shared>> -> memref<120x128xf32, #tpu.memory_space<vmem_shared>>
      %dma_start3A_41 = arith.constant 0 : i32
      %dma_start3A_42 = tpu.memref_slice %arg15[%add3A_21, %dma_start3A_41] : memref<10112x128xf32, #tpu.memory_space<vmem_shared>> -> memref<120x128xf32, #tpu.memory_space<vmem_shared>>
      %dma_start3A_43 = arith.constant 0 : i32
      %dma_start3A_44 = arith.constant 0 : i32
      %dma_start3A_45 = tpu.memref_slice %arg14[%dma_start3A_43, %dma_start3A_44] : memref<128x128xf32, #tpu.memory_space<vmem>> -> memref<120x128xf32, #tpu.memory_space<vmem>>
      tpu.enqueue_dma source(%dma_start3A_45 : memref<120x128xf32, #tpu.memory_space<vmem>>) target(%dma_start3A_42 : memref<120x128xf32, #tpu.memory_space<vmem_shared>>) target_semaphore(%run_scoped3A : memref<!tpu.dma_semaphore, #tpu.memory_space<semaphore_mem>>)
      %dma_wait3A = arith.constant 0 : i32
      %dma_wait3A_46 = arith.constant 0 : i32
      %dma_wait3A_47 = tpu.memref_slice %arg14[%dma_wait3A, %dma_wait3A_46] : memref<128x128xf32, #tpu.memory_space<vmem>> -> memref<120x128xf32, #tpu.memory_space<vmem>>
      %dma_wait3A_48 = arith.constant 0 : i32
      %dma_wait3A_49 = tpu.memref_slice %arg15[%add3A_21, %dma_wait3A_48] : memref<10112x128xf32, #tpu.memory_space<vmem_shared>> -> memref<120x128xf32, #tpu.memory_space<vmem_shared>>
      %dma_wait3A_50 = arith.constant 0 : i32
      %dma_wait3A_51 = tpu.memref_slice %arg15[%add3A_21, %dma_wait3A_50] : memref<10112x128xf32, #tpu.memory_space<vmem_shared>> -> memref<120x128xf32, #tpu.memory_space<vmem_shared>>
      %dma_wait3A_52 = arith.constant 0 : i32
      %dma_wait3A_53 = arith.constant 0 : i32
      %dma_wait3A_54 = tpu.memref_slice %arg14[%dma_wait3A_52, %dma_wait3A_53] : memref<128x128xf32, #tpu.memory_space<vmem>> -> memref<120x128xf32, #tpu.memory_space<vmem>>
      tpu.wait_dma2 semaphore(%run_scoped3A : memref<!tpu.dma_semaphore, #tpu.memory_space<semaphore_mem>>) src(%dma_wait3A_54 : memref<120x128xf32, #tpu.memory_space<vmem>>) dst(%dma_wait3A_51 : memref<120x128xf32, #tpu.memory_space<vmem_shared>>)
      tpu.yield
    }) : () -> ()
    %scan3A_22 = arith.constant 0 : i32
    %scan3A_23 = arith.constant 0 : i32
    %scan3A_24 = arith.constant 79 : i32
    %scan3A_25 = arith.addi %scan3A_23, %scan3A_24 : i32
    %scan3A_26 = arith.constant 1 : i32
    %scan3A_27 = scf.for %scan3A_37 = %scan3A_23 to %scan3A_25 step %scan3A_26 iter_args(%scan3A_38 = %scan3A_22) -> (i32)  : i32 {
      %swap3A = arith.index_cast %scan3A_37 : i32 to index
      %swap3A_39 = arith.constant 0 : index
      %swap3A_40 = tpu.vector_load %arg12[%swap3A, %swap3A_39] {strides = array<i32>} : memref<79x128xf32, #tpu.memory_space<vmem>>, vector<16xf32>,
      tpu.vector_store %arg12[%swap3A, %swap3A_39], %broadcast_in_dim3A_1 {strides = array<i32>} : memref<79x128xf32, #tpu.memory_space<vmem>>, vector<16xf32>,
      %swap3A_41 = arith.index_cast %scan3A_37 : i32 to index
      %swap3A_42 = arith.constant 16 : index
      %swap3A_43 = tpu.vector_load %arg12[%swap3A_41, %swap3A_42] {strides = array<i32>} : memref<79x128xf32, #tpu.memory_space<vmem>>, vector<16xf32>,
      tpu.vector_store %arg12[%swap3A_41, %swap3A_42], %broadcast_in_dim3A_1 {strides = array<i32>} : memref<79x128xf32, #tpu.memory_space<vmem>>, vector<16xf32>,
      %swap3A_44 = arith.index_cast %scan3A_37 : i32 to index
      %swap3A_45 = arith.constant 32 : index
      %swap3A_46 = tpu.vector_load %arg12[%swap3A_44, %swap3A_45] {strides = array<i32>} : memref<79x128xf32, #tpu.memory_space<vmem>>, vector<16xf32>,
      tpu.vector_store %arg12[%swap3A_44, %swap3A_45], %broadcast_in_dim3A_1 {strides = array<i32>} : memref<79x128xf32, #tpu.memory_space<vmem>>, vector<16xf32>,
      %swap3A_47 = arith.index_cast %scan3A_37 : i32 to index
      %swap3A_48 = arith.constant 48 : index
      %swap3A_49 = tpu.vector_load %arg12[%swap3A_47, %swap3A_48] {strides = array<i32>} : memref<79x128xf32, #tpu.memory_space<vmem>>, vector<16xf32>,
      tpu.vector_store %arg12[%swap3A_47, %swap3A_48], %broadcast_in_dim3A_1 {strides = array<i32>} : memref<79x128xf32, #tpu.memory_space<vmem>>, vector<16xf32>,
      %swap3A_50 = arith.index_cast %scan3A_37 : i32 to index
      %swap3A_51 = arith.constant 64 : index
      %swap3A_52 = tpu.vector_load %arg12[%swap3A_50, %swap3A_51] {strides = array<i32>} : memref<79x128xf32, #tpu.memory_space<vmem>>, vector<16xf32>,
      tpu.vector_store %arg12[%swap3A_50, %swap3A_51], %broadcast_in_dim3A_1 {strides = array<i32>} : memref<79x128xf32, #tpu.memory_space<vmem>>, vector<16xf32>,
      %swap3A_53 = arith.index_cast %scan3A_37 : i32 to index
      %swap3A_54 = arith.constant 80 : index
      %swap3A_55 = tpu.vector_load %arg12[%swap3A_53, %swap3A_54] {strides = array<i32>} : memref<79x128xf32, #tpu.memory_space<vmem>>, vector<16xf32>,
      tpu.vector_store %arg12[%swap3A_53, %swap3A_54], %broadcast_in_dim3A_1 {strides = array<i32>} : memref<79x128xf32, #tpu.memory_space<vmem>>, vector<16xf32>,
      %swap3A_56 = arith.index_cast %scan3A_37 : i32 to index
      %swap3A_57 = arith.constant 96 : index
      %swap3A_58 = tpu.vector_load %arg12[%swap3A_56, %swap3A_57] {strides = array<i32>} : memref<79x128xf32, #tpu.memory_space<vmem>>, vector<16xf32>,
      tpu.vector_store %arg12[%swap3A_56, %swap3A_57], %broadcast_in_dim3A_1 {strides = array<i32>} : memref<79x128xf32, #tpu.memory_space<vmem>>, vector<16xf32>,
      %swap3A_59 = arith.index_cast %scan3A_37 : i32 to index
      %swap3A_60 = arith.constant 112 : index
      %swap3A_61 = tpu.vector_load %arg12[%swap3A_59, %swap3A_60] {strides = array<i32>} : memref<79x128xf32, #tpu.memory_space<vmem>>, vector<16xf32>,
      tpu.vector_store %arg12[%swap3A_59, %swap3A_60], %broadcast_in_dim3A_1 {strides = array<i32>} : memref<79x128xf32, #tpu.memory_space<vmem>>, vector<16xf32>,
      %scan3A_62 = arith.constant 0 : i32
      scf.yield %scan3A_62 : i32
    }
    %scan3A_28 = arith.constant 79 : i32
    "tpu.region"() ({
      %run_scoped3A = tpu.sem_alloc : memref<!tpu.dma_semaphore, #tpu.memory_space<semaphore_mem>>
      tpu.enqueue_dma source(%arg5 : memref<79x128xf32, #tpu.memory_space<hbm>>) target(%arg10 : memref<79x128xf32, #tpu.memory_space<vmem>>) target_semaphore(%run_scoped3A : memref<!tpu.dma_semaphore, #tpu.memory_space<semaphore_mem>>)
      tpu.wait_dma2 semaphore(%run_scoped3A : memref<!tpu.dma_semaphore, #tpu.memory_space<semaphore_mem>>) src(%arg5 : memref<79x128xf32, #tpu.memory_space<hbm>>) dst(%arg10 : memref<79x128xf32, #tpu.memory_space<vmem>>)
      tpu.yield
    }) : () -> ()
    "tpu.region"() ({
      %run_scoped3A = tpu.sem_alloc : memref<!tpu.dma_semaphore, #tpu.memory_space<semaphore_mem>>
      tpu.enqueue_dma source(%arg6 : memref<79x128xf32, #tpu.memory_space<hbm>>) target(%arg11 : memref<79x128xf32, #tpu.memory_space<vmem>>) target_semaphore(%run_scoped3A : memref<!tpu.dma_semaphore, #tpu.memory_space<semaphore_mem>>)
      tpu.wait_dma2 semaphore(%run_scoped3A : memref<!tpu.dma_semaphore, #tpu.memory_space<semaphore_mem>>) src(%arg6 : memref<79x128xf32, #tpu.memory_space<hbm>>) dst(%arg11 : memref<79x128xf32, #tpu.memory_space<vmem>>)
      tpu.yield
    }) : () -> ()
    %barrier3A = arith.constant 0 : index
    tpu.barrier barrier_id(%barrier3A)
    %scan3A_29 = arith.constant 0 : i32
    %scan3A_30 = arith.constant 0 : i32
    %scan3A_31 = arith.constant 81 : i32
    %scan3A_32 = arith.addi %scan3A_30, %scan3A_31 : i32
    %scan3A_33 = arith.constant 1 : i32
    %scan3A_34 = scf.for %scan3A_37 = %scan3A_30 to %scan3A_32 step %scan3A_33 iter_args(%scan3A_38 = %scan3A_29) -> (i32)  : i32 {
      %run_scoped3A = arith.constant 0 : i32
      "tpu.region"() ({
        %run_scoped3A_381 = tpu.sem_alloc : memref<!tpu.dma_semaphore, #tpu.memory_space<semaphore_mem>>
        %dma_start3A_382 = arith.constant 0 : i32
        %dma_start3A_383 = tpu.memref_slice %arg9[%run_scoped3A, %dma_start3A_382] : memref<2x128xi32, #tpu.memory_space<vmem>> -> memref<1x128xi32, #tpu.memory_space<vmem>>
        %dma_start3A_384 = tpu.memref_squeeze %dma_start3A_383 : memref<1x128xi32, #tpu.memory_space<vmem>> -> memref<128xi32, #tpu.memory_space<vmem>>
        %dma_start3A_385 = arith.constant 0 : i32
        %dma_start3A_386 = tpu.memref_slice %arg2[%add3A, %scan3A_37, %dma_start3A_385] : memref<32x81x128xi32, #tpu.memory_space<hbm>> -> memref<1x1x128xi32, #tpu.memory_space<hbm>>
        %dma_start3A_387 = tpu.memref_squeeze %dma_start3A_386 : memref<1x1x128xi32, #tpu.memory_space<hbm>> -> memref<128xi32, #tpu.memory_space<hbm>>
        %dma_start3A_388 = arith.constant 0 : i32
        %dma_start3A_389 = tpu.memref_slice %arg9[%run_scoped3A, %dma_start3A_388] : memref<2x128xi32, #tpu.memory_space<vmem>> -> memref<1x128xi32, #tpu.memory_space<vmem>>
        %dma_start3A_390 = tpu.memref_squeeze %dma_start3A_389 : memref<1x128xi32, #tpu.memory_space<vmem>> -> memref<128xi32, #tpu.memory_space<vmem>>
        %dma_start3A_391 = arith.constant 0 : i32
        %dma_start3A_392 = tpu.memref_slice %arg2[%add3A, %scan3A_37, %dma_start3A_391] : memref<32x81x128xi32, #tpu.memory_space<hbm>> -> memref<1x1x128xi32, #tpu.memory_space<hbm>>
        %dma_start3A_393 = tpu.memref_squeeze %dma_start3A_392 : memref<1x1x128xi32, #tpu.memory_space<hbm>> -> memref<128xi32, #tpu.memory_space<hbm>>
        tpu.enqueue_dma source(%dma_start3A_393 : memref<128xi32, #tpu.memory_space<hbm>>) target(%dma_start3A_390 : memref<128xi32, #tpu.memory_space<vmem>>) target_semaphore(%run_scoped3A_381 : memref<!tpu.dma_semaphore, #tpu.memory_space<semaphore_mem>>)
        %dma_wait3A_394 = arith.constant 0 : i32
        %dma_wait3A_395 = tpu.memref_slice %arg9[%run_scoped3A, %dma_wait3A_394] : memref<2x128xi32, #tpu.memory_space<vmem>> -> memref<1x128xi32, #tpu.memory_space<vmem>>
        %dma_wait3A_396 = tpu.memref_squeeze %dma_wait3A_395 : memref<1x128xi32, #tpu.memory_space<vmem>> -> memref<128xi32, #tpu.memory_space<vmem>>
        %dma_wait3A_397 = arith.constant 0 : i32
        %dma_wait3A_398 = tpu.memref_slice %arg2[%add3A, %scan3A_37, %dma_wait3A_397] : memref<32x81x128xi32, #tpu.memory_space<hbm>> -> memref<1x1x128xi32, #tpu.memory_space<hbm>>
        %dma_wait3A_399 = tpu.memref_squeeze %dma_wait3A_398 : memref<1x1x128xi32, #tpu.memory_space<hbm>> -> memref<128xi32, #tpu.memory_space<hbm>>
        %dma_wait3A_400 = arith.constant 0 : i32
        %dma_wait3A_401 = tpu.memref_slice %arg9[%run_scoped3A, %dma_wait3A_400] : memref<2x128xi32, #tpu.memory_space<vmem>> -> memref<1x128xi32, #tpu.memory_space<vmem>>
        %dma_wait3A_402 = tpu.memref_squeeze %dma_wait3A_401 : memref<1x128xi32, #tpu.memory_space<vmem>> -> memref<128xi32, #tpu.memory_space<vmem>>
        %dma_wait3A_403 = arith.constant 0 : i32
        %dma_wait3A_404 = tpu.memref_slice %arg2[%add3A, %scan3A_37, %dma_wait3A_403] : memref<32x81x128xi32, #tpu.memory_space<hbm>> -> memref<1x1x128xi32, #tpu.memory_space<hbm>>
        %dma_wait3A_405 = tpu.memref_squeeze %dma_wait3A_404 : memref<1x1x128xi32, #tpu.memory_space<hbm>> -> memref<128xi32, #tpu.memory_space<hbm>>
        tpu.wait_dma2 semaphore(%run_scoped3A_381 : memref<!tpu.dma_semaphore, #tpu.memory_space<semaphore_mem>>) src(%dma_wait3A_405 : memref<128xi32, #tpu.memory_space<hbm>>) dst(%dma_wait3A_402 : memref<128xi32, #tpu.memory_space<vmem>>)
        tpu.yield
      }) : () -> ()
      %run_scoped3A_39 = arith.constant 1 : i32
      "tpu.region"() ({
        %run_scoped3A_381 = tpu.sem_alloc : memref<!tpu.dma_semaphore, #tpu.memory_space<semaphore_mem>>
        %dma_start3A_382 = arith.constant 0 : i32
        %dma_start3A_383 = tpu.memref_slice %arg9[%run_scoped3A_39, %dma_start3A_382] : memref<2x128xi32, #tpu.memory_space<vmem>> -> memref<1x128xi32, #tpu.memory_space<vmem>>
        %dma_start3A_384 = tpu.memref_squeeze %dma_start3A_383 : memref<1x128xi32, #tpu.memory_space<vmem>> -> memref<128xi32, #tpu.memory_space<vmem>>
        %dma_start3A_385 = arith.constant 0 : i32
        %dma_start3A_386 = tpu.memref_slice %arg3[%add3A, %scan3A_37, %dma_start3A_385] : memref<32x81x128xi32, #tpu.memory_space<hbm>> -> memref<1x1x128xi32, #tpu.memory_space<hbm>>
        %dma_start3A_387 = tpu.memref_squeeze %dma_start3A_386 : memref<1x1x128xi32, #tpu.memory_space<hbm>> -> memref<128xi32, #tpu.memory_space<hbm>>
        %dma_start3A_388 = arith.constant 0 : i32
        %dma_start3A_389 = tpu.memref_slice %arg9[%run_scoped3A_39, %dma_start3A_388] : memref<2x128xi32, #tpu.memory_space<vmem>> -> memref<1x128xi32, #tpu.memory_space<vmem>>
        %dma_start3A_390 = tpu.memref_squeeze %dma_start3A_389 : memref<1x128xi32, #tpu.memory_space<vmem>> -> memref<128xi32, #tpu.memory_space<vmem>>
        %dma_start3A_391 = arith.constant 0 : i32
        %dma_start3A_392 = tpu.memref_slice %arg3[%add3A, %scan3A_37, %dma_start3A_391] : memref<32x81x128xi32, #tpu.memory_space<hbm>> -> memref<1x1x128xi32, #tpu.memory_space<hbm>>
        %dma_start3A_393 = tpu.memref_squeeze %dma_start3A_392 : memref<1x1x128xi32, #tpu.memory_space<hbm>> -> memref<128xi32, #tpu.memory_space<hbm>>
        tpu.enqueue_dma source(%dma_start3A_393 : memref<128xi32, #tpu.memory_space<hbm>>) target(%dma_start3A_390 : memref<128xi32, #tpu.memory_space<vmem>>) target_semaphore(%run_scoped3A_381 : memref<!tpu.dma_semaphore, #tpu.memory_space<semaphore_mem>>)
        %dma_wait3A_394 = arith.constant 0 : i32
        %dma_wait3A_395 = tpu.memref_slice %arg9[%run_scoped3A_39, %dma_wait3A_394] : memref<2x128xi32, #tpu.memory_space<vmem>> -> memref<1x128xi32, #tpu.memory_space<vmem>>
        %dma_wait3A_396 = tpu.memref_squeeze %dma_wait3A_395 : memref<1x128xi32, #tpu.memory_space<vmem>> -> memref<128xi32, #tpu.memory_space<vmem>>
        %dma_wait3A_397 = arith.constant 0 : i32
        %dma_wait3A_398 = tpu.memref_slice %arg3[%add3A, %scan3A_37, %dma_wait3A_397] : memref<32x81x128xi32, #tpu.memory_space<hbm>> -> memref<1x1x128xi32, #tpu.memory_space<hbm>>
        %dma_wait3A_399 = tpu.memref_squeeze %dma_wait3A_398 : memref<1x1x128xi32, #tpu.memory_space<hbm>> -> memref<128xi32, #tpu.memory_space<hbm>>
        %dma_wait3A_400 = arith.constant 0 : i32
        %dma_wait3A_401 = tpu.memref_slice %arg9[%run_scoped3A_39, %dma_wait3A_400] : memref<2x128xi32, #tpu.memory_space<vmem>> -> memref<1x128xi32, #tpu.memory_space<vmem>>
        %dma_wait3A_402 = tpu.memref_squeeze %dma_wait3A_401 : memref<1x128xi32, #tpu.memory_space<vmem>> -> memref<128xi32, #tpu.memory_space<vmem>>
        %dma_wait3A_403 = arith.constant 0 : i32
        %dma_wait3A_404 = tpu.memref_slice %arg3[%add3A, %scan3A_37, %dma_wait3A_403] : memref<32x81x128xi32, #tpu.memory_space<hbm>> -> memref<1x1x128xi32, #tpu.memory_space<hbm>>
        %dma_wait3A_405 = tpu.memref_squeeze %dma_wait3A_404 : memref<1x1x128xi32, #tpu.memory_space<hbm>> -> memref<128xi32, #tpu.memory_space<hbm>>
        tpu.wait_dma2 semaphore(%run_scoped3A_381 : memref<!tpu.dma_semaphore, #tpu.memory_space<semaphore_mem>>) src(%dma_wait3A_405 : memref<128xi32, #tpu.memory_space<hbm>>) dst(%dma_wait3A_402 : memref<128xi32, #tpu.memory_space<vmem>>)
        tpu.yield
      }) : () -> ()
      %dma_start3A = arith.constant 0 : i32
      %dma_start3A_40 = arith.constant 0 : i32
      %dma_start3A_41 = tpu.memref_slice %arg9[%dma_start3A, %dma_start3A_40] : memref<2x128xi32, #tpu.memory_space<vmem>> -> memref<1x128xi32, #tpu.memory_space<vmem>>
      %dma_start3A_42 = tpu.memref_squeeze %dma_start3A_41 : memref<1x128xi32, #tpu.memory_space<vmem>> -> memref<128xi32, #tpu.memory_space<vmem>>
      %dma_start3A_43 = arith.constant 0 : i32
      %dma_start3A_44 = arith.constant 0 : i32
      %dma_start3A_45 = tpu.memref_slice %arg4[%dma_start3A_43, %dma_start3A_44] : memref<10112x128xf32, #tpu.memory_space<hbm>> -> memref<10112x128xf32, #tpu.memory_space<hbm>>
      tpu.enqueue_indirect_dma source(%dma_start3A_45 : memref<10112x128xf32, #tpu.memory_space<hbm>>) target(%arg14 : memref<128x128xf32, #tpu.memory_space<vmem>>) offsets(%dma_start3A_42 : memref<128xi32, #tpu.memory_space<vmem>>) semaphore(%arg16 : memref<!tpu.dma_semaphore, #tpu.memory_space<semaphore_mem>>)
      %get3A = arith.constant 0 : i32
      %get3A_46 = arith.index_cast %get3A : i32 to index
      %get3A_47 = arith.constant 0 : index
      %get3A_48 = tpu.vector_load %arg9[%get3A_46, %get3A_47] {strides = array<i32>} : memref<2x128xi32, #tpu.memory_space<vmem>>, vector<16xi32>,
      %get3A_49 = arith.constant 1 : i32
      %get3A_50 = arith.index_cast %get3A_49 : i32 to index
      %get3A_51 = arith.constant 0 : index
      %get3A_52 = tpu.vector_load %arg9[%get3A_50, %get3A_51] {strides = array<i32>} : memref<2x128xi32, #tpu.memory_space<vmem>>, vector<16xi32>,
      %shift_right_arithmetic3A = arith.constant 7 : i32
      %shift_right_arithmetic3A_53 = vector.broadcast %shift_right_arithmetic3A : i32 to vector<16xi32>
      %shift_right_arithmetic3A_54 = arith.shrsi %get3A_48, %shift_right_arithmetic3A_53 : vector<16xi32>
      %and3A = arith.constant 127 : i32
      %and3A_55 = vector.broadcast %and3A : i32 to vector<16xi32>
      %and3A_56 = arith.andi %get3A_48, %and3A_55 : vector<16xi32>
      %gather3A = tpu.vector_load_idx %arg10[%shift_right_arithmetic3A_54, %and3A_56] : memref<79x128xf32, #tpu.memory_space<vmem>>[vector<16xi32>, vector<16xi32>], vector<16xf32>,
      %shift_right_arithmetic3A_57 = arith.constant 7 : i32
      %shift_right_arithmetic3A_58 = vector.broadcast %shift_right_arithmetic3A_57 : i32 to vector<16xi32>
      %shift_right_arithmetic3A_59 = arith.shrsi %get3A_52, %shift_right_arithmetic3A_58 : vector<16xi32>
      %and3A_60 = arith.constant 127 : i32
      %and3A_61 = vector.broadcast %and3A_60 : i32 to vector<16xi32>
      %and3A_62 = arith.andi %get3A_52, %and3A_61 : vector<16xi32>
      %gather3A_63 = tpu.vector_load_idx %arg11[%shift_right_arithmetic3A_59, %and3A_62] : memref<79x128xf32, #tpu.memory_space<vmem>>[vector<16xi32>, vector<16xi32>], vector<16xf32>,
      %add3A_64 = arith.addf %gather3A, %gather3A_63 : vector<16xf32>
      %gt3A = arith.constant 0.000000e+00 : f32
      %gt3A_65 = vector.broadcast %gt3A : f32 to vector<16xf32>
      %gt3A_66 = arith.cmpf ogt, %add3A_64, %gt3A_65 : vector<16xf32>
      %mul3A_67 = arith.constant 2.000000e-01 : f32
      %mul3A_68 = vector.broadcast %mul3A_67 : f32 to vector<16xf32>
      %mul3A_69 = arith.mulf %mul3A_68, %add3A_64 : vector<16xf32>
      %select_n3A = arith.select %gt3A_66, %add3A_64, %mul3A_69 : vector<16xi1>, vector<16xf32>
      %exp3A = math.exp %select_n3A : vector<16xf32>
      %swap3A = arith.constant 0 : i32
      %swap3A_70 = arith.index_cast %swap3A : i32 to index
      %swap3A_71 = arith.constant 0 : index
      %swap3A_72 = tpu.vector_load %arg13[%swap3A_70, %swap3A_71] {strides = array<i32>} : memref<2x128xf32, #tpu.memory_space<vmem>>, vector<16xf32>,
      tpu.vector_store %arg13[%swap3A_70, %swap3A_71], %exp3A {strides = array<i32>} : memref<2x128xf32, #tpu.memory_space<vmem>>, vector<16xf32>,
      %shift_right_arithmetic3A_73 = arith.constant 7 : i32
      %shift_right_arithmetic3A_74 = vector.broadcast %shift_right_arithmetic3A_73 : i32 to vector<16xi32>
      %shift_right_arithmetic3A_75 = arith.shrsi %get3A_52, %shift_right_arithmetic3A_74 : vector<16xi32>
      %and3A_76 = arith.constant 127 : i32
      %and3A_77 = vector.broadcast %and3A_76 : i32 to vector<16xi32>
      %and3A_78 = arith.andi %get3A_52, %and3A_77 : vector<16xi32>
      tpu.vector_store_idx %arg12[%shift_right_arithmetic3A_75, %and3A_78], %exp3A {add = true} : memref<79x128xf32, #tpu.memory_space<vmem>>[vector<16xi32>, vector<16xi32>], vector<16xf32>,
      %get3A_79 = arith.constant 0 : i32
      %get3A_80 = arith.index_cast %get3A_79 : i32 to index
      %get3A_81 = arith.constant 16 : index
      %get3A_82 = tpu.vector_load %arg9[%get3A_80, %get3A_81] {strides = array<i32>} : memref<2x128xi32, #tpu.memory_space<vmem>>, vector<16xi32>,
      %get3A_83 = arith.constant 1 : i32
      %get3A_84 = arith.index_cast %get3A_83 : i32 to index
      %get3A_85 = arith.constant 16 : index
      %get3A_86 = tpu.vector_load %arg9[%get3A_84, %get3A_85] {strides = array<i32>} : memref<2x128xi32, #tpu.memory_space<vmem>>, vector<16xi32>,
      %shift_right_arithmetic3A_87 = arith.constant 7 : i32
      %shift_right_arithmetic3A_88 = vector.broadcast %shift_right_arithmetic3A_87 : i32 to vector<16xi32>
      %shift_right_arithmetic3A_89 = arith.shrsi %get3A_82, %shift_right_arithmetic3A_88 : vector<16xi32>
      %and3A_90 = arith.constant 127 : i32
      %and3A_91 = vector.broadcast %and3A_90 : i32 to vector<16xi32>
      %and3A_92 = arith.andi %get3A_82, %and3A_91 : vector<16xi32>
      %gather3A_93 = tpu.vector_load_idx %arg10[%shift_right_arithmetic3A_89, %and3A_92] : memref<79x128xf32, #tpu.memory_space<vmem>>[vector<16xi32>, vector<16xi32>], vector<16xf32>,
      %shift_right_arithmetic3A_94 = arith.constant 7 : i32
      %shift_right_arithmetic3A_95 = vector.broadcast %shift_right_arithmetic3A_94 : i32 to vector<16xi32>
      %shift_right_arithmetic3A_96 = arith.shrsi %get3A_86, %shift_right_arithmetic3A_95 : vector<16xi32>
      %and3A_97 = arith.constant 127 : i32
      %and3A_98 = vector.broadcast %and3A_97 : i32 to vector<16xi32>
      %and3A_99 = arith.andi %get3A_86, %and3A_98 : vector<16xi32>
      %gather3A_100 = tpu.vector_load_idx %arg11[%shift_right_arithmetic3A_96, %and3A_99] : memref<79x128xf32, #tpu.memory_space<vmem>>[vector<16xi32>, vector<16xi32>], vector<16xf32>,
      %add3A_101 = arith.addf %gather3A_93, %gather3A_100 : vector<16xf32>
      %gt3A_102 = arith.constant 0.000000e+00 : f32
      %gt3A_103 = vector.broadcast %gt3A_102 : f32 to vector<16xf32>
      %gt3A_104 = arith.cmpf ogt, %add3A_101, %gt3A_103 : vector<16xf32>
      %mul3A_105 = arith.constant 2.000000e-01 : f32
      %mul3A_106 = vector.broadcast %mul3A_105 : f32 to vector<16xf32>
      %mul3A_107 = arith.mulf %mul3A_106, %add3A_101 : vector<16xf32>
      %select_n3A_108 = arith.select %gt3A_104, %add3A_101, %mul3A_107 : vector<16xi1>, vector<16xf32>
      %exp3A_109 = math.exp %select_n3A_108 : vector<16xf32>
      %swap3A_110 = arith.constant 0 : i32
      %swap3A_111 = arith.index_cast %swap3A_110 : i32 to index
      %swap3A_112 = arith.constant 16 : index
      %swap3A_113 = tpu.vector_load %arg13[%swap3A_111, %swap3A_112] {strides = array<i32>} : memref<2x128xf32, #tpu.memory_space<vmem>>, vector<16xf32>,
      tpu.vector_store %arg13[%swap3A_111, %swap3A_112], %exp3A_109 {strides = array<i32>} : memref<2x128xf32, #tpu.memory_space<vmem>>, vector<16xf32>,
      %shift_right_arithmetic3A_114 = arith.constant 7 : i32
      %shift_right_arithmetic3A_115 = vector.broadcast %shift_right_arithmetic3A_114 : i32 to vector<16xi32>
      %shift_right_arithmetic3A_116 = arith.shrsi %get3A_86, %shift_right_arithmetic3A_115 : vector<16xi32>
      %and3A_117 = arith.constant 127 : i32
      %and3A_118 = vector.broadcast %and3A_117 : i32 to vector<16xi32>
      %and3A_119 = arith.andi %get3A_86, %and3A_118 : vector<16xi32>
      tpu.vector_store_idx %arg12[%shift_right_arithmetic3A_116, %and3A_119], %exp3A_109 {add = true} : memref<79x128xf32, #tpu.memory_space<vmem>>[vector<16xi32>, vector<16xi32>], vector<16xf32>,
      %get3A_120 = arith.constant 0 : i32
      %get3A_121 = arith.index_cast %get3A_120 : i32 to index
      %get3A_122 = arith.constant 32 : index
      %get3A_123 = tpu.vector_load %arg9[%get3A_121, %get3A_122] {strides = array<i32>} : memref<2x128xi32, #tpu.memory_space<vmem>>, vector<16xi32>,
      %get3A_124 = arith.constant 1 : i32
      %get3A_125 = arith.index_cast %get3A_124 : i32 to index
      %get3A_126 = arith.constant 32 : index
      %get3A_127 = tpu.vector_load %arg9[%get3A_125, %get3A_126] {strides = array<i32>} : memref<2x128xi32, #tpu.memory_space<vmem>>, vector<16xi32>,
      %shift_right_arithmetic3A_128 = arith.constant 7 : i32
      %shift_right_arithmetic3A_129 = vector.broadcast %shift_right_arithmetic3A_128 : i32 to vector<16xi32>
      %shift_right_arithmetic3A_130 = arith.shrsi %get3A_123, %shift_right_arithmetic3A_129 : vector<16xi32>
      %and3A_131 = arith.constant 127 : i32
      %and3A_132 = vector.broadcast %and3A_131 : i32 to vector<16xi32>
      %and3A_133 = arith.andi %get3A_123, %and3A_132 : vector<16xi32>
      %gather3A_134 = tpu.vector_load_idx %arg10[%shift_right_arithmetic3A_130, %and3A_133] : memref<79x128xf32, #tpu.memory_space<vmem>>[vector<16xi32>, vector<16xi32>], vector<16xf32>,
      %shift_right_arithmetic3A_135 = arith.constant 7 : i32
      %shift_right_arithmetic3A_136 = vector.broadcast %shift_right_arithmetic3A_135 : i32 to vector<16xi32>
      %shift_right_arithmetic3A_137 = arith.shrsi %get3A_127, %shift_right_arithmetic3A_136 : vector<16xi32>
      %and3A_138 = arith.constant 127 : i32
      %and3A_139 = vector.broadcast %and3A_138 : i32 to vector<16xi32>
      %and3A_140 = arith.andi %get3A_127, %and3A_139 : vector<16xi32>
      %gather3A_141 = tpu.vector_load_idx %arg11[%shift_right_arithmetic3A_137, %and3A_140] : memref<79x128xf32, #tpu.memory_space<vmem>>[vector<16xi32>, vector<16xi32>], vector<16xf32>,
      %add3A_142 = arith.addf %gather3A_134, %gather3A_141 : vector<16xf32>
      %gt3A_143 = arith.constant 0.000000e+00 : f32
      %gt3A_144 = vector.broadcast %gt3A_143 : f32 to vector<16xf32>
      %gt3A_145 = arith.cmpf ogt, %add3A_142, %gt3A_144 : vector<16xf32>
      %mul3A_146 = arith.constant 2.000000e-01 : f32
      %mul3A_147 = vector.broadcast %mul3A_146 : f32 to vector<16xf32>
      %mul3A_148 = arith.mulf %mul3A_147, %add3A_142 : vector<16xf32>
      %select_n3A_149 = arith.select %gt3A_145, %add3A_142, %mul3A_148 : vector<16xi1>, vector<16xf32>
      %exp3A_150 = math.exp %select_n3A_149 : vector<16xf32>
      %swap3A_151 = arith.constant 0 : i32
      %swap3A_152 = arith.index_cast %swap3A_151 : i32 to index
      %swap3A_153 = arith.constant 32 : index
      %swap3A_154 = tpu.vector_load %arg13[%swap3A_152, %swap3A_153] {strides = array<i32>} : memref<2x128xf32, #tpu.memory_space<vmem>>, vector<16xf32>,
      tpu.vector_store %arg13[%swap3A_152, %swap3A_153], %exp3A_150 {strides = array<i32>} : memref<2x128xf32, #tpu.memory_space<vmem>>, vector<16xf32>,
      %shift_right_arithmetic3A_155 = arith.constant 7 : i32
      %shift_right_arithmetic3A_156 = vector.broadcast %shift_right_arithmetic3A_155 : i32 to vector<16xi32>
      %shift_right_arithmetic3A_157 = arith.shrsi %get3A_127, %shift_right_arithmetic3A_156 : vector<16xi32>
      %and3A_158 = arith.constant 127 : i32
      %and3A_159 = vector.broadcast %and3A_158 : i32 to vector<16xi32>
      %and3A_160 = arith.andi %get3A_127, %and3A_159 : vector<16xi32>
      tpu.vector_store_idx %arg12[%shift_right_arithmetic3A_157, %and3A_160], %exp3A_150 {add = true} : memref<79x128xf32, #tpu.memory_space<vmem>>[vector<16xi32>, vector<16xi32>], vector<16xf32>,
      %get3A_161 = arith.constant 0 : i32
      %get3A_162 = arith.index_cast %get3A_161 : i32 to index
      %get3A_163 = arith.constant 48 : index
      %get3A_164 = tpu.vector_load %arg9[%get3A_162, %get3A_163] {strides = array<i32>} : memref<2x128xi32, #tpu.memory_space<vmem>>, vector<16xi32>,
      %get3A_165 = arith.constant 1 : i32
      %get3A_166 = arith.index_cast %get3A_165 : i32 to index
      %get3A_167 = arith.constant 48 : index
      %get3A_168 = tpu.vector_load %arg9[%get3A_166, %get3A_167] {strides = array<i32>} : memref<2x128xi32, #tpu.memory_space<vmem>>, vector<16xi32>,
      %shift_right_arithmetic3A_169 = arith.constant 7 : i32
      %shift_right_arithmetic3A_170 = vector.broadcast %shift_right_arithmetic3A_169 : i32 to vector<16xi32>
      %shift_right_arithmetic3A_171 = arith.shrsi %get3A_164, %shift_right_arithmetic3A_170 : vector<16xi32>
      %and3A_172 = arith.constant 127 : i32
      %and3A_173 = vector.broadcast %and3A_172 : i32 to vector<16xi32>
      %and3A_174 = arith.andi %get3A_164, %and3A_173 : vector<16xi32>
      %gather3A_175 = tpu.vector_load_idx %arg10[%shift_right_arithmetic3A_171, %and3A_174] : memref<79x128xf32, #tpu.memory_space<vmem>>[vector<16xi32>, vector<16xi32>], vector<16xf32>,
      %shift_right_arithmetic3A_176 = arith.constant 7 : i32
      %shift_right_arithmetic3A_177 = vector.broadcast %shift_right_arithmetic3A_176 : i32 to vector<16xi32>
      %shift_right_arithmetic3A_178 = arith.shrsi %get3A_168, %shift_right_arithmetic3A_177 : vector<16xi32>
      %and3A_179 = arith.constant 127 : i32
      %and3A_180 = vector.broadcast %and3A_179 : i32 to vector<16xi32>
      %and3A_181 = arith.andi %get3A_168, %and3A_180 : vector<16xi32>
      %gather3A_182 = tpu.vector_load_idx %arg11[%shift_right_arithmetic3A_178, %and3A_181] : memref<79x128xf32, #tpu.memory_space<vmem>>[vector<16xi32>, vector<16xi32>], vector<16xf32>,
      %add3A_183 = arith.addf %gather3A_175, %gather3A_182 : vector<16xf32>
      %gt3A_184 = arith.constant 0.000000e+00 : f32
      %gt3A_185 = vector.broadcast %gt3A_184 : f32 to vector<16xf32>
      %gt3A_186 = arith.cmpf ogt, %add3A_183, %gt3A_185 : vector<16xf32>
      %mul3A_187 = arith.constant 2.000000e-01 : f32
      %mul3A_188 = vector.broadcast %mul3A_187 : f32 to vector<16xf32>
      %mul3A_189 = arith.mulf %mul3A_188, %add3A_183 : vector<16xf32>
      %select_n3A_190 = arith.select %gt3A_186, %add3A_183, %mul3A_189 : vector<16xi1>, vector<16xf32>
      %exp3A_191 = math.exp %select_n3A_190 : vector<16xf32>
      %swap3A_192 = arith.constant 0 : i32
      %swap3A_193 = arith.index_cast %swap3A_192 : i32 to index
      %swap3A_194 = arith.constant 48 : index
      %swap3A_195 = tpu.vector_load %arg13[%swap3A_193, %swap3A_194] {strides = array<i32>} : memref<2x128xf32, #tpu.memory_space<vmem>>, vector<16xf32>,
      tpu.vector_store %arg13[%swap3A_193, %swap3A_194], %exp3A_191 {strides = array<i32>} : memref<2x128xf32, #tpu.memory_space<vmem>>, vector<16xf32>,
      %shift_right_arithmetic3A_196 = arith.constant 7 : i32
      %shift_right_arithmetic3A_197 = vector.broadcast %shift_right_arithmetic3A_196 : i32 to vector<16xi32>
      %shift_right_arithmetic3A_198 = arith.shrsi %get3A_168, %shift_right_arithmetic3A_197 : vector<16xi32>
      %and3A_199 = arith.constant 127 : i32
      %and3A_200 = vector.broadcast %and3A_199 : i32 to vector<16xi32>
      %and3A_201 = arith.andi %get3A_168, %and3A_200 : vector<16xi32>
      tpu.vector_store_idx %arg12[%shift_right_arithmetic3A_198, %and3A_201], %exp3A_191 {add = true} : memref<79x128xf32, #tpu.memory_space<vmem>>[vector<16xi32>, vector<16xi32>], vector<16xf32>,
      %get3A_202 = arith.constant 0 : i32
      %get3A_203 = arith.index_cast %get3A_202 : i32 to index
      %get3A_204 = arith.constant 64 : index
      %get3A_205 = tpu.vector_load %arg9[%get3A_203, %get3A_204] {strides = array<i32>} : memref<2x128xi32, #tpu.memory_space<vmem>>, vector<16xi32>,
      %get3A_206 = arith.constant 1 : i32
      %get3A_207 = arith.index_cast %get3A_206 : i32 to index
      %get3A_208 = arith.constant 64 : index
      %get3A_209 = tpu.vector_load %arg9[%get3A_207, %get3A_208] {strides = array<i32>} : memref<2x128xi32, #tpu.memory_space<vmem>>, vector<16xi32>,
      %shift_right_arithmetic3A_210 = arith.constant 7 : i32
      %shift_right_arithmetic3A_211 = vector.broadcast %shift_right_arithmetic3A_210 : i32 to vector<16xi32>
      %shift_right_arithmetic3A_212 = arith.shrsi %get3A_205, %shift_right_arithmetic3A_211 : vector<16xi32>
      %and3A_213 = arith.constant 127 : i32
      %and3A_214 = vector.broadcast %and3A_213 : i32 to vector<16xi32>
      %and3A_215 = arith.andi %get3A_205, %and3A_214 : vector<16xi32>
      %gather3A_216 = tpu.vector_load_idx %arg10[%shift_right_arithmetic3A_212, %and3A_215] : memref<79x128xf32, #tpu.memory_space<vmem>>[vector<16xi32>, vector<16xi32>], vector<16xf32>,
      %shift_right_arithmetic3A_217 = arith.constant 7 : i32
      %shift_right_arithmetic3A_218 = vector.broadcast %shift_right_arithmetic3A_217 : i32 to vector<16xi32>
      %shift_right_arithmetic3A_219 = arith.shrsi %get3A_209, %shift_right_arithmetic3A_218 : vector<16xi32>
      %and3A_220 = arith.constant 127 : i32
      %and3A_221 = vector.broadcast %and3A_220 : i32 to vector<16xi32>
      %and3A_222 = arith.andi %get3A_209, %and3A_221 : vector<16xi32>
      %gather3A_223 = tpu.vector_load_idx %arg11[%shift_right_arithmetic3A_219, %and3A_222] : memref<79x128xf32, #tpu.memory_space<vmem>>[vector<16xi32>, vector<16xi32>], vector<16xf32>,
      %add3A_224 = arith.addf %gather3A_216, %gather3A_223 : vector<16xf32>
      %gt3A_225 = arith.constant 0.000000e+00 : f32
      %gt3A_226 = vector.broadcast %gt3A_225 : f32 to vector<16xf32>
      %gt3A_227 = arith.cmpf ogt, %add3A_224, %gt3A_226 : vector<16xf32>
      %mul3A_228 = arith.constant 2.000000e-01 : f32
      %mul3A_229 = vector.broadcast %mul3A_228 : f32 to vector<16xf32>
      %mul3A_230 = arith.mulf %mul3A_229, %add3A_224 : vector<16xf32>
      %select_n3A_231 = arith.select %gt3A_227, %add3A_224, %mul3A_230 : vector<16xi1>, vector<16xf32>
      %exp3A_232 = math.exp %select_n3A_231 : vector<16xf32>
      %swap3A_233 = arith.constant 0 : i32
      %swap3A_234 = arith.index_cast %swap3A_233 : i32 to index
      %swap3A_235 = arith.constant 64 : index
      %swap3A_236 = tpu.vector_load %arg13[%swap3A_234, %swap3A_235] {strides = array<i32>} : memref<2x128xf32, #tpu.memory_space<vmem>>, vector<16xf32>,
      tpu.vector_store %arg13[%swap3A_234, %swap3A_235], %exp3A_232 {strides = array<i32>} : memref<2x128xf32, #tpu.memory_space<vmem>>, vector<16xf32>,
      %shift_right_arithmetic3A_237 = arith.constant 7 : i32
      %shift_right_arithmetic3A_238 = vector.broadcast %shift_right_arithmetic3A_237 : i32 to vector<16xi32>
      %shift_right_arithmetic3A_239 = arith.shrsi %get3A_209, %shift_right_arithmetic3A_238 : vector<16xi32>
      %and3A_240 = arith.constant 127 : i32
      %and3A_241 = vector.broadcast %and3A_240 : i32 to vector<16xi32>
      %and3A_242 = arith.andi %get3A_209, %and3A_241 : vector<16xi32>
      tpu.vector_store_idx %arg12[%shift_right_arithmetic3A_239, %and3A_242], %exp3A_232 {add = true} : memref<79x128xf32, #tpu.memory_space<vmem>>[vector<16xi32>, vector<16xi32>], vector<16xf32>,
      %get3A_243 = arith.constant 0 : i32
      %get3A_244 = arith.index_cast %get3A_243 : i32 to index
      %get3A_245 = arith.constant 80 : index
      %get3A_246 = tpu.vector_load %arg9[%get3A_244, %get3A_245] {strides = array<i32>} : memref<2x128xi32, #tpu.memory_space<vmem>>, vector<16xi32>,
      %get3A_247 = arith.constant 1 : i32
      %get3A_248 = arith.index_cast %get3A_247 : i32 to index
      %get3A_249 = arith.constant 80 : index
      %get3A_250 = tpu.vector_load %arg9[%get3A_248, %get3A_249] {strides = array<i32>} : memref<2x128xi32, #tpu.memory_space<vmem>>, vector<16xi32>,
      %shift_right_arithmetic3A_251 = arith.constant 7 : i32
      %shift_right_arithmetic3A_252 = vector.broadcast %shift_right_arithmetic3A_251 : i32 to vector<16xi32>
      %shift_right_arithmetic3A_253 = arith.shrsi %get3A_246, %shift_right_arithmetic3A_252 : vector<16xi32>
      %and3A_254 = arith.constant 127 : i32
      %and3A_255 = vector.broadcast %and3A_254 : i32 to vector<16xi32>
      %and3A_256 = arith.andi %get3A_246, %and3A_255 : vector<16xi32>
      %gather3A_257 = tpu.vector_load_idx %arg10[%shift_right_arithmetic3A_253, %and3A_256] : memref<79x128xf32, #tpu.memory_space<vmem>>[vector<16xi32>, vector<16xi32>], vector<16xf32>,
      %shift_right_arithmetic3A_258 = arith.constant 7 : i32
      %shift_right_arithmetic3A_259 = vector.broadcast %shift_right_arithmetic3A_258 : i32 to vector<16xi32>
      %shift_right_arithmetic3A_260 = arith.shrsi %get3A_250, %shift_right_arithmetic3A_259 : vector<16xi32>
      %and3A_261 = arith.constant 127 : i32
      %and3A_262 = vector.broadcast %and3A_261 : i32 to vector<16xi32>
      %and3A_263 = arith.andi %get3A_250, %and3A_262 : vector<16xi32>
      %gather3A_264 = tpu.vector_load_idx %arg11[%shift_right_arithmetic3A_260, %and3A_263] : memref<79x128xf32, #tpu.memory_space<vmem>>[vector<16xi32>, vector<16xi32>], vector<16xf32>,
      %add3A_265 = arith.addf %gather3A_257, %gather3A_264 : vector<16xf32>
      %gt3A_266 = arith.constant 0.000000e+00 : f32
      %gt3A_267 = vector.broadcast %gt3A_266 : f32 to vector<16xf32>
      %gt3A_268 = arith.cmpf ogt, %add3A_265, %gt3A_267 : vector<16xf32>
      %mul3A_269 = arith.constant 2.000000e-01 : f32
      %mul3A_270 = vector.broadcast %mul3A_269 : f32 to vector<16xf32>
      %mul3A_271 = arith.mulf %mul3A_270, %add3A_265 : vector<16xf32>
      %select_n3A_272 = arith.select %gt3A_268, %add3A_265, %mul3A_271 : vector<16xi1>, vector<16xf32>
      %exp3A_273 = math.exp %select_n3A_272 : vector<16xf32>
      %swap3A_274 = arith.constant 0 : i32
      %swap3A_275 = arith.index_cast %swap3A_274 : i32 to index
      %swap3A_276 = arith.constant 80 : index
      %swap3A_277 = tpu.vector_load %arg13[%swap3A_275, %swap3A_276] {strides = array<i32>} : memref<2x128xf32, #tpu.memory_space<vmem>>, vector<16xf32>,
      tpu.vector_store %arg13[%swap3A_275, %swap3A_276], %exp3A_273 {strides = array<i32>} : memref<2x128xf32, #tpu.memory_space<vmem>>, vector<16xf32>,
      %shift_right_arithmetic3A_278 = arith.constant 7 : i32
      %shift_right_arithmetic3A_279 = vector.broadcast %shift_right_arithmetic3A_278 : i32 to vector<16xi32>
      %shift_right_arithmetic3A_280 = arith.shrsi %get3A_250, %shift_right_arithmetic3A_279 : vector<16xi32>
      %and3A_281 = arith.constant 127 : i32
      %and3A_282 = vector.broadcast %and3A_281 : i32 to vector<16xi32>
      %and3A_283 = arith.andi %get3A_250, %and3A_282 : vector<16xi32>
      tpu.vector_store_idx %arg12[%shift_right_arithmetic3A_280, %and3A_283], %exp3A_273 {add = true} : memref<79x128xf32, #tpu.memory_space<vmem>>[vector<16xi32>, vector<16xi32>], vector<16xf32>,
      %get3A_284 = arith.constant 0 : i32
      %get3A_285 = arith.index_cast %get3A_284 : i32 to index
      %get3A_286 = arith.constant 96 : index
      %get3A_287 = tpu.vector_load %arg9[%get3A_285, %get3A_286] {strides = array<i32>} : memref<2x128xi32, #tpu.memory_space<vmem>>, vector<16xi32>,
      %get3A_288 = arith.constant 1 : i32
      %get3A_289 = arith.index_cast %get3A_288 : i32 to index
      %get3A_290 = arith.constant 96 : index
      %get3A_291 = tpu.vector_load %arg9[%get3A_289, %get3A_290] {strides = array<i32>} : memref<2x128xi32, #tpu.memory_space<vmem>>, vector<16xi32>,
      %shift_right_arithmetic3A_292 = arith.constant 7 : i32
      %shift_right_arithmetic3A_293 = vector.broadcast %shift_right_arithmetic3A_292 : i32 to vector<16xi32>
      %shift_right_arithmetic3A_294 = arith.shrsi %get3A_287, %shift_right_arithmetic3A_293 : vector<16xi32>
      %and3A_295 = arith.constant 127 : i32
      %and3A_296 = vector.broadcast %and3A_295 : i32 to vector<16xi32>
      %and3A_297 = arith.andi %get3A_287, %and3A_296 : vector<16xi32>
      %gather3A_298 = tpu.vector_load_idx %arg10[%shift_right_arithmetic3A_294, %and3A_297] : memref<79x128xf32, #tpu.memory_space<vmem>>[vector<16xi32>, vector<16xi32>], vector<16xf32>,
      %shift_right_arithmetic3A_299 = arith.constant 7 : i32
      %shift_right_arithmetic3A_300 = vector.broadcast %shift_right_arithmetic3A_299 : i32 to vector<16xi32>
      %shift_right_arithmetic3A_301 = arith.shrsi %get3A_291, %shift_right_arithmetic3A_300 : vector<16xi32>
      %and3A_302 = arith.constant 127 : i32
      %and3A_303 = vector.broadcast %and3A_302 : i32 to vector<16xi32>
      %and3A_304 = arith.andi %get3A_291, %and3A_303 : vector<16xi32>
      %gather3A_305 = tpu.vector_load_idx %arg11[%shift_right_arithmetic3A_301, %and3A_304] : memref<79x128xf32, #tpu.memory_space<vmem>>[vector<16xi32>, vector<16xi32>], vector<16xf32>,
      %add3A_306 = arith.addf %gather3A_298, %gather3A_305 : vector<16xf32>
      %gt3A_307 = arith.constant 0.000000e+00 : f32
      %gt3A_308 = vector.broadcast %gt3A_307 : f32 to vector<16xf32>
      %gt3A_309 = arith.cmpf ogt, %add3A_306, %gt3A_308 : vector<16xf32>
      %mul3A_310 = arith.constant 2.000000e-01 : f32
      %mul3A_311 = vector.broadcast %mul3A_310 : f32 to vector<16xf32>
      %mul3A_312 = arith.mulf %mul3A_311, %add3A_306 : vector<16xf32>
      %select_n3A_313 = arith.select %gt3A_309, %add3A_306, %mul3A_312 : vector<16xi1>, vector<16xf32>
      %exp3A_314 = math.exp %select_n3A_313 : vector<16xf32>
      %swap3A_315 = arith.constant 0 : i32
      %swap3A_316 = arith.index_cast %swap3A_315 : i32 to index
      %swap3A_317 = arith.constant 96 : index
      %swap3A_318 = tpu.vector_load %arg13[%swap3A_316, %swap3A_317] {strides = array<i32>} : memref<2x128xf32, #tpu.memory_space<vmem>>, vector<16xf32>,
      tpu.vector_store %arg13[%swap3A_316, %swap3A_317], %exp3A_314 {strides = array<i32>} : memref<2x128xf32, #tpu.memory_space<vmem>>, vector<16xf32>,
      %shift_right_arithmetic3A_319 = arith.constant 7 : i32
      %shift_right_arithmetic3A_320 = vector.broadcast %shift_right_arithmetic3A_319 : i32 to vector<16xi32>
      %shift_right_arithmetic3A_321 = arith.shrsi %get3A_291, %shift_right_arithmetic3A_320 : vector<16xi32>
      %and3A_322 = arith.constant 127 : i32
      %and3A_323 = vector.broadcast %and3A_322 : i32 to vector<16xi32>
      %and3A_324 = arith.andi %get3A_291, %and3A_323 : vector<16xi32>
      tpu.vector_store_idx %arg12[%shift_right_arithmetic3A_321, %and3A_324], %exp3A_314 {add = true} : memref<79x128xf32, #tpu.memory_space<vmem>>[vector<16xi32>, vector<16xi32>], vector<16xf32>,
      %get3A_325 = arith.constant 0 : i32
      %get3A_326 = arith.index_cast %get3A_325 : i32 to index
      %get3A_327 = arith.constant 112 : index
      %get3A_328 = tpu.vector_load %arg9[%get3A_326, %get3A_327] {strides = array<i32>} : memref<2x128xi32, #tpu.memory_space<vmem>>, vector<16xi32>,
      %get3A_329 = arith.constant 1 : i32
      %get3A_330 = arith.index_cast %get3A_329 : i32 to index
      %get3A_331 = arith.constant 112 : index
      %get3A_332 = tpu.vector_load %arg9[%get3A_330, %get3A_331] {strides = array<i32>} : memref<2x128xi32, #tpu.memory_space<vmem>>, vector<16xi32>,
      %shift_right_arithmetic3A_333 = arith.constant 7 : i32
      %shift_right_arithmetic3A_334 = vector.broadcast %shift_right_arithmetic3A_333 : i32 to vector<16xi32>
      %shift_right_arithmetic3A_335 = arith.shrsi %get3A_328, %shift_right_arithmetic3A_334 : vector<16xi32>
      %and3A_336 = arith.constant 127 : i32
      %and3A_337 = vector.broadcast %and3A_336 : i32 to vector<16xi32>
      %and3A_338 = arith.andi %get3A_328, %and3A_337 : vector<16xi32>
      %gather3A_339 = tpu.vector_load_idx %arg10[%shift_right_arithmetic3A_335, %and3A_338] : memref<79x128xf32, #tpu.memory_space<vmem>>[vector<16xi32>, vector<16xi32>], vector<16xf32>,
      %shift_right_arithmetic3A_340 = arith.constant 7 : i32
      %shift_right_arithmetic3A_341 = vector.broadcast %shift_right_arithmetic3A_340 : i32 to vector<16xi32>
      %shift_right_arithmetic3A_342 = arith.shrsi %get3A_332, %shift_right_arithmetic3A_341 : vector<16xi32>
      %and3A_343 = arith.constant 127 : i32
      %and3A_344 = vector.broadcast %and3A_343 : i32 to vector<16xi32>
      %and3A_345 = arith.andi %get3A_332, %and3A_344 : vector<16xi32>
      %gather3A_346 = tpu.vector_load_idx %arg11[%shift_right_arithmetic3A_342, %and3A_345] : memref<79x128xf32, #tpu.memory_space<vmem>>[vector<16xi32>, vector<16xi32>], vector<16xf32>,
      %add3A_347 = arith.addf %gather3A_339, %gather3A_346 : vector<16xf32>
      %gt3A_348 = arith.constant 0.000000e+00 : f32
      %gt3A_349 = vector.broadcast %gt3A_348 : f32 to vector<16xf32>
      %gt3A_350 = arith.cmpf ogt, %add3A_347, %gt3A_349 : vector<16xf32>
      %mul3A_351 = arith.constant 2.000000e-01 : f32
      %mul3A_352 = vector.broadcast %mul3A_351 : f32 to vector<16xf32>
      %mul3A_353 = arith.mulf %mul3A_352, %add3A_347 : vector<16xf32>
      %select_n3A_354 = arith.select %gt3A_350, %add3A_347, %mul3A_353 : vector<16xi1>, vector<16xf32>
      %exp3A_355 = math.exp %select_n3A_354 : vector<16xf32>
      %swap3A_356 = arith.constant 0 : i32
      %swap3A_357 = arith.index_cast %swap3A_356 : i32 to index
      %swap3A_358 = arith.constant 112 : index
      %swap3A_359 = tpu.vector_load %arg13[%swap3A_357, %swap3A_358] {strides = array<i32>} : memref<2x128xf32, #tpu.memory_space<vmem>>, vector<16xf32>,
      tpu.vector_store %arg13[%swap3A_357, %swap3A_358], %exp3A_355 {strides = array<i32>} : memref<2x128xf32, #tpu.memory_space<vmem>>, vector<16xf32>,
      %shift_right_arithmetic3A_360 = arith.constant 7 : i32
      %shift_right_arithmetic3A_361 = vector.broadcast %shift_right_arithmetic3A_360 : i32 to vector<16xi32>
      %shift_right_arithmetic3A_362 = arith.shrsi %get3A_332, %shift_right_arithmetic3A_361 : vector<16xi32>
      %and3A_363 = arith.constant 127 : i32
      %and3A_364 = vector.broadcast %and3A_363 : i32 to vector<16xi32>
      %and3A_365 = arith.andi %get3A_332, %and3A_364 : vector<16xi32>
      tpu.vector_store_idx %arg12[%shift_right_arithmetic3A_362, %and3A_365], %exp3A_355 {add = true} : memref<79x128xf32, #tpu.memory_space<vmem>>[vector<16xi32>, vector<16xi32>], vector<16xf32>,
      %dma_wait3A = arith.constant 0 : i32
      %dma_wait3A_366 = arith.constant 0 : i32
      %dma_wait3A_367 = tpu.memref_slice %arg9[%dma_wait3A, %dma_wait3A_366] : memref<2x128xi32, #tpu.memory_space<vmem>> -> memref<1x128xi32, #tpu.memory_space<vmem>>
      %dma_wait3A_368 = tpu.memref_squeeze %dma_wait3A_367 : memref<1x128xi32, #tpu.memory_space<vmem>> -> memref<128xi32, #tpu.memory_space<vmem>>
      %dma_wait3A_369 = arith.constant 0 : i32
      %dma_wait3A_370 = arith.constant 0 : i32
      %dma_wait3A_371 = tpu.memref_slice %arg4[%dma_wait3A_369, %dma_wait3A_370] : memref<10112x128xf32, #tpu.memory_space<hbm>> -> memref<10112x128xf32, #tpu.memory_space<hbm>>
      tpu.wait_indirect_dma semaphore(%arg16 : memref<!tpu.dma_semaphore, #tpu.memory_space<semaphore_mem>>) src(%dma_wait3A_371 : memref<10112x128xf32, #tpu.memory_space<hbm>>) dst(%arg14 : memref<128x128xf32, #tpu.memory_space<vmem>>)
      %scan3A_372 = arith.constant 0 : i32
      %scan3A_373 = arith.constant 0 : i32
      %scan3A_374 = arith.constant 64 : i32
      %scan3A_375 = arith.addi %scan3A_373, %scan3A_374 : i32
      %scan3A_376 = arith.constant 1 : i32
      %scan3A_377 = scf.for %scan3A_381 = %scan3A_373 to %scan3A_375 step %scan3A_376 iter_args(%scan3A_382 = %scan3A_372) -> (i32)  : i32 {
        %mul3A_383 = arith.constant 2 : i32
        %mul3A_384 = arith.muli %mul3A_383, %scan3A_381 : i32
        %add3A_385 = arith.constant 0 : i32
        %add3A_386 = arith.addi %mul3A_384, %add3A_385 : i32
        %add3A_387 = vector.broadcast %add3A_386 : i32 to vector<16xi32>
        %add3A_388 = arith.addi %broadcast_in_dim3A_3, %add3A_387 : vector<16xi32>
        %gather3A_389 = tpu.vector_load_idx %arg13[%broadcast_in_dim3A_3, %add3A_388] : memref<2x128xf32, #tpu.memory_space<vmem>>[vector<16xi32>, vector<16xi32>], vector<16xf32>,
        %get3A_390 = arith.index_cast %add3A_386 : i32 to index
        %get3A_391 = arith.constant 0 : index
        %get3A_392 = tpu.vector_load %arg14[%get3A_390, %get3A_391] {strides = array<i32>} : memref<128x128xf32, #tpu.memory_space<vmem>>, vector<16xf32>,
        %mul3A_393 = arith.mulf %get3A_392, %gather3A_389 : vector<16xf32>
        %swap3A_394 = arith.index_cast %add3A_386 : i32 to index
        %swap3A_395 = arith.constant 0 : index
        %swap3A_396 = tpu.vector_load %arg14[%swap3A_394, %swap3A_395] {strides = array<i32>} : memref<128x128xf32, #tpu.memory_space<vmem>>, vector<16xf32>,
        tpu.vector_store %arg14[%swap3A_394, %swap3A_395], %mul3A_393 {strides = array<i32>} : memref<128x128xf32, #tpu.memory_space<vmem>>, vector<16xf32>,
        %get3A_397 = arith.index_cast %add3A_386 : i32 to index
        %get3A_398 = arith.constant 16 : index
        %get3A_399 = tpu.vector_load %arg14[%get3A_397, %get3A_398] {strides = array<i32>} : memref<128x128xf32, #tpu.memory_space<vmem>>, vector<16xf32>,
        %mul3A_400 = arith.mulf %get3A_399, %gather3A_389 : vector<16xf32>
        %swap3A_401 = arith.index_cast %add3A_386 : i32 to index
        %swap3A_402 = arith.constant 16 : index
        %swap3A_403 = tpu.vector_load %arg14[%swap3A_401, %swap3A_402] {strides = array<i32>} : memref<128x128xf32, #tpu.memory_space<vmem>>, vector<16xf32>,
        tpu.vector_store %arg14[%swap3A_401, %swap3A_402], %mul3A_400 {strides = array<i32>} : memref<128x128xf32, #tpu.memory_space<vmem>>, vector<16xf32>,
        %get3A_404 = arith.index_cast %add3A_386 : i32 to index
        %get3A_405 = arith.constant 32 : index
        %get3A_406 = tpu.vector_load %arg14[%get3A_404, %get3A_405] {strides = array<i32>} : memref<128x128xf32, #tpu.memory_space<vmem>>, vector<16xf32>,
        %mul3A_407 = arith.mulf %get3A_406, %gather3A_389 : vector<16xf32>
        %swap3A_408 = arith.index_cast %add3A_386 : i32 to index
        %swap3A_409 = arith.constant 32 : index
        %swap3A_410 = tpu.vector_load %arg14[%swap3A_408, %swap3A_409] {strides = array<i32>} : memref<128x128xf32, #tpu.memory_space<vmem>>, vector<16xf32>,
        tpu.vector_store %arg14[%swap3A_408, %swap3A_409], %mul3A_407 {strides = array<i32>} : memref<128x128xf32, #tpu.memory_space<vmem>>, vector<16xf32>,
        %get3A_411 = arith.index_cast %add3A_386 : i32 to index
        %get3A_412 = arith.constant 48 : index
        %get3A_413 = tpu.vector_load %arg14[%get3A_411, %get3A_412] {strides = array<i32>} : memref<128x128xf32, #tpu.memory_space<vmem>>, vector<16xf32>,
        %mul3A_414 = arith.mulf %get3A_413, %gather3A_389 : vector<16xf32>
        %swap3A_415 = arith.index_cast %add3A_386 : i32 to index
        %swap3A_416 = arith.constant 48 : index
        %swap3A_417 = tpu.vector_load %arg14[%swap3A_415, %swap3A_416] {strides = array<i32>} : memref<128x128xf32, #tpu.memory_space<vmem>>, vector<16xf32>,
        tpu.vector_store %arg14[%swap3A_415, %swap3A_416], %mul3A_414 {strides = array<i32>} : memref<128x128xf32, #tpu.memory_space<vmem>>, vector<16xf32>,
        %get3A_418 = arith.index_cast %add3A_386 : i32 to index
        %get3A_419 = arith.constant 64 : index
        %get3A_420 = tpu.vector_load %arg14[%get3A_418, %get3A_419] {strides = array<i32>} : memref<128x128xf32, #tpu.memory_space<vmem>>, vector<16xf32>,
        %mul3A_421 = arith.mulf %get3A_420, %gather3A_389 : vector<16xf32>
        %swap3A_422 = arith.index_cast %add3A_386 : i32 to index
        %swap3A_423 = arith.constant 64 : index
        %swap3A_424 = tpu.vector_load %arg14[%swap3A_422, %swap3A_423] {strides = array<i32>} : memref<128x128xf32, #tpu.memory_space<vmem>>, vector<16xf32>,
        tpu.vector_store %arg14[%swap3A_422, %swap3A_423], %mul3A_421 {strides = array<i32>} : memref<128x128xf32, #tpu.memory_space<vmem>>, vector<16xf32>,
        %get3A_425 = arith.index_cast %add3A_386 : i32 to index
        %get3A_426 = arith.constant 80 : index
        %get3A_427 = tpu.vector_load %arg14[%get3A_425, %get3A_426] {strides = array<i32>} : memref<128x128xf32, #tpu.memory_space<vmem>>, vector<16xf32>,
        %mul3A_428 = arith.mulf %get3A_427, %gather3A_389 : vector<16xf32>
        %swap3A_429 = arith.index_cast %add3A_386 : i32 to index
        %swap3A_430 = arith.constant 80 : index
        %swap3A_431 = tpu.vector_load %arg14[%swap3A_429, %swap3A_430] {strides = array<i32>} : memref<128x128xf32, #tpu.memory_space<vmem>>, vector<16xf32>,
        tpu.vector_store %arg14[%swap3A_429, %swap3A_430], %mul3A_428 {strides = array<i32>} : memref<128x128xf32, #tpu.memory_space<vmem>>, vector<16xf32>,
        %get3A_432 = arith.index_cast %add3A_386 : i32 to index
        %get3A_433 = arith.constant 96 : index
        %get3A_434 = tpu.vector_load %arg14[%get3A_432, %get3A_433] {strides = array<i32>} : memref<128x128xf32, #tpu.memory_space<vmem>>, vector<16xf32>,
        %mul3A_435 = arith.mulf %get3A_434, %gather3A_389 : vector<16xf32>
        %swap3A_436 = arith.index_cast %add3A_386 : i32 to index
        %swap3A_437 = arith.constant 96 : index
        %swap3A_438 = tpu.vector_load %arg14[%swap3A_436, %swap3A_437] {strides = array<i32>} : memref<128x128xf32, #tpu.memory_space<vmem>>, vector<16xf32>,
        tpu.vector_store %arg14[%swap3A_436, %swap3A_437], %mul3A_435 {strides = array<i32>} : memref<128x128xf32, #tpu.memory_space<vmem>>, vector<16xf32>,
        %get3A_439 = arith.index_cast %add3A_386 : i32 to index
        %get3A_440 = arith.constant 112 : index
        %get3A_441 = tpu.vector_load %arg14[%get3A_439, %get3A_440] {strides = array<i32>} : memref<128x128xf32, #tpu.memory_space<vmem>>, vector<16xf32>,
        %mul3A_442 = arith.mulf %get3A_441, %gather3A_389 : vector<16xf32>
        %swap3A_443 = arith.index_cast %add3A_386 : i32 to index
        %swap3A_444 = arith.constant 112 : index
        %swap3A_445 = tpu.vector_load %arg14[%swap3A_443, %swap3A_444] {strides = array<i32>} : memref<128x128xf32, #tpu.memory_space<vmem>>, vector<16xf32>,
        tpu.vector_store %arg14[%swap3A_443, %swap3A_444], %mul3A_442 {strides = array<i32>} : memref<128x128xf32, #tpu.memory_space<vmem>>, vector<16xf32>,
        %mul3A_446 = arith.constant 2 : i32
        %mul3A_447 = arith.muli %mul3A_446, %scan3A_381 : i32
        %add3A_448 = arith.constant 1 : i32
        %add3A_449 = arith.addi %mul3A_447, %add3A_448 : i32
        %add3A_450 = vector.broadcast %add3A_449 : i32 to vector<16xi32>
        %add3A_451 = arith.addi %broadcast_in_dim3A_3, %add3A_450 : vector<16xi32>
        %gather3A_452 = tpu.vector_load_idx %arg13[%broadcast_in_dim3A_3, %add3A_451] : memref<2x128xf32, #tpu.memory_space<vmem>>[vector<16xi32>, vector<16xi32>], vector<16xf32>,
        %get3A_453 = arith.index_cast %add3A_449 : i32 to index
        %get3A_454 = arith.constant 0 : index
        %get3A_455 = tpu.vector_load %arg14[%get3A_453, %get3A_454] {strides = array<i32>} : memref<128x128xf32, #tpu.memory_space<vmem>>, vector<16xf32>,
        %mul3A_456 = arith.mulf %get3A_455, %gather3A_452 : vector<16xf32>
        %swap3A_457 = arith.index_cast %add3A_449 : i32 to index
        %swap3A_458 = arith.constant 0 : index
        %swap3A_459 = tpu.vector_load %arg14[%swap3A_457, %swap3A_458] {strides = array<i32>} : memref<128x128xf32, #tpu.memory_space<vmem>>, vector<16xf32>,
        tpu.vector_store %arg14[%swap3A_457, %swap3A_458], %mul3A_456 {strides = array<i32>} : memref<128x128xf32, #tpu.memory_space<vmem>>, vector<16xf32>,
        %get3A_460 = arith.index_cast %add3A_449 : i32 to index
        %get3A_461 = arith.constant 16 : index
        %get3A_462 = tpu.vector_load %arg14[%get3A_460, %get3A_461] {strides = array<i32>} : memref<128x128xf32, #tpu.memory_space<vmem>>, vector<16xf32>,
        %mul3A_463 = arith.mulf %get3A_462, %gather3A_452 : vector<16xf32>
        %swap3A_464 = arith.index_cast %add3A_449 : i32 to index
        %swap3A_465 = arith.constant 16 : index
        %swap3A_466 = tpu.vector_load %arg14[%swap3A_464, %swap3A_465] {strides = array<i32>} : memref<128x128xf32, #tpu.memory_space<vmem>>, vector<16xf32>,
        tpu.vector_store %arg14[%swap3A_464, %swap3A_465], %mul3A_463 {strides = array<i32>} : memref<128x128xf32, #tpu.memory_space<vmem>>, vector<16xf32>,
        %get3A_467 = arith.index_cast %add3A_449 : i32 to index
        %get3A_468 = arith.constant 32 : index
        %get3A_469 = tpu.vector_load %arg14[%get3A_467, %get3A_468] {strides = array<i32>} : memref<128x128xf32, #tpu.memory_space<vmem>>, vector<16xf32>,
        %mul3A_470 = arith.mulf %get3A_469, %gather3A_452 : vector<16xf32>
        %swap3A_471 = arith.index_cast %add3A_449 : i32 to index
        %swap3A_472 = arith.constant 32 : index
        %swap3A_473 = tpu.vector_load %arg14[%swap3A_471, %swap3A_472] {strides = array<i32>} : memref<128x128xf32, #tpu.memory_space<vmem>>, vector<16xf32>,
        tpu.vector_store %arg14[%swap3A_471, %swap3A_472], %mul3A_470 {strides = array<i32>} : memref<128x128xf32, #tpu.memory_space<vmem>>, vector<16xf32>,
        %get3A_474 = arith.index_cast %add3A_449 : i32 to index
        %get3A_475 = arith.constant 48 : index
        %get3A_476 = tpu.vector_load %arg14[%get3A_474, %get3A_475] {strides = array<i32>} : memref<128x128xf32, #tpu.memory_space<vmem>>, vector<16xf32>,
        %mul3A_477 = arith.mulf %get3A_476, %gather3A_452 : vector<16xf32>
        %swap3A_478 = arith.index_cast %add3A_449 : i32 to index
        %swap3A_479 = arith.constant 48 : index
        %swap3A_480 = tpu.vector_load %arg14[%swap3A_478, %swap3A_479] {strides = array<i32>} : memref<128x128xf32, #tpu.memory_space<vmem>>, vector<16xf32>,
        tpu.vector_store %arg14[%swap3A_478, %swap3A_479], %mul3A_477 {strides = array<i32>} : memref<128x128xf32, #tpu.memory_space<vmem>>, vector<16xf32>,
        %get3A_481 = arith.index_cast %add3A_449 : i32 to index
        %get3A_482 = arith.constant 64 : index
        %get3A_483 = tpu.vector_load %arg14[%get3A_481, %get3A_482] {strides = array<i32>} : memref<128x128xf32, #tpu.memory_space<vmem>>, vector<16xf32>,
        %mul3A_484 = arith.mulf %get3A_483, %gather3A_452 : vector<16xf32>
        %swap3A_485 = arith.index_cast %add3A_449 : i32 to index
        %swap3A_486 = arith.constant 64 : index
        %swap3A_487 = tpu.vector_load %arg14[%swap3A_485, %swap3A_486] {strides = array<i32>} : memref<128x128xf32, #tpu.memory_space<vmem>>, vector<16xf32>,
        tpu.vector_store %arg14[%swap3A_485, %swap3A_486], %mul3A_484 {strides = array<i32>} : memref<128x128xf32, #tpu.memory_space<vmem>>, vector<16xf32>,
        %get3A_488 = arith.index_cast %add3A_449 : i32 to index
        %get3A_489 = arith.constant 80 : index
        %get3A_490 = tpu.vector_load %arg14[%get3A_488, %get3A_489] {strides = array<i32>} : memref<128x128xf32, #tpu.memory_space<vmem>>, vector<16xf32>,
        %mul3A_491 = arith.mulf %get3A_490, %gather3A_452 : vector<16xf32>
        %swap3A_492 = arith.index_cast %add3A_449 : i32 to index
        %swap3A_493 = arith.constant 80 : index
        %swap3A_494 = tpu.vector_load %arg14[%swap3A_492, %swap3A_493] {strides = array<i32>} : memref<128x128xf32, #tpu.memory_space<vmem>>, vector<16xf32>,
        tpu.vector_store %arg14[%swap3A_492, %swap3A_493], %mul3A_491 {strides = array<i32>} : memref<128x128xf32, #tpu.memory_space<vmem>>, vector<16xf32>,
        %get3A_495 = arith.index_cast %add3A_449 : i32 to index
        %get3A_496 = arith.constant 96 : index
        %get3A_497 = tpu.vector_load %arg14[%get3A_495, %get3A_496] {strides = array<i32>} : memref<128x128xf32, #tpu.memory_space<vmem>>, vector<16xf32>,
        %mul3A_498 = arith.mulf %get3A_497, %gather3A_452 : vector<16xf32>
        %swap3A_499 = arith.index_cast %add3A_449 : i32 to index
        %swap3A_500 = arith.constant 96 : index
        %swap3A_501 = tpu.vector_load %arg14[%swap3A_499, %swap3A_500] {strides = array<i32>} : memref<128x128xf32, #tpu.memory_space<vmem>>, vector<16xf32>,
        tpu.vector_store %arg14[%swap3A_499, %swap3A_500], %mul3A_498 {strides = array<i32>} : memref<128x128xf32, #tpu.memory_space<vmem>>, vector<16xf32>,
        %get3A_502 = arith.index_cast %add3A_449 : i32 to index
        %get3A_503 = arith.constant 112 : index
        %get3A_504 = tpu.vector_load %arg14[%get3A_502, %get3A_503] {strides = array<i32>} : memref<128x128xf32, #tpu.memory_space<vmem>>, vector<16xf32>,
        %mul3A_505 = arith.mulf %get3A_504, %gather3A_452 : vector<16xf32>
        %swap3A_506 = arith.index_cast %add3A_449 : i32 to index
        %swap3A_507 = arith.constant 112 : index
        %swap3A_508 = tpu.vector_load %arg14[%swap3A_506, %swap3A_507] {strides = array<i32>} : memref<128x128xf32, #tpu.memory_space<vmem>>, vector<16xf32>,
        tpu.vector_store %arg14[%swap3A_506, %swap3A_507], %mul3A_505 {strides = array<i32>} : memref<128x128xf32, #tpu.memory_space<vmem>>, vector<16xf32>,
        %scan3A_509 = arith.constant 0 : i32
        scf.yield %scan3A_509 : i32
      }
      %scan3A_378 = arith.constant 64 : i32
      %run_scoped3A_379 = arith.constant 1 : i32
      "tpu.region"() ({
        %run_scoped3A_381 = tpu.sem_alloc : memref<!tpu.dma_semaphore, #tpu.memory_space<semaphore_mem>>
        %dma_start3A_382 = arith.constant 0 : i32
        %dma_start3A_383 = tpu.memref_slice %arg9[%run_scoped3A_379, %dma_start3A_382] : memref<2x128xi32, #tpu.memory_space<vmem>> -> memref<1x128xi32, #tpu.memory_space<vmem>>
        %dma_start3A_384 = tpu.memref_squeeze %dma_start3A_383 : memref<1x128xi32, #tpu.memory_space<vmem>> -> memref<128xi32, #tpu.memory_space<vmem>>
        %dma_start3A_385 = arith.constant 0 : i32
        %dma_start3A_386 = arith.constant 0 : i32
        %dma_start3A_387 = tpu.memref_slice %arg15[%dma_start3A_385, %dma_start3A_386] : memref<10112x128xf32, #tpu.memory_space<vmem_shared>> -> memref<10112x128xf32, #tpu.memory_space<vmem_shared>>
        tpu.enqueue_indirect_dma source(%arg14 : memref<128x128xf32, #tpu.memory_space<vmem>>) target(%dma_start3A_387 : memref<10112x128xf32, #tpu.memory_space<vmem_shared>>) offsets(%dma_start3A_384 : memref<128xi32, #tpu.memory_space<vmem>>) semaphore(%run_scoped3A_381 : memref<!tpu.dma_semaphore, #tpu.memory_space<semaphore_mem>>) {add = true}
        %dma_wait3A_388 = arith.constant 0 : i32
        %dma_wait3A_389 = tpu.memref_slice %arg9[%run_scoped3A_379, %dma_wait3A_388] : memref<2x128xi32, #tpu.memory_space<vmem>> -> memref<1x128xi32, #tpu.memory_space<vmem>>
        %dma_wait3A_390 = tpu.memref_squeeze %dma_wait3A_389 : memref<1x128xi32, #tpu.memory_space<vmem>> -> memref<128xi32, #tpu.memory_space<vmem>>
        %dma_wait3A_391 = arith.constant 0 : i32
        %dma_wait3A_392 = arith.constant 0 : i32
        %dma_wait3A_393 = tpu.memref_slice %arg15[%dma_wait3A_391, %dma_wait3A_392] : memref<10112x128xf32, #tpu.memory_space<vmem_shared>> -> memref<10112x128xf32, #tpu.memory_space<vmem_shared>>
        tpu.wait_indirect_dma semaphore(%run_scoped3A_381 : memref<!tpu.dma_semaphore, #tpu.memory_space<semaphore_mem>>) src(%arg14 : memref<128x128xf32, #tpu.memory_space<vmem>>) dst(%dma_wait3A_393 : memref<10112x128xf32, #tpu.memory_space<vmem_shared>>)
        tpu.yield
      }) : () -> ()
      %scan3A_380 = arith.constant 0 : i32
      scf.yield %scan3A_380 : i32
    }
    %scan3A_35 = arith.constant 81 : i32
    %barrier3A_36 = arith.constant 0 : index
    tpu.barrier barrier_id(%barrier3A_36)
    "tpu.region"() ({
      %run_scoped3A = tpu.sem_alloc : memref<!tpu.dma_semaphore, #tpu.memory_space<semaphore_mem>>
      %dma_start3A = arith.constant 0 : i32
      %dma_start3A_37 = arith.constant 0 : i32
      %dma_start3A_38 = tpu.memref_slice %arg8[%add3A, %dma_start3A, %dma_start3A_37] : memref<32x79x128xf32, #tpu.memory_space<hbm>> -> memref<1x79x128xf32, #tpu.memory_space<hbm>>
      %dma_start3A_39 = tpu.memref_squeeze %dma_start3A_38 : memref<1x79x128xf32, #tpu.memory_space<hbm>> -> memref<79x128xf32, #tpu.memory_space<hbm>>
      %dma_start3A_40 = arith.constant 0 : i32
      %dma_start3A_41 = arith.constant 0 : i32
      %dma_start3A_42 = tpu.memref_slice %arg8[%add3A, %dma_start3A_40, %dma_start3A_41] : memref<32x79x128xf32, #tpu.memory_space<hbm>> -> memref<1x79x128xf32, #tpu.memory_space<hbm>>
      %dma_start3A_43 = tpu.memref_squeeze %dma_start3A_42 : memref<1x79x128xf32, #tpu.memory_space<hbm>> -> memref<79x128xf32, #tpu.memory_space<hbm>>
      tpu.enqueue_dma source(%arg12 : memref<79x128xf32, #tpu.memory_space<vmem>>) target(%dma_start3A_43 : memref<79x128xf32, #tpu.memory_space<hbm>>) target_semaphore(%run_scoped3A : memref<!tpu.dma_semaphore, #tpu.memory_space<semaphore_mem>>)
      %dma_wait3A = arith.constant 0 : i32
      %dma_wait3A_44 = arith.constant 0 : i32
      %dma_wait3A_45 = tpu.memref_slice %arg8[%add3A, %dma_wait3A, %dma_wait3A_44] : memref<32x79x128xf32, #tpu.memory_space<hbm>> -> memref<1x79x128xf32, #tpu.memory_space<hbm>>
      %dma_wait3A_46 = tpu.memref_squeeze %dma_wait3A_45 : memref<1x79x128xf32, #tpu.memory_space<hbm>> -> memref<79x128xf32, #tpu.memory_space<hbm>>
      %dma_wait3A_47 = arith.constant 0 : i32
      %dma_wait3A_48 = arith.constant 0 : i32
      %dma_wait3A_49 = tpu.memref_slice %arg8[%add3A, %dma_wait3A_47, %dma_wait3A_48] : memref<32x79x128xf32, #tpu.memory_space<hbm>> -> memref<1x79x128xf32, #tpu.memory_space<hbm>>
      %dma_wait3A_50 = tpu.memref_squeeze %dma_wait3A_49 : memref<1x79x128xf32, #tpu.memory_space<hbm>> -> memref<79x128xf32, #tpu.memory_space<hbm>>
      tpu.wait_dma2 semaphore(%run_scoped3A : memref<!tpu.dma_semaphore, #tpu.memory_space<semaphore_mem>>) src(%arg12 : memref<79x128xf32, #tpu.memory_space<vmem>>) dst(%dma_wait3A_50 : memref<79x128xf32, #tpu.memory_space<hbm>>)
      tpu.yield
    }) : () -> ()
    "tpu.region"() ({
      %run_scoped3A = tpu.sem_alloc : memref<!tpu.dma_semaphore, #tpu.memory_space<semaphore_mem>>
      %dma_start3A = arith.constant 0 : i32
      %dma_start3A_37 = tpu.memref_slice %arg7[%arg0, %mul3A_11, %dma_start3A] : memref<2x10112x128xf32, #tpu.memory_space<hbm>> -> memref<1x632x128xf32, #tpu.memory_space<hbm>>
      %dma_start3A_38 = tpu.memref_squeeze %dma_start3A_37 : memref<1x632x128xf32, #tpu.memory_space<hbm>> -> memref<632x128xf32, #tpu.memory_space<hbm>>
      %dma_start3A_39 = arith.constant 0 : i32
      %dma_start3A_40 = tpu.memref_slice %arg15[%mul3A_11, %dma_start3A_39] : memref<10112x128xf32, #tpu.memory_space<vmem_shared>> -> memref<632x128xf32, #tpu.memory_space<vmem_shared>>
      tpu.enqueue_dma source(%dma_start3A_40 : memref<632x128xf32, #tpu.memory_space<vmem_shared>>) target(%dma_start3A_38 : memref<632x128xf32, #tpu.memory_space<hbm>>) target_semaphore(%run_scoped3A : memref<!tpu.dma_semaphore, #tpu.memory_space<semaphore_mem>>)
      %dma_wait3A = arith.constant 0 : i32
      %dma_wait3A_41 = tpu.memref_slice %arg7[%arg0, %mul3A_11, %dma_wait3A] : memref<2x10112x128xf32, #tpu.memory_space<hbm>> -> memref<1x632x128xf32, #tpu.memory_space<hbm>>
      %dma_wait3A_42 = tpu.memref_squeeze %dma_wait3A_41 : memref<1x632x128xf32, #tpu.memory_space<hbm>> -> memref<632x128xf32, #tpu.memory_space<hbm>>
      %dma_wait3A_43 = arith.constant 0 : i32
      %dma_wait3A_44 = tpu.memref_slice %arg15[%mul3A_11, %dma_wait3A_43] : memref<10112x128xf32, #tpu.memory_space<vmem_shared>> -> memref<632x128xf32, #tpu.memory_space<vmem_shared>>
      tpu.wait_dma2 semaphore(%run_scoped3A : memref<!tpu.dma_semaphore, #tpu.memory_space<semaphore_mem>>) src(%dma_wait3A_44 : memref<632x128xf32, #tpu.memory_space<vmem_shared>>) dst(%dma_wait3A_42 : memref<632x128xf32, #tpu.memory_space<hbm>>)
      tpu.yield
    }) : () -> ()
    return
  }
}

module attributes {stable_mosaic.version = 14 : i64} {
  func.func @_proj_body(%arg0: memref<10112x128xf32, #tpu.memory_space<vmem>>, %arg1: memref<128x128xf32, #tpu.memory_space<vmem>>, %arg2: memref<128x1xf32, #tpu.memory_space<vmem>>, %arg3: memref<128x1xf32, #tpu.memory_space<vmem>>, %arg4: memref<10112x128xf32, #tpu.memory_space<vmem>>, %arg5: memref<10112x1xf32, #tpu.memory_space<vmem>>, %arg6: memref<10112x1xf32, #tpu.memory_space<vmem>>) attributes {dimension_semantics = [], scalar_prefetch = 0 : i64, scratch_operands = 0 : i64, tpu.core_type = #tpu.core_type<tc>} {
    %get3A = arith.constant 0 : index
    %get3A_0 = arith.constant 0 : index
    %get3A_1 = vector.load %arg0[%get3A, %get3A_0] : memref<10112x128xf32, #tpu.memory_space<vmem>>, vector<10112x128xf32>
    %get3A_2 = arith.constant 0 : index
    %get3A_3 = arith.constant 0 : index
    %get3A_4 = vector.load %arg1[%get3A_2, %get3A_3] : memref<128x128xf32, #tpu.memory_space<vmem>>, vector<128x128xf32>
    %dot_general3A = arith.constant dense<0.000000e+00> : vector<10112x128xf32>
    %dot_general3A_5 = tpu.matmul %get3A_1, %get3A_4, %dot_general3A {dimension_numbers = #tpu.dot_dimension_numbers<[1], [0], [0], [1], [0, 0, 1, 1], [], []>, transpose_lhs_hint = false} : vector<10112x128xf32>, vector<128x128xf32>, vector<10112x128xf32> -> vector<10112x128xf32>
    %swap3A = arith.constant 0 : index
    %swap3A_6 = arith.constant 0 : index
    %swap3A_7 = vector.load %arg4[%swap3A, %swap3A_6] : memref<10112x128xf32, #tpu.memory_space<vmem>>, vector<10112x128xf32>
    tpu.vector_store %arg4[%swap3A, %swap3A_6], %dot_general3A_5 {strides = array<i32>} : memref<10112x128xf32, #tpu.memory_space<vmem>>, vector<10112x128xf32>,
    %get3A_8 = arith.constant 0 : index
    %get3A_9 = arith.constant 0 : index
    %get3A_10 = vector.load %arg2[%get3A_8, %get3A_9] : memref<128x1xf32, #tpu.memory_space<vmem>>, vector<128x1xf32>
    %dot_general3A_11 = arith.constant dense<0.000000e+00> : vector<10112x1xf32>
    %dot_general3A_12 = tpu.matmul %dot_general3A_5, %get3A_10, %dot_general3A_11 {dimension_numbers = #tpu.dot_dimension_numbers<[1], [0], [0], [1], [0, 0, 1, 1], [], []>, transpose_lhs_hint = false} : vector<10112x128xf32>, vector<128x1xf32>, vector<10112x1xf32> -> vector<10112x1xf32>
    %swap3A_13 = arith.constant 0 : index
    %swap3A_14 = arith.constant 0 : index
    %swap3A_15 = vector.load %arg5[%swap3A_13, %swap3A_14] : memref<10112x1xf32, #tpu.memory_space<vmem>>, vector<10112x1xf32>
    tpu.vector_store %arg5[%swap3A_13, %swap3A_14], %dot_general3A_12 {strides = array<i32>} : memref<10112x1xf32, #tpu.memory_space<vmem>>, vector<10112x1xf32>,
    %get3A_16 = arith.constant 0 : index
    %get3A_17 = arith.constant 0 : index
    %get3A_18 = vector.load %arg3[%get3A_16, %get3A_17] : memref<128x1xf32, #tpu.memory_space<vmem>>, vector<128x1xf32>
    %dot_general3A_19 = arith.constant dense<0.000000e+00> : vector<10112x1xf32>
    %dot_general3A_20 = tpu.matmul %dot_general3A_5, %get3A_18, %dot_general3A_19 {dimension_numbers = #tpu.dot_dimension_numbers<[1], [0], [0], [1], [0, 0, 1, 1], [], []>, transpose_lhs_hint = false} : vector<10112x128xf32>, vector<128x1xf32>, vector<10112x1xf32> -> vector<10112x1xf32>
    %swap3A_21 = arith.constant 0 : index
    %swap3A_22 = arith.constant 0 : index
    %swap3A_23 = vector.load %arg6[%swap3A_21, %swap3A_22] : memref<10112x1xf32, #tpu.memory_space<vmem>>, vector<10112x1xf32>
    tpu.vector_store %arg6[%swap3A_21, %swap3A_22], %dot_general3A_20 {strides = array<i32>} : memref<10112x1xf32, #tpu.memory_space<vmem>>, vector<10112x1xf32>,
    return
  }
}

module attributes {stable_mosaic.version = 14 : i64} {
  func.func @_spsum_body(%arg0: memref<32x79x128xf32, #tpu.memory_space<vmem>>, %arg1: memref<79x128xf32, #tpu.memory_space<vmem>>) attributes {dimension_semantics = [], scalar_prefetch = 0 : i64, scratch_operands = 0 : i64, tpu.core_type = #tpu.core_type<tc>} {
    %get3A = arith.constant 0 : index
    %get3A_0 = arith.constant 0 : index
    %get3A_1 = arith.constant 0 : index
    %get3A_2 = vector.load %arg0[%get3A, %get3A_0, %get3A_1] : memref<32x79x128xf32, #tpu.memory_space<vmem>>, vector<1x79x128xf32>
    %get3A_3 = vector.shape_cast %get3A_2 : vector<1x79x128xf32> to vector<79x128xf32>
    %get3A_4 = arith.constant 1 : index
    %get3A_5 = arith.constant 0 : index
    %get3A_6 = arith.constant 0 : index
    %get3A_7 = vector.load %arg0[%get3A_4, %get3A_5, %get3A_6] : memref<32x79x128xf32, #tpu.memory_space<vmem>>, vector<1x79x128xf32>
    %get3A_8 = vector.shape_cast %get3A_7 : vector<1x79x128xf32> to vector<79x128xf32>
    %add3A = arith.addf %get3A_3, %get3A_8 : vector<79x128xf32>
    %get3A_9 = arith.constant 2 : index
    %get3A_10 = arith.constant 0 : index
    %get3A_11 = arith.constant 0 : index
    %get3A_12 = vector.load %arg0[%get3A_9, %get3A_10, %get3A_11] : memref<32x79x128xf32, #tpu.memory_space<vmem>>, vector<1x79x128xf32>
    %get3A_13 = vector.shape_cast %get3A_12 : vector<1x79x128xf32> to vector<79x128xf32>
    %add3A_14 = arith.addf %add3A, %get3A_13 : vector<79x128xf32>
    %get3A_15 = arith.constant 3 : index
    %get3A_16 = arith.constant 0 : index
    %get3A_17 = arith.constant 0 : index
    %get3A_18 = vector.load %arg0[%get3A_15, %get3A_16, %get3A_17] : memref<32x79x128xf32, #tpu.memory_space<vmem>>, vector<1x79x128xf32>
    %get3A_19 = vector.shape_cast %get3A_18 : vector<1x79x128xf32> to vector<79x128xf32>
    %add3A_20 = arith.addf %add3A_14, %get3A_19 : vector<79x128xf32>
    %get3A_21 = arith.constant 4 : index
    %get3A_22 = arith.constant 0 : index
    %get3A_23 = arith.constant 0 : index
    %get3A_24 = vector.load %arg0[%get3A_21, %get3A_22, %get3A_23] : memref<32x79x128xf32, #tpu.memory_space<vmem>>, vector<1x79x128xf32>
    %get3A_25 = vector.shape_cast %get3A_24 : vector<1x79x128xf32> to vector<79x128xf32>
    %add3A_26 = arith.addf %add3A_20, %get3A_25 : vector<79x128xf32>
    %get3A_27 = arith.constant 5 : index
    %get3A_28 = arith.constant 0 : index
    %get3A_29 = arith.constant 0 : index
    %get3A_30 = vector.load %arg0[%get3A_27, %get3A_28, %get3A_29] : memref<32x79x128xf32, #tpu.memory_space<vmem>>, vector<1x79x128xf32>
    %get3A_31 = vector.shape_cast %get3A_30 : vector<1x79x128xf32> to vector<79x128xf32>
    %add3A_32 = arith.addf %add3A_26, %get3A_31 : vector<79x128xf32>
    %get3A_33 = arith.constant 6 : index
    %get3A_34 = arith.constant 0 : index
    %get3A_35 = arith.constant 0 : index
    %get3A_36 = vector.load %arg0[%get3A_33, %get3A_34, %get3A_35] : memref<32x79x128xf32, #tpu.memory_space<vmem>>, vector<1x79x128xf32>
    %get3A_37 = vector.shape_cast %get3A_36 : vector<1x79x128xf32> to vector<79x128xf32>
    %add3A_38 = arith.addf %add3A_32, %get3A_37 : vector<79x128xf32>
    %get3A_39 = arith.constant 7 : index
    %get3A_40 = arith.constant 0 : index
    %get3A_41 = arith.constant 0 : index
    %get3A_42 = vector.load %arg0[%get3A_39, %get3A_40, %get3A_41] : memref<32x79x128xf32, #tpu.memory_space<vmem>>, vector<1x79x128xf32>
    %get3A_43 = vector.shape_cast %get3A_42 : vector<1x79x128xf32> to vector<79x128xf32>
    %add3A_44 = arith.addf %add3A_38, %get3A_43 : vector<79x128xf32>
    %get3A_45 = arith.constant 8 : index
    %get3A_46 = arith.constant 0 : index
    %get3A_47 = arith.constant 0 : index
    %get3A_48 = vector.load %arg0[%get3A_45, %get3A_46, %get3A_47] : memref<32x79x128xf32, #tpu.memory_space<vmem>>, vector<1x79x128xf32>
    %get3A_49 = vector.shape_cast %get3A_48 : vector<1x79x128xf32> to vector<79x128xf32>
    %add3A_50 = arith.addf %add3A_44, %get3A_49 : vector<79x128xf32>
    %get3A_51 = arith.constant 9 : index
    %get3A_52 = arith.constant 0 : index
    %get3A_53 = arith.constant 0 : index
    %get3A_54 = vector.load %arg0[%get3A_51, %get3A_52, %get3A_53] : memref<32x79x128xf32, #tpu.memory_space<vmem>>, vector<1x79x128xf32>
    %get3A_55 = vector.shape_cast %get3A_54 : vector<1x79x128xf32> to vector<79x128xf32>
    %add3A_56 = arith.addf %add3A_50, %get3A_55 : vector<79x128xf32>
    %get3A_57 = arith.constant 10 : index
    %get3A_58 = arith.constant 0 : index
    %get3A_59 = arith.constant 0 : index
    %get3A_60 = vector.load %arg0[%get3A_57, %get3A_58, %get3A_59] : memref<32x79x128xf32, #tpu.memory_space<vmem>>, vector<1x79x128xf32>
    %get3A_61 = vector.shape_cast %get3A_60 : vector<1x79x128xf32> to vector<79x128xf32>
    %add3A_62 = arith.addf %add3A_56, %get3A_61 : vector<79x128xf32>
    %get3A_63 = arith.constant 11 : index
    %get3A_64 = arith.constant 0 : index
    %get3A_65 = arith.constant 0 : index
    %get3A_66 = vector.load %arg0[%get3A_63, %get3A_64, %get3A_65] : memref<32x79x128xf32, #tpu.memory_space<vmem>>, vector<1x79x128xf32>
    %get3A_67 = vector.shape_cast %get3A_66 : vector<1x79x128xf32> to vector<79x128xf32>
    %add3A_68 = arith.addf %add3A_62, %get3A_67 : vector<79x128xf32>
    %get3A_69 = arith.constant 12 : index
    %get3A_70 = arith.constant 0 : index
    %get3A_71 = arith.constant 0 : index
    %get3A_72 = vector.load %arg0[%get3A_69, %get3A_70, %get3A_71] : memref<32x79x128xf32, #tpu.memory_space<vmem>>, vector<1x79x128xf32>
    %get3A_73 = vector.shape_cast %get3A_72 : vector<1x79x128xf32> to vector<79x128xf32>
    %add3A_74 = arith.addf %add3A_68, %get3A_73 : vector<79x128xf32>
    %get3A_75 = arith.constant 13 : index
    %get3A_76 = arith.constant 0 : index
    %get3A_77 = arith.constant 0 : index
    %get3A_78 = vector.load %arg0[%get3A_75, %get3A_76, %get3A_77] : memref<32x79x128xf32, #tpu.memory_space<vmem>>, vector<1x79x128xf32>
    %get3A_79 = vector.shape_cast %get3A_78 : vector<1x79x128xf32> to vector<79x128xf32>
    %add3A_80 = arith.addf %add3A_74, %get3A_79 : vector<79x128xf32>
    %get3A_81 = arith.constant 14 : index
    %get3A_82 = arith.constant 0 : index
    %get3A_83 = arith.constant 0 : index
    %get3A_84 = vector.load %arg0[%get3A_81, %get3A_82, %get3A_83] : memref<32x79x128xf32, #tpu.memory_space<vmem>>, vector<1x79x128xf32>
    %get3A_85 = vector.shape_cast %get3A_84 : vector<1x79x128xf32> to vector<79x128xf32>
    %add3A_86 = arith.addf %add3A_80, %get3A_85 : vector<79x128xf32>
    %get3A_87 = arith.constant 15 : index
    %get3A_88 = arith.constant 0 : index
    %get3A_89 = arith.constant 0 : index
    %get3A_90 = vector.load %arg0[%get3A_87, %get3A_88, %get3A_89] : memref<32x79x128xf32, #tpu.memory_space<vmem>>, vector<1x79x128xf32>
    %get3A_91 = vector.shape_cast %get3A_90 : vector<1x79x128xf32> to vector<79x128xf32>
    %add3A_92 = arith.addf %add3A_86, %get3A_91 : vector<79x128xf32>
    %get3A_93 = arith.constant 16 : index
    %get3A_94 = arith.constant 0 : index
    %get3A_95 = arith.constant 0 : index
    %get3A_96 = vector.load %arg0[%get3A_93, %get3A_94, %get3A_95] : memref<32x79x128xf32, #tpu.memory_space<vmem>>, vector<1x79x128xf32>
    %get3A_97 = vector.shape_cast %get3A_96 : vector<1x79x128xf32> to vector<79x128xf32>
    %add3A_98 = arith.addf %add3A_92, %get3A_97 : vector<79x128xf32>
    %get3A_99 = arith.constant 17 : index
    %get3A_100 = arith.constant 0 : index
    %get3A_101 = arith.constant 0 : index
    %get3A_102 = vector.load %arg0[%get3A_99, %get3A_100, %get3A_101] : memref<32x79x128xf32, #tpu.memory_space<vmem>>, vector<1x79x128xf32>
    %get3A_103 = vector.shape_cast %get3A_102 : vector<1x79x128xf32> to vector<79x128xf32>
    %add3A_104 = arith.addf %add3A_98, %get3A_103 : vector<79x128xf32>
    %get3A_105 = arith.constant 18 : index
    %get3A_106 = arith.constant 0 : index
    %get3A_107 = arith.constant 0 : index
    %get3A_108 = vector.load %arg0[%get3A_105, %get3A_106, %get3A_107] : memref<32x79x128xf32, #tpu.memory_space<vmem>>, vector<1x79x128xf32>
    %get3A_109 = vector.shape_cast %get3A_108 : vector<1x79x128xf32> to vector<79x128xf32>
    %add3A_110 = arith.addf %add3A_104, %get3A_109 : vector<79x128xf32>
    %get3A_111 = arith.constant 19 : index
    %get3A_112 = arith.constant 0 : index
    %get3A_113 = arith.constant 0 : index
    %get3A_114 = vector.load %arg0[%get3A_111, %get3A_112, %get3A_113] : memref<32x79x128xf32, #tpu.memory_space<vmem>>, vector<1x79x128xf32>
    %get3A_115 = vector.shape_cast %get3A_114 : vector<1x79x128xf32> to vector<79x128xf32>
    %add3A_116 = arith.addf %add3A_110, %get3A_115 : vector<79x128xf32>
    %get3A_117 = arith.constant 20 : index
    %get3A_118 = arith.constant 0 : index
    %get3A_119 = arith.constant 0 : index
    %get3A_120 = vector.load %arg0[%get3A_117, %get3A_118, %get3A_119] : memref<32x79x128xf32, #tpu.memory_space<vmem>>, vector<1x79x128xf32>
    %get3A_121 = vector.shape_cast %get3A_120 : vector<1x79x128xf32> to vector<79x128xf32>
    %add3A_122 = arith.addf %add3A_116, %get3A_121 : vector<79x128xf32>
    %get3A_123 = arith.constant 21 : index
    %get3A_124 = arith.constant 0 : index
    %get3A_125 = arith.constant 0 : index
    %get3A_126 = vector.load %arg0[%get3A_123, %get3A_124, %get3A_125] : memref<32x79x128xf32, #tpu.memory_space<vmem>>, vector<1x79x128xf32>
    %get3A_127 = vector.shape_cast %get3A_126 : vector<1x79x128xf32> to vector<79x128xf32>
    %add3A_128 = arith.addf %add3A_122, %get3A_127 : vector<79x128xf32>
    %get3A_129 = arith.constant 22 : index
    %get3A_130 = arith.constant 0 : index
    %get3A_131 = arith.constant 0 : index
    %get3A_132 = vector.load %arg0[%get3A_129, %get3A_130, %get3A_131] : memref<32x79x128xf32, #tpu.memory_space<vmem>>, vector<1x79x128xf32>
    %get3A_133 = vector.shape_cast %get3A_132 : vector<1x79x128xf32> to vector<79x128xf32>
    %add3A_134 = arith.addf %add3A_128, %get3A_133 : vector<79x128xf32>
    %get3A_135 = arith.constant 23 : index
    %get3A_136 = arith.constant 0 : index
    %get3A_137 = arith.constant 0 : index
    %get3A_138 = vector.load %arg0[%get3A_135, %get3A_136, %get3A_137] : memref<32x79x128xf32, #tpu.memory_space<vmem>>, vector<1x79x128xf32>
    %get3A_139 = vector.shape_cast %get3A_138 : vector<1x79x128xf32> to vector<79x128xf32>
    %add3A_140 = arith.addf %add3A_134, %get3A_139 : vector<79x128xf32>
    %get3A_141 = arith.constant 24 : index
    %get3A_142 = arith.constant 0 : index
    %get3A_143 = arith.constant 0 : index
    %get3A_144 = vector.load %arg0[%get3A_141, %get3A_142, %get3A_143] : memref<32x79x128xf32, #tpu.memory_space<vmem>>, vector<1x79x128xf32>
    %get3A_145 = vector.shape_cast %get3A_144 : vector<1x79x128xf32> to vector<79x128xf32>
    %add3A_146 = arith.addf %add3A_140, %get3A_145 : vector<79x128xf32>
    %get3A_147 = arith.constant 25 : index
    %get3A_148 = arith.constant 0 : index
    %get3A_149 = arith.constant 0 : index
    %get3A_150 = vector.load %arg0[%get3A_147, %get3A_148, %get3A_149] : memref<32x79x128xf32, #tpu.memory_space<vmem>>, vector<1x79x128xf32>
    %get3A_151 = vector.shape_cast %get3A_150 : vector<1x79x128xf32> to vector<79x128xf32>
    %add3A_152 = arith.addf %add3A_146, %get3A_151 : vector<79x128xf32>
    %get3A_153 = arith.constant 26 : index
    %get3A_154 = arith.constant 0 : index
    %get3A_155 = arith.constant 0 : index
    %get3A_156 = vector.load %arg0[%get3A_153, %get3A_154, %get3A_155] : memref<32x79x128xf32, #tpu.memory_space<vmem>>, vector<1x79x128xf32>
    %get3A_157 = vector.shape_cast %get3A_156 : vector<1x79x128xf32> to vector<79x128xf32>
    %add3A_158 = arith.addf %add3A_152, %get3A_157 : vector<79x128xf32>
    %get3A_159 = arith.constant 27 : index
    %get3A_160 = arith.constant 0 : index
    %get3A_161 = arith.constant 0 : index
    %get3A_162 = vector.load %arg0[%get3A_159, %get3A_160, %get3A_161] : memref<32x79x128xf32, #tpu.memory_space<vmem>>, vector<1x79x128xf32>
    %get3A_163 = vector.shape_cast %get3A_162 : vector<1x79x128xf32> to vector<79x128xf32>
    %add3A_164 = arith.addf %add3A_158, %get3A_163 : vector<79x128xf32>
    %get3A_165 = arith.constant 28 : index
    %get3A_166 = arith.constant 0 : index
    %get3A_167 = arith.constant 0 : index
    %get3A_168 = vector.load %arg0[%get3A_165, %get3A_166, %get3A_167] : memref<32x79x128xf32, #tpu.memory_space<vmem>>, vector<1x79x128xf32>
    %get3A_169 = vector.shape_cast %get3A_168 : vector<1x79x128xf32> to vector<79x128xf32>
    %add3A_170 = arith.addf %add3A_164, %get3A_169 : vector<79x128xf32>
    %get3A_171 = arith.constant 29 : index
    %get3A_172 = arith.constant 0 : index
    %get3A_173 = arith.constant 0 : index
    %get3A_174 = vector.load %arg0[%get3A_171, %get3A_172, %get3A_173] : memref<32x79x128xf32, #tpu.memory_space<vmem>>, vector<1x79x128xf32>
    %get3A_175 = vector.shape_cast %get3A_174 : vector<1x79x128xf32> to vector<79x128xf32>
    %add3A_176 = arith.addf %add3A_170, %get3A_175 : vector<79x128xf32>
    %get3A_177 = arith.constant 30 : index
    %get3A_178 = arith.constant 0 : index
    %get3A_179 = arith.constant 0 : index
    %get3A_180 = vector.load %arg0[%get3A_177, %get3A_178, %get3A_179] : memref<32x79x128xf32, #tpu.memory_space<vmem>>, vector<1x79x128xf32>
    %get3A_181 = vector.shape_cast %get3A_180 : vector<1x79x128xf32> to vector<79x128xf32>
    %add3A_182 = arith.addf %add3A_176, %get3A_181 : vector<79x128xf32>
    %get3A_183 = arith.constant 31 : index
    %get3A_184 = arith.constant 0 : index
    %get3A_185 = arith.constant 0 : index
    %get3A_186 = vector.load %arg0[%get3A_183, %get3A_184, %get3A_185] : memref<32x79x128xf32, #tpu.memory_space<vmem>>, vector<1x79x128xf32>
    %get3A_187 = vector.shape_cast %get3A_186 : vector<1x79x128xf32> to vector<79x128xf32>
    %add3A_188 = arith.addf %add3A_182, %get3A_187 : vector<79x128xf32>
    %eq3A = arith.constant 0.000000e+00 : f32
    %eq3A_189 = vector.broadcast %eq3A : f32 to vector<79x128xf32>
    %eq3A_190 = arith.cmpf oeq, %add3A_188, %eq3A_189 : vector<79x128xf32>
    %jit3A = arith.constant 1.000000e+00 : f32
    %broadcast_in_dim3A = vector.broadcast %jit3A : f32 to vector<79x128xf32>
    %select_n3A = arith.select %eq3A_190, %broadcast_in_dim3A, %add3A_188 : vector<79x128xi1>, vector<79x128xf32>
    %swap3A = arith.constant 0 : index
    %swap3A_191 = arith.constant 0 : index
    %swap3A_192 = vector.load %arg1[%swap3A, %swap3A_191] : memref<79x128xf32, #tpu.memory_space<vmem>>, vector<79x128xf32>
    tpu.vector_store %arg1[%swap3A, %swap3A_191], %select_n3A {strides = array<i32>} : memref<79x128xf32, #tpu.memory_space<vmem>>, vector<79x128xf32>,
    return
  }
}

module attributes {stable_mosaic.version = 14 : i64} {
  func.func @_combine_body(%arg0: memref<2x10112x128xf32, #tpu.memory_space<vmem>>, %arg1: memref<10112x1xf32, #tpu.memory_space<vmem>>, %arg2: memref<1x128xf32, #tpu.memory_space<vmem>>, %arg3: memref<128x128xf32, #tpu.memory_space<vmem>>, %arg4: memref<128x1xf32, #tpu.memory_space<vmem>>, %arg5: memref<128x1xf32, #tpu.memory_space<vmem>>, %arg6: memref<10112x128xf32, #tpu.memory_space<vmem>>, %arg7: memref<10112x1xf32, #tpu.memory_space<vmem>>, %arg8: memref<10112x1xf32, #tpu.memory_space<vmem>>) attributes {dimension_semantics = [], scalar_prefetch = 0 : i64, scratch_operands = 0 : i64, tpu.core_type = #tpu.core_type<tc>} {
    %get3A = arith.constant 0 : index
    %get3A_0 = arith.constant 0 : index
    %get3A_1 = arith.constant 0 : index
    %get3A_2 = vector.load %arg0[%get3A, %get3A_0, %get3A_1] : memref<2x10112x128xf32, #tpu.memory_space<vmem>>, vector<1x10112x128xf32>
    %get3A_3 = vector.shape_cast %get3A_2 : vector<1x10112x128xf32> to vector<10112x128xf32>
    %get3A_4 = arith.constant 1 : index
    %get3A_5 = arith.constant 0 : index
    %get3A_6 = arith.constant 0 : index
    %get3A_7 = vector.load %arg0[%get3A_4, %get3A_5, %get3A_6] : memref<2x10112x128xf32, #tpu.memory_space<vmem>>, vector<1x10112x128xf32>
    %get3A_8 = vector.shape_cast %get3A_7 : vector<1x10112x128xf32> to vector<10112x128xf32>
    %add3A = arith.addf %get3A_3, %get3A_8 : vector<10112x128xf32>
    %get3A_9 = arith.constant 0 : index
    %get3A_10 = arith.constant 0 : index
    %get3A_11 = vector.load %arg1[%get3A_9, %get3A_10] : memref<10112x1xf32, #tpu.memory_space<vmem>>, vector<10112x1xf32>
    %div3A = vector.broadcast %get3A_11 : vector<10112x1xf32> to vector<10112x128xf32>
    %div3A_12 = arith.divf %add3A, %div3A : vector<10112x128xf32>
    %get3A_13 = arith.constant 0 : index
    %get3A_14 = arith.constant 0 : index
    %get3A_15 = vector.load %arg2[%get3A_13, %get3A_14] : memref<1x128xf32, #tpu.memory_space<vmem>>, vector<1x128xf32>
    %add3A_16 = vector.broadcast %get3A_15 : vector<1x128xf32> to vector<10112x128xf32>
    %add3A_17 = arith.addf %div3A_12, %add3A_16 : vector<10112x128xf32>
    %max3A = arith.constant 0.000000e+00 : f32
    %max3A_18 = vector.broadcast %max3A : f32 to vector<10112x128xf32>
    %max3A_19 = arith.maximumf %add3A_17, %max3A_18 : vector<10112x128xf32>
    %get3A_20 = arith.constant 0 : index
    %get3A_21 = arith.constant 0 : index
    %get3A_22 = vector.load %arg3[%get3A_20, %get3A_21] : memref<128x128xf32, #tpu.memory_space<vmem>>, vector<128x128xf32>
    %dot_general3A = arith.constant dense<0.000000e+00> : vector<10112x128xf32>
    %dot_general3A_23 = tpu.matmul %max3A_19, %get3A_22, %dot_general3A {dimension_numbers = #tpu.dot_dimension_numbers<[1], [0], [0], [1], [0, 0, 1, 1], [], []>, transpose_lhs_hint = false} : vector<10112x128xf32>, vector<128x128xf32>, vector<10112x128xf32> -> vector<10112x128xf32>
    %swap3A = arith.constant 0 : index
    %swap3A_24 = arith.constant 0 : index
    %swap3A_25 = vector.load %arg6[%swap3A, %swap3A_24] : memref<10112x128xf32, #tpu.memory_space<vmem>>, vector<10112x128xf32>
    tpu.vector_store %arg6[%swap3A, %swap3A_24], %dot_general3A_23 {strides = array<i32>} : memref<10112x128xf32, #tpu.memory_space<vmem>>, vector<10112x128xf32>,
    %get3A_26 = arith.constant 0 : index
    %get3A_27 = arith.constant 0 : index
    %get3A_28 = vector.load %arg4[%get3A_26, %get3A_27] : memref<128x1xf32, #tpu.memory_space<vmem>>, vector<128x1xf32>
    %dot_general3A_29 = arith.constant dense<0.000000e+00> : vector<10112x1xf32>
    %dot_general3A_30 = tpu.matmul %dot_general3A_23, %get3A_28, %dot_general3A_29 {dimension_numbers = #tpu.dot_dimension_numbers<[1], [0], [0], [1], [0, 0, 1, 1], [], []>, transpose_lhs_hint = false} : vector<10112x128xf32>, vector<128x1xf32>, vector<10112x1xf32> -> vector<10112x1xf32>
    %swap3A_31 = arith.constant 0 : index
    %swap3A_32 = arith.constant 0 : index
    %swap3A_33 = vector.load %arg7[%swap3A_31, %swap3A_32] : memref<10112x1xf32, #tpu.memory_space<vmem>>, vector<10112x1xf32>
    tpu.vector_store %arg7[%swap3A_31, %swap3A_32], %dot_general3A_30 {strides = array<i32>} : memref<10112x1xf32, #tpu.memory_space<vmem>>, vector<10112x1xf32>,
    %get3A_34 = arith.constant 0 : index
    %get3A_35 = arith.constant 0 : index
    %get3A_36 = vector.load %arg5[%get3A_34, %get3A_35] : memref<128x1xf32, #tpu.memory_space<vmem>>, vector<128x1xf32>
    %dot_general3A_37 = arith.constant dense<0.000000e+00> : vector<10112x1xf32>
    %dot_general3A_38 = tpu.matmul %dot_general3A_23, %get3A_36, %dot_general3A_37 {dimension_numbers = #tpu.dot_dimension_numbers<[1], [0], [0], [1], [0, 0, 1, 1], [], []>, transpose_lhs_hint = false} : vector<10112x128xf32>, vector<128x1xf32>, vector<10112x1xf32> -> vector<10112x1xf32>
    %swap3A_39 = arith.constant 0 : index
    %swap3A_40 = arith.constant 0 : index
    %swap3A_41 = vector.load %arg8[%swap3A_39, %swap3A_40] : memref<10112x1xf32, #tpu.memory_space<vmem>>, vector<10112x1xf32>
    tpu.vector_store %arg8[%swap3A_39, %swap3A_40], %dot_general3A_38 {strides = array<i32>} : memref<10112x1xf32, #tpu.memory_space<vmem>>, vector<10112x1xf32>,
    return
  }
}

module attributes {stable_mosaic.version = 14 : i64} {
  func.func @_final_body(%arg0: memref<2x10112x128xf32, #tpu.memory_space<vmem>>, %arg1: memref<10112x1xf32, #tpu.memory_space<vmem>>, %arg2: memref<1x128xf32, #tpu.memory_space<vmem>>, %arg3: memref<10000x1xi32, #tpu.memory_space<vmem>>, %arg4: memref<1x10000xi32, #tpu.memory_space<vmem>>, %arg5: memref<128x1xf32, #tpu.memory_space<vmem>>, %arg6: memref<1x1xf32, #tpu.memory_space<vmem>>, %arg7: memref<128x128xf32, #tpu.memory_space<vmem>>, %arg8: memref<1x128xf32, #tpu.memory_space<vmem>>, %arg9: memref<64x128xf32, #tpu.memory_space<vmem>>) attributes {dimension_semantics = [], scalar_prefetch = 0 : i64, scratch_operands = 0 : i64, tpu.core_type = #tpu.core_type<tc>} {
    %get3A = arith.constant 0 : index
    %get3A_0 = arith.constant 0 : index
    %get3A_1 = arith.constant 0 : index
    %get3A_2 = vector.load %arg0[%get3A, %get3A_0, %get3A_1] : memref<2x10112x128xf32, #tpu.memory_space<vmem>>, vector<1x10112x128xf32>
    %get3A_3 = vector.shape_cast %get3A_2 : vector<1x10112x128xf32> to vector<10112x128xf32>
    %get3A_4 = arith.constant 1 : index
    %get3A_5 = arith.constant 0 : index
    %get3A_6 = arith.constant 0 : index
    %get3A_7 = vector.load %arg0[%get3A_4, %get3A_5, %get3A_6] : memref<2x10112x128xf32, #tpu.memory_space<vmem>>, vector<1x10112x128xf32>
    %get3A_8 = vector.shape_cast %get3A_7 : vector<1x10112x128xf32> to vector<10112x128xf32>
    %add3A = arith.addf %get3A_3, %get3A_8 : vector<10112x128xf32>
    %get3A_9 = arith.constant 0 : index
    %get3A_10 = arith.constant 0 : index
    %get3A_11 = vector.load %arg1[%get3A_9, %get3A_10] : memref<10112x1xf32, #tpu.memory_space<vmem>>, vector<10112x1xf32>
    %div3A = vector.broadcast %get3A_11 : vector<10112x1xf32> to vector<10112x128xf32>
    %div3A_12 = arith.divf %add3A, %div3A : vector<10112x128xf32>
    %get3A_13 = arith.constant 0 : index
    %get3A_14 = arith.constant 0 : index
    %get3A_15 = vector.load %arg2[%get3A_13, %get3A_14] : memref<1x128xf32, #tpu.memory_space<vmem>>, vector<1x128xf32>
    %add3A_16 = vector.broadcast %get3A_15 : vector<1x128xf32> to vector<10112x128xf32>
    %add3A_17 = arith.addf %div3A_12, %add3A_16 : vector<10112x128xf32>
    %slice3A = vector.extract_strided_slice %add3A_17 {offsets = [0, 0], sizes = [10000, 128], strides = [1, 1]} : vector<10112x128xf32> to vector<10000x128xf32>
    %get3A_18 = arith.constant 0 : index
    %get3A_19 = arith.constant 0 : index
    %get3A_20 = vector.load %arg5[%get3A_18, %get3A_19] : memref<128x1xf32, #tpu.memory_space<vmem>>, vector<128x1xf32>
    %dot_general3A = arith.constant dense<0.000000e+00> : vector<10000x1xf32>
    %dot_general3A_21 = tpu.matmul %slice3A, %get3A_20, %dot_general3A {dimension_numbers = #tpu.dot_dimension_numbers<[1], [0], [0], [1], [0, 0, 1, 1], [], []>, transpose_lhs_hint = false} : vector<10000x128xf32>, vector<128x1xf32>, vector<10000x1xf32> -> vector<10000x1xf32>
    %get3A_22 = arith.constant 0 : index
    %get3A_23 = arith.constant 0 : index
    %get3A_24 = vector.load %arg6[%get3A_22, %get3A_23] : memref<1x1xf32, #tpu.memory_space<vmem>>, vector<1x1xf32>
    %add3A_25 = vector.broadcast %get3A_24 : vector<1x1xf32> to vector<10000x1xf32>
    %add3A_26 = arith.addf %dot_general3A_21, %add3A_25 : vector<10000x1xf32>
    %iota3A = tpu.iota {dimensions = array<i32: 1>} : vector<10000x64xi32>
    %get3A_27 = arith.constant 0 : index
    %get3A_28 = arith.constant 0 : index
    %get3A_29 = vector.load %arg3[%get3A_27, %get3A_28] : memref<10000x1xi32, #tpu.memory_space<vmem>>, vector<10000x1xi32>
    %eq3A = vector.broadcast %get3A_29 : vector<10000x1xi32> to vector<10000x64xi32>
    %eq3A_30 = arith.cmpi eq, %iota3A, %eq3A : vector<10000x64xi32>
    %jit3A = arith.constant -1.000000e+30 : f32
    %broadcast_in_dim3A = vector.shape_cast %add3A_26 : vector<10000x1xf32> to vector<10000x1xf32>
    %broadcast_in_dim3A_31 = vector.broadcast %broadcast_in_dim3A : vector<10000x1xf32> to vector<10000x64xf32>
    %broadcast_in_dim3A_32 = vector.broadcast %jit3A : f32 to vector<10000x64xf32>
    %select_n3A = arith.select %eq3A_30, %broadcast_in_dim3A_31, %broadcast_in_dim3A_32 : vector<10000x64xi1>, vector<10000x64xf32>
    %reduce_max3A = arith.constant dense<0xFF800000> : vector<64xf32>
    %reduce_max3A_33 = vector.multi_reduction <maximumf>, %select_n3A, %reduce_max3A [0] : vector<10000x64xf32> to vector<64xf32>
    %broadcast_in_dim3A_34 = vector.shape_cast %reduce_max3A_33 : vector<64xf32> to vector<1x64xf32>
    %jit3A_35 = arith.constant -1.000000e+30 : f32
    %broadcast_in_dim3A_36 = vector.shape_cast %broadcast_in_dim3A_34 : vector<1x64xf32> to vector<1x64xf32>
    %broadcast_in_dim3A_37 = vector.broadcast %broadcast_in_dim3A_36 : vector<1x64xf32> to vector<10000x64xf32>
    %broadcast_in_dim3A_38 = vector.broadcast %jit3A_35 : f32 to vector<10000x64xf32>
    %select_n3A_39 = arith.select %eq3A_30, %broadcast_in_dim3A_37, %broadcast_in_dim3A_38 : vector<10000x64xi1>, vector<10000x64xf32>
    %reduce_max3A_40 = arith.constant dense<0xFF800000> : vector<10000xf32>
    %reduce_max3A_41 = vector.multi_reduction <maximumf>, %select_n3A_39, %reduce_max3A_40 [1] : vector<10000x64xf32> to vector<10000xf32>
    %broadcast_in_dim3A_42 = vector.shape_cast %reduce_max3A_41 : vector<10000xf32> to vector<10000x1xf32>
    %sub3A = arith.subf %add3A_26, %broadcast_in_dim3A_42 : vector<10000x1xf32>
    %exp3A = math.exp %sub3A : vector<10000x1xf32>
    %jit3A_43 = arith.constant 0.000000e+00 : f32
    %broadcast_in_dim3A_44 = vector.shape_cast %exp3A : vector<10000x1xf32> to vector<10000x1xf32>
    %broadcast_in_dim3A_45 = vector.broadcast %broadcast_in_dim3A_44 : vector<10000x1xf32> to vector<10000x64xf32>
    %broadcast_in_dim3A_46 = vector.broadcast %jit3A_43 : f32 to vector<10000x64xf32>
    %select_n3A_47 = arith.select %eq3A_30, %broadcast_in_dim3A_45, %broadcast_in_dim3A_46 : vector<10000x64xi1>, vector<10000x64xf32>
    %reduce_sum3A = arith.constant dense<0.000000e+00> : vector<64xf32>
    %reduce_sum3A_48 = vector.multi_reduction <add>, %select_n3A_47, %reduce_sum3A [0] : vector<10000x64xf32> to vector<64xf32>
    %broadcast_in_dim3A_49 = vector.shape_cast %reduce_sum3A_48 : vector<64xf32> to vector<1x64xf32>
    %jit3A_50 = arith.constant 0.000000e+00 : f32
    %broadcast_in_dim3A_51 = vector.shape_cast %broadcast_in_dim3A_49 : vector<1x64xf32> to vector<1x64xf32>
    %broadcast_in_dim3A_52 = vector.broadcast %broadcast_in_dim3A_51 : vector<1x64xf32> to vector<10000x64xf32>
    %broadcast_in_dim3A_53 = vector.broadcast %jit3A_50 : f32 to vector<10000x64xf32>
    %select_n3A_54 = arith.select %eq3A_30, %broadcast_in_dim3A_52, %broadcast_in_dim3A_53 : vector<10000x64xi1>, vector<10000x64xf32>
    %reduce_sum3A_55 = arith.constant dense<0.000000e+00> : vector<10000xf32>
    %reduce_sum3A_56 = vector.multi_reduction <add>, %select_n3A_54, %reduce_sum3A_55 [1] : vector<10000x64xf32> to vector<10000xf32>
    %broadcast_in_dim3A_57 = vector.shape_cast %reduce_sum3A_56 : vector<10000xf32> to vector<10000x1xf32>
    %div3A_58 = arith.divf %exp3A, %broadcast_in_dim3A_57 : vector<10000x1xf32>
    %mul3A = vector.broadcast %div3A_58 : vector<10000x1xf32> to vector<10000x128xf32>
    %mul3A_59 = arith.mulf %slice3A, %mul3A : vector<10000x128xf32>
    %iota3A_60 = tpu.iota {dimensions = array<i32: 0>} : vector<64x10000xi32>
    %get3A_61 = arith.constant 0 : index
    %get3A_62 = arith.constant 0 : index
    %get3A_63 = vector.load %arg4[%get3A_61, %get3A_62] : memref<1x10000xi32, #tpu.memory_space<vmem>>, vector<1x10000xi32>
    %eq3A_64 = vector.broadcast %get3A_63 : vector<1x10000xi32> to vector<64x10000xi32>
    %eq3A_65 = arith.cmpi eq, %iota3A_60, %eq3A_64 : vector<64x10000xi32>
    %convert_element_type3A = arith.extui %eq3A_65 : vector<64x10000xi1> to vector<64x10000xi32>
    %convert_element_type3A_66 = arith.sitofp %convert_element_type3A : vector<64x10000xi32> to vector<64x10000xf32>
    %dot_general3A_67 = arith.constant dense<0.000000e+00> : vector<64x128xf32>
    %dot_general3A_68 = tpu.matmul %convert_element_type3A_66, %mul3A_59, %dot_general3A_67 {dimension_numbers = #tpu.dot_dimension_numbers<[1], [0], [0], [1], [0, 0, 1, 1], [], []>, transpose_lhs_hint = false} : vector<64x10000xf32>, vector<10000x128xf32>, vector<64x128xf32> -> vector<64x128xf32>
    %get3A_69 = arith.constant 0 : index
    %get3A_70 = arith.constant 0 : index
    %get3A_71 = vector.load %arg7[%get3A_69, %get3A_70] : memref<128x128xf32, #tpu.memory_space<vmem>>, vector<128x128xf32>
    %dot_general3A_72 = arith.constant dense<0.000000e+00> : vector<64x128xf32>
    %dot_general3A_73 = tpu.matmul %dot_general3A_68, %get3A_71, %dot_general3A_72 {dimension_numbers = #tpu.dot_dimension_numbers<[1], [0], [0], [1], [0, 0, 1, 1], [], []>, transpose_lhs_hint = false} : vector<64x128xf32>, vector<128x128xf32>, vector<64x128xf32> -> vector<64x128xf32>
    %get3A_74 = arith.constant 0 : index
    %get3A_75 = arith.constant 0 : index
    %get3A_76 = vector.load %arg8[%get3A_74, %get3A_75] : memref<1x128xf32, #tpu.memory_space<vmem>>, vector<1x128xf32>
    %add3A_77 = vector.broadcast %get3A_76 : vector<1x128xf32> to vector<64x128xf32>
    %add3A_78 = arith.addf %dot_general3A_73, %add3A_77 : vector<64x128xf32>
    %swap3A = arith.constant 0 : index
    %swap3A_79 = arith.constant 0 : index
    %swap3A_80 = vector.load %arg9[%swap3A, %swap3A_79] : memref<64x128xf32, #tpu.memory_space<vmem>>, vector<64x128xf32>
    tpu.vector_store %arg9[%swap3A, %swap3A_79], %add3A_78 {strides = array<i32>} : memref<64x128xf32, #tpu.memory_space<vmem>>, vector<64x128xf32>,
    return
  }
}

</mosaic_0001>

<sc_bundles>
// kernel: kernel.12.cloned.1.call-start
scs
__scs_entry_jumppad:
0x0: {  	(pc) =	sbr.rel $0x88, $3  }
0x1: {  	(tag) =	ssettag $0x0;
	lr =	simm.s32 $0x1  }
0x2: {  	[smem:$0x3F92] =	sst lr;
	_ =	strace $0xD0000000  }
0x3: {  	_ = 	snop  }
0x4: {  	_ = 	snop  }
0x5: {  	_ = 	snop  }
0x6: {  	_ = 	snop  }
0x7: {  	_ = 	snop  }
__scs_overlays_trampoline_lowered:
0x8: {  	[smem:$0x3FA1] =	sst s0  }
0x9: {  	[smem:$0x3FA2] =	sst s1  }
0xa: {  	[smem:$0x3FA3] =	sst s2  }
0xb: {  	[smem:$0x3FA4] =	sst s3  }
0xc: {  	[smem:$0x3FA5] =	sst s4  }
0xd: {  	[smem:$0x3FA6] =	sst s5  }
0xe: {  	[smem:$0x3FA7] =	sst s6  }
0xf: {  	[smem:$0x3FA8] =	sst s7  }
0x10: {  	[smem:$0x3FA9] =	sst s8  }
0x11: {  	[smem:$0x3FAA] =	sst s9;
	s0 =	simm.s32 @!p0 $0x0  }
0x12: {  	s1 =	sld [smem:$0x3F90];
	s0 =	simm.s32 @p0 $0x1  }
0x13: {  	[smem:$0x3FAB] =	sst s0;
	s0 =	simm.s32 @!p1 $0x0  }
0x14: {  	s2 =	sld [smem:$0x3F8F];
	s0 =	simm.s32 @p1 $0x1  }
0x15: {  	[smem:$0x3FAC] =	sst s0;
	s0 =	simm.s32 @!p2 $0x0  }
0x16: {  	s3 =	sld [smem:$0x3FDB];
	s0 =	simm.s32 @p2 $0x1  }
0x17: {  	s4 =	simm.s32 $0x1BF5;
	[smem:$0x3FAE] =	sst s0  }
0x18: {  	s0 =	sld [smem:$0x3F91];
	_ =	swait.ge [sflag:s4], $0x0  }
0x19: {  	s7 =	sld [smem:$0x3F92]  }
0x1a: {  	s8 =	sadd.s32 $0xFFFFE003, lr  }
0x1b: {  	s9 =	sadd.s32 $0xFFFFFEF7, lr;
	s5 =	simm.s32 $0xFFFFFFFF;
	p2 =	slt.u32 s8, $0xFFFFF086  }
0x1c: {  	p1 =	slt.u32 s9, $0xF7A;
	s5 =	simm.s32 @!p2 $0x0  }
0x1d: {  	s5 =	simm.s32 @p1 $0x1;
	p0 =	seq.s32 s7, s2  }
0x1e: {  	s7 =	smul.u32 @!p0 $0xF7A, s2;
	p2 =	seq.s32 @!p0 s5, $0x0  }
0x1f: {  	s9 =	smul.u32 $0xF7A, s1;
	s8 =	simm.s32 @!p0 $0x1BF5;
	p2 =	por !p2, p0  }
0x20: {  	[sflag:s8] =	ssyncset.s32 @!p0 $0xFFFFF086;
	s6 =	sadd.s32 @!p0 s3, s7;
	s7 =	simm.s32 @!p0 $0x108  }
0x21: {  	s3 =	sadd.s32 s3, s9;
	s6 =	sadd.s32 @!p0 $0x88, s6;
	s7 =	simm.s32 @p2 $0x1082  }
0x22: {  	[simem:s7], [sflag:s8] =	dma.local @!p0 [hbm:s6], $0xF7A  }
0x23: {  	s9 =	sor.u32 $0xD0000000, s2;
	s6 =	simm.s32 $0x108;
	_ =	swait.ge @!p0 [sflag:s8], $0x0  }
0x24: {  	s3 =	sadd.s32 $0x88, s3;
	s6 =	simm.s32 @!p1 $0x1082;
	[sflag:s4] =	ssyncset.s32 $0xFFFFF086  }
0x25: {  	[simem:s6], [sflag:s4] =	dma.local [hbm:s3], $0xF7A  }
0x26: {  	[smem:$0x3F92] =	sst s1;
	(tag) =	ssettag s2;
	_ =	strace s9  }
0x27: {  	s1 =	sld [smem:$0x3FA2]  }
0x28: {  	s2 =	sld [smem:$0x3FA3]  }
0x29: {  	s4 =	sld [smem:$0x3FA5]  }
0x2a: {  	p0 =	seq.s32 s5, $0x0;
	s5 =	sld [smem:$0x3FA6]  }
0x2b: {  	s6 =	sld [smem:$0x3FA7]  }
0x2c: {  	s7 =	sld [smem:$0x3FA8]  }
0x2d: {  	s3 =	simm.s32 $0x108;
	s8 =	sld [smem:$0x3FA9]  }
0x2e: {  	s3 =	simm.s32 @!p0 $0x1082;
	s9 =	sld [smem:$0x3FAA]  }
0x2f: {  	lr =	sadd.s32 s0, s3;
	s0 =	sld [smem:$0x3FA1]  }
0x30: {  	s3 =	sld [smem:$0x3FA4]  }
0x31: {  	[smem:$0x3FAD] =	sst s10  }
0x32: {  	s10 =	sld [smem:$0x3FAB];
	_ =	sdelay $0x3  }
0x33: {  	p0 =	seq.s32 s10, $0x1;
	s10 =	sld [smem:$0x3FAD];
	_ =	sdelay $0x3  }
0x34: {  	[smem:$0x3FAD] =	sst s10  }
0x35: {  	s10 =	sld [smem:$0x3FAC];
	_ =	sdelay $0x3  }
0x36: {  	p1 =	seq.s32 s10, $0x1;
	s10 =	sld [smem:$0x3FAD];
	_ =	sdelay $0x3  }
0x37: {  	[smem:$0x3FAD] =	sst s10  }
0x38: {  	s10 =	sld [smem:$0x3FAE]  }
0x39: {  	_ = 	snop;
	(pc) =	sbr.ind lr, $3  }
0x3a: {  	_ = 	snop  }
0x3b: {  	_ = 	snop  }
0x3c: {  	p2 =	seq.s32 s10, $0x1;
	s10 =	sld [smem:$0x3FAD]  }
0x3d: {  	_ =	shalt  }
0x3e: {  	_ =	shalt  }
0x3f: {  	_ =	shalt  }
0x40: {  	_ =	shalt  }
0x41: {  	_ =	shalt  }
0x42: {  	_ =	shalt  }
0x43: {  	_ =	shalt  }
0x44: {  	_ =	shalt  }
0x45: {  	_ =	shalt  }
0x46: {  	_ =	shalt  }
0x47: {  	_ =	shalt  }
0x48: {  	_ =	shalt  }
0x49: {  	_ =	shalt  }
0x4a: {  	_ =	shalt  }
0x4b: {  	_ =	shalt  }
0x4c: {  	_ =	shalt  }
0x4d: {  	_ =	shalt  }
0x4e: {  	_ =	shalt  }
0x4f: {  	_ =	shalt  }
0x50: {  	_ =	shalt  }
0x51: {  	_ =	shalt  }
0x52: {  	_ =	shalt  }
0x53: {  	_ =	shalt  }
0x54: {  	_ =	shalt  }
0x55: {  	_ =	shalt  }
0x56: {  	_ =	shalt  }
0x57: {  	_ =	shalt  }
0x58: {  	_ =	shalt  }
0x59: {  	_ =	shalt  }
0x5a: {  	_ =	shalt  }
0x5b: {  	_ =	shalt  }
0x5c: {  	_ =	shalt  }
0x5d: {  	_ =	shalt  }
0x5e: {  	_ =	shalt  }
0x5f: {  	_ =	shalt  }
0x60: {  	_ =	shalt  }
0x61: {  	_ =	shalt  }
0x62: {  	_ =	shalt  }
0x63: {  	_ =	shalt  }
0x64: {  	_ =	shalt  }
0x65: {  	_ =	shalt  }
0x66: {  	_ =	shalt  }
0x67: {  	_ =	shalt  }
0x68: {  	_ =	shalt  }
0x69: {  	_ =	shalt  }
0x6a: {  	_ =	shalt  }
0x6b: {  	_ =	shalt  }
0x6c: {  	_ =	shalt  }
0x6d: {  	_ =	shalt  }
0x6e: {  	_ =	shalt  }
0x6f: {  	_ =	shalt  }
0x70: {  	_ =	shalt  }
0x71: {  	_ =	shalt  }
0x72: {  	_ =	shalt  }
0x73: {  	_ =	shalt  }
0x74: {  	_ =	shalt  }
0x75: {  	_ =	shalt  }
0x76: {  	_ =	shalt  }
0x77: {  	_ =	shalt  }
0x78: {  	_ =	shalt  }
0x79: {  	_ =	shalt  }
0x7a: {  	_ =	shalt  }
0x7b: {  	_ =	shalt  }
0x7c: {  	_ =	shalt  }
0x7d: {  	_ =	shalt  }
0x7e: {  	_ =	shalt  }
0x7f: {  	_ =	shalt  }
0x80: {  	_ =	shalt  }
0x81: {  	_ =	shalt  }
0x82: {  	_ =	shalt  }
0x83: {  	_ =	shalt  }
0x84: {  	_ =	shalt  }
0x85: {  	_ =	shalt  }
0x86: {  	_ =	shalt  }
0x87: {  	_ =	shalt  }
.Lfunc_end0:
.L_simem_size_0:
called_computation.1_lowered:
.L_overlay_start_0:
0x88: {  	s2 =	sld [smem:$0x3FD9]  }
0x89: {  	s3 =	sld [smem:$0x3FFE];
	_ =	sdelay $0x1  }
0x8a: {  	s1 =	srdreg.scid  }
0x8b: {  	s0 =	sand.u32 $0x1, s1  }
0x8c: {  	s16 =	sshll.u32 s0, $0xA;
	s2 =	sadd.s32 s3, s2  }
0x8d: {  	s2 =	sadd.s32 s2, s16  }
0x8e: {  	[smem:$0x3FB9] =	sst s2  }
0x8f: {  	_ = 	snop  }
0x90: {  	(tm) =	ssettm $0x1  }
0x91: {  	s17 =	sld [smem:$0x3FFB];
	_ =	sdelay $0x3  }
0x92: {  	_ =	strace s17  }
0x93: {  	s2 =	sld [smem:$0x3FFC];
	_ =	sdelay $0x3  }
0x94: {  	_ =	strace s2  }
0x95: {  	s2 =	sld [smem:$0x3FFD];
	_ =	sdelay $0x3  }
0x96: {  	_ =	strace s2  }
0x97: {  	_ =	strace $0x8FFFFFFF  }
0x98: {  	s18 =	sld [smem:$0x3FDB];
	_ =	sdelay $0x1  }
0x99: {  	s19 =	simm.s32 $_scs_section_size  }
0x9a: {  	s4 =	simm.s32 $_size__tile_overlayer_lowered;
	s5 =	simm.s32 $_tile_overlayer_lowered  }
0x9b: {  	s22 =	simm.s32 $0x1BFF;
	s21 =	sshll.u32 s5, $0x1;
	s2 =	sadd.s32 s19, s18  }
0x9c: {  	s6 =	simm.s32 $0x0;
	s20 =	sshll.u32 s4, $0x1;
	s4 =	sadd.s32 s21, s2  }
0x9d: {  	[timem:s6], [sflag:s22] =	dma.local [hbm:s4], s20  }
0x9e: {  	_ =	swait.ge [sflag:s22], s20  }
0x9f: {  	s3 =	ssub.s32 $0x0, s20;
	[sflag:s22] =	ssyncset.done $0x0  }
0xa0: {  	[sflag:s22] =	ssyncadd.s32 s3;
	_ =	sdelay $0x1  }
0xa1: {  	s23 =	simm.s32 $0x1B8B  }
0xa2: {  	_ =	swait.ge [sflag:s23], $0x1  }
0xa3: {  	[sflag:s23] =	ssyncset.done $0x0  }
0xa4: {  	s25 =	simm.s32 $0x1B8E;
	s24 =	sld [smem:$0x3FFE];
	[sflag:s23] =	ssyncadd.s32 $0xFFFFFFFF  }
0xa5: {  	s26 =	simm.s32 $execute0_lowered;
	[smem:$0x3FD2] =	sst s25  }
0xa6: {  	s4 =	sshll.u32 s26, $0x1;
	_ =	strace $0x80000049;
	[dreg:$0x1] =	wrdreg $0xFFFFFFFF  }
0xa7: {  	s28 =	simm.s32 $_size_execute0_lowered;
	s2 =	sadd.s32 s2, s4;
	[dreg:$0x0] =	wrdreg $0x0  }
0xa8: {  	s4 =	sshll.u32 s28, $0x1;
	[dreg:$0x2] =	wrdreg s2  }
0xa9: {  	[dreg:$0x3] =	wrdreg s4  }
0xaa: {  	[dreg:$0x4] =	wrdreg $0xC0  }
0xab: {  	_ =	task [dreg:s6], $0x5FFFF  }
0xac: {  	[dreg:$0x1] =	wrdreg $0xFFFFFFFF  }
0xad: {  	[dreg:$0x0] =	wrdreg $0x60  }
0xae: {  	[dreg:$0x2] =	wrdreg s24  }
0xaf: {  	[dreg:$0x3] =	wrdreg $0xBA000  }
0xb0: {  	[dreg:$0x4] =	wrdreg $0x9  }
0xb1: {  	_ =	task.clear_ibuf [dreg:s6], $0x5FFFF;
	_ =	strace $0x90000049  }
0xb2: {  	s29 =	simm.s32 $0x9;
	_ =	strace $0x8000004B  }
0xb3: {  	_ =	swait.ge [sflag:s29], $0x1  }
0xb4: {  	[sflag:s29] =	ssyncadd.s32 $0xFFFFFFFF  }
0xb5: {  	_ =	strace $0x9000004B  }
0xb6: {  	_ =	sfence  }
0xb7: {  	s30 =	sld [smem:$0x0];
	_ =	sdelay $0x2  }
0xb8: {  	s31 =	sshll.u32 s1, $0xD;
	s1 =	sshrl.u32 s1, $0x2  }
0xb9: {  	s3 =	sand.u32 $0x4000, s31;
	s1 =	sadd.s32 s1, s30  }
0xba: {  	s0 =	sor.u32 s3, s0;
	s1 =	sshll.u32 s1, $0x11  }
0xbb: {  	s0 =	sor.u32 s1, s0  }
0xbc: {  	s0 =	sadd.s32 $0x8F2B, s0  }
0xbd: {  	[sflag:s0] =	ssyncadd.remote.s32 $0x1  }
0xbe: {  	_ =	sfence.sel $0xFFFF  }
0xbf: {  	[dreg:$0x0] =	wrdreg $0xFFFFFFFF;
	(pc) =	sbr.abs _section_cstart, $3  }
0xc0: {  	[dreg:$0x1] =	wrdreg $0xFFFFFFFF  }
0xc1: {  	_ =	task.clear_ibuf [dreg:s6], $0x2FFFF;
	_ =	strace $0x9FFFFFFF  }
0xc2: {  	(tm) =	ssettm $0x7FFFFFFF  }
0xc3: {  	_ =	shalt  }
tec
execute0_lowered:
.L_overlay_start_1:
0x0: {  	(tag) =	ssettag $0x1  }
0x1: {  	s0 =	rddreg [dreg:$0x0]  }
0x2: {  	s1 =	rddreg [dreg:$0x1];
	s3 =	simm.s32 $0x0;
	s2 =	srdreg.scid  }
0x3: {  	s18 =	simm.s32 $0x7A00;
	s19 =	simm.s32 $0x2;
	s20 =	simm.s32 $0x100  }
0x4: {  	s21 =	simm.s32 $0x2900;
	s22 =	simm.s32 $0x80;
	s23 =	simm.s32 $0x5100  }
0x5: {  	s24 =	simm.s32 $0x1;
	s25 =	simm.s32 $0x7900;
	s26 =	simm.s32 $0x0  }
0x6: {  	s28 =	simm.s32 $0x0;
	[smem:$0x7FF] =	sst s3;
	s2 =	sand.u32 $0x1, s2  }
0x7: {  	s3 =	stileid.u32;
	s4 =	sadd.s32 $0x1E00, s0;
	s5 =	sadd.s32 $0xCE00, s0  }
0x8: {  	s6 =	sadd.s32 $0x17E00, s0;
	s7 =	sadd.s32 $0x3F600, s0;
	s8 =	smul.u32 $0x13C000, s2  }
0x9: {  	_ =	strace $0x8000004A;
	s9 =	smul.u32 $0x13C00, s3;
	s10 =	sshll.u32 s2, $0x4  }
0xa: {  	s29 =	smul.u32 $0x4F000, s3;
	s2 =	ssub.s32 $0x2, s2;
	s14 =	sor.u32 s3, s10  }
0xb: {  	s31 =	sshrl.u32 s2, $0x1;
	s9 =	sadd.s32 s9, s8;
	s8 =	sadd.s32 $0x3FC00, s0  }
0xc: {  	s11 =	smul.u32 $0x500, s14;
	s30 =	sshrl.u32 s29, $0x2;
	s2 =	ssub.s32 s2, s31  }
0xd: {  	s14 =	smul.u32 $0x2C00, s14;
	s9 =	sshrl.u32 s9, $0x3;
	s17 =	smax.u32 s2, $0x1  }
0xe: {  	s16 =	sadd.s32 s9, s0;
	s0 =	sadd.s32 s11, s0;
	s9 =	sadd.s32 s30, s1  }
0xf: {  	s10 =	sadd.s32 $0x4000, s9;
	s11 =	sadd.s32 $0x8000, s9;
	s12 =	sadd.s32 $0xC000, s9  }
0x10: {  	v0 =	vimm.f32 $0.0e+00;
	s13 =	sadd.s32 $0x10000, s9;
	s15 =	sadd.s32 $0x40200, s0;
	s16 =	sadd.s32 $0x4A200, s16  }
.LBB2_1:
0x11: {  	s0 =	simm.s32 $0x0;
	s2 =	simm.s32 $0x200  }
.LBB2_2:
0x12: {  	p0 =	sne.s32 s2, $0xFE00;
	[tilespmem:s0+$0x7A70] =	vst v0  }
0x13: {  	[tilespmem:s0+$0x7A00] =	vst v0  }
0x14: {  	[tilespmem:s0+$0x7A10] =	vst v0  }
.Ltmp0:
0x15: {  	[tilespmem:s0+$0x7A20] =	vst v0;
	(pc) =	sbr.rel @p0 .LBB2_2-.Ltmp0, $4  }
0x16: {  	[tilespmem:s0+$0x7A30] =	vst v0  }
0x17: {  	[tilespmem:s0+$0x7A40] =	vst v0  }
0x18: {  	[tilespmem:s0+$0x7A50] =	vst v0  }
0x19: {  	[tilespmem:s0+$0x7A60] =	vst v0;
	s0 =	sshra.s32 s2, $0x2;
	s2 =	sadd.s32 $0x200, s2  }
0x1a: {  	[tilespmem:s0+$0x7A70] =	vst v0  }
0x1b: {  	[tilespmem:s0+$0x7A00] =	vst v0  }
0x1c: {  	[tilespmem:s0+$0x7A10] =	vst v0  }
0x1d: {  	[tilespmem:s0+$0x7A20] =	vst v0  }
0x1e: {  	[tilespmem:s0+$0x7A30] =	vst v0  }
0x1f: {  	[tilespmem:s0+$0x7A40] =	vst v0  }
0x20: {  	[tilespmem:s0+$0x7A50] =	vst v0  }
0x21: {  	[tilespmem:s0+$0x7A60] =	vst v0  }
0x22: {  	[spmem:s9] =	stream.linear.scatter [tilespmem:s18], [sflag:$0x2], $0x4000, $0x38;
	[tilespmem:$0x1F600] =	vst v63  }
0x23: {  	_ =	swait.ge [sflag:s19], $0x4000  }
0x24: {  	[sflag:s19] =	ssyncset.done $0x0  }
0x25: {  	[sflag:s19] =	ssyncadd.s32 $0xFFFFC000  }
0x26: {  	[spmem:s10] =	stream.linear.scatter [tilespmem:s18], [sflag:$0x2], $0x4000, $0x38;
	[tilespmem:$0x1F600] =	vst v63  }
0x27: {  	_ =	swait.ge [sflag:s19], $0x4000  }
0x28: {  	[sflag:s19] =	ssyncset.done $0x0  }
0x29: {  	[sflag:s19] =	ssyncadd.s32 $0xFFFFC000  }
0x2a: {  	[spmem:s11] =	stream.linear.scatter [tilespmem:s18], [sflag:$0x2], $0x4000, $0x38;
	[tilespmem:$0x1F600] =	vst v63  }
0x2b: {  	_ =	swait.ge [sflag:s19], $0x4000  }
0x2c: {  	[sflag:s19] =	ssyncset.done $0x0  }
0x2d: {  	[sflag:s19] =	ssyncadd.s32 $0xFFFFC000  }
0x2e: {  	[spmem:s12] =	stream.linear.scatter [tilespmem:s18], [sflag:$0x2], $0x4000, $0x38;
	[tilespmem:$0x1F600] =	vst v63  }
0x2f: {  	_ =	swait.ge [sflag:s19], $0x4000  }
0x30: {  	[sflag:s19] =	ssyncset.done $0x0  }
0x31: {  	[sflag:s19] =	ssyncadd.s32 $0xFFFFC000  }
0x32: {  	[spmem:s13] =	stream.linear.scatter [tilespmem:s18], [sflag:$0x2], $0x3C00, $0x38;
	[tilespmem:$0x1F600] =	vst v63  }
0x33: {  	_ =	swait.ge [sflag:s19], $0x3C00  }
0x34: {  	[sflag:s19] =	ssyncset.done $0x0  }
0x35: {  	s0 =	simm.s32 $0x0;
	s2 =	simm.s32 $0x200;
	[sflag:s19] =	ssyncadd.s32 $0xFFFFC400  }
.LBB2_4:
0x36: {  	p0 =	sne.s32 s2, $0x9C00;
	[tilespmem:s0+$0x5170] =	vst v0  }
0x37: {  	[tilespmem:s0+$0x5100] =	vst v0  }
0x38: {  	[tilespmem:s0+$0x5110] =	vst v0  }
.Ltmp1:
0x39: {  	[tilespmem:s0+$0x5120] =	vst v0;
	(pc) =	sbr.rel @p0 .LBB2_4-.Ltmp1, $4  }
0x3a: {  	[tilespmem:s0+$0x5130] =	vst v0  }
0x3b: {  	[tilespmem:s0+$0x5140] =	vst v0  }
0x3c: {  	[tilespmem:s0+$0x5150] =	vst v0  }
0x3d: {  	[tilespmem:s0+$0x5160] =	vst v0;
	s0 =	sshra.s32 s2, $0x2;
	s2 =	sadd.s32 $0x200, s2  }
0x3e: {  	[tilespmem:s0+$0x5170] =	vst v0  }
0x3f: {  	[tilespmem:s0+$0x5100] =	vst v0  }
0x40: {  	[tilespmem:s0+$0x5110] =	vst v0  }
0x41: {  	[tilespmem:s0+$0x5120] =	vst v0  }
0x42: {  	[tilespmem:s0+$0x5130] =	vst v0  }
0x43: {  	[tilespmem:s0+$0x5140] =	vst v0  }
0x44: {  	[tilespmem:s0+$0x5150] =	vst v0  }
0x45: {  	[tilespmem:s0+$0x5160] =	vst v0  }
0x46: {  	[tilespmem:s20], [sflag:$0x2] =	stream.linear.gather [hbm4b:s7+s28], $0x2780, $0x38;
	[tilespmem:$0x1F600] =	vst v63  }
0x47: {  	_ =	swait.ge [sflag:s19], $0x2780  }
0x48: {  	[sflag:s19] =	ssyncset.done $0x0  }
0x49: {  	[sflag:s19] =	ssyncadd.s32 $0xFFFFD880  }
0x4a: {  	[tilespmem:s21], [sflag:$0x2] =	stream.linear.gather [hbm4b:s8+s28], $0x2780, $0x38;
	[tilespmem:$0x1F600] =	vst v63  }
0x4b: {  	_ =	swait.ge [sflag:s19], $0x2780  }
0x4c: {  	[sflag:s19] =	ssyncset.done $0x0  }
0x4d: {  	[sflag:s19] =	ssyncadd.s32 $0xFFFFD880  }
0x4e: {  	s29 =	simm.s32 $0x0;
	[bflag:$0x0] =	sbarrier.arrive $0xFFFF  }
.LBB2_6:
0x4f: {  	s0 =	sshll.u32 s29, $0x7  }
0x50: {  	s2 =	sand.u32 $0x3C00, s0  }
0x51: {  	s0 =	sand.u32 $0x380, s0;
	s2 =	sadd.s32 s14, s2  }
0x52: {  	s0 =	sor.u32 s0, s2  }
0x53: {  	s0 =	sshrl.u32 s0, $0x3  }
0x54: {  	s2 =	sadd.s32 s4, s0  }
0x55: {  	[tilespmem:s28], [sflag:$0x2] =	stream.linear.gather [hbm4b:s2+s28], $0x80, $0x38;
	[tilespmem:$0x1F600] =	vst v63  }
0x56: {  	_ =	swait.ge [sflag:s19], $0x80  }
0x57: {  	[sflag:s19] =	ssyncset.done $0x0  }
0x58: {  	s0 =	sadd.s32 s5, s0;
	[sflag:s19] =	ssyncadd.s32 $0xFFFFFF80  }
0x59: {  	[tilespmem:s22], [sflag:$0x2] =	stream.linear.gather [hbm4b:s0+s28], $0x80, $0x38;
	[tilespmem:$0x1F600] =	vst v63  }
0x5a: {  	_ =	swait.ge [sflag:s19], $0x80  }
0x5b: {  	[sflag:s19] =	ssyncset.done $0x0  }
0x5c: {  	[sflag:s19] =	ssyncadd.s32 $0xFFFFFF80  }
0x5d: {  	[tilespmem:s18], [sflag:$0x1] =	stream.indirect.gather [hbm4b:s6+s22], $0x80, s28, s22, $0xb8;
	[tilespmem:$0x1F600] =	vst v63  }
0x5e: {  	v1 =	vld [tilespmem:$0x0]  }
0x5f: {  	v2 =	vld [tilespmem:$0x80];
	_ =	sdelay $0x6  }
0x60: {  	v1 =	vld.idx.msk [tilespmem:v1+s20+$0x0], $0xffff  }
0x61: {  	v3 =	vld.idx.msk [tilespmem:v2+s21+$0x0], $0xffff;
	_ =	sdelay $0x4  }
0x62: {  	v1 =	vadd.f32 v3, v1;
	_ =	sdelay $0x1  }
0x63: {  	v3 =	vmul.f32 $2.000000030e-01, v1  }
0x64: {  	vm0 =	vgt.f32 v1, $0.0e+00  }
0x65: {  	v1 =	vsel vm0, v1, v3  }
0x66: {  	v1 =	vmul.f32 $1.442695020e+00, v1;
	_ =	sdelay $0x1  }
0x67: {  	(erf) = vpow2.f32 v1;
	_ =	sdelay $0x8  }
0x68: {  	v1 =	vpop (erf)  }
0x69: {  	[tilespmem:$0x7900] =	vst v1  }
0x6a: {  	[tilespmem:v2+s23+$0x0] =	vst.idx.add.f32.msk $0xffff, v1  }
0x6b: {  	v1 =	vld [tilespmem:$0x10]  }
0x6c: {  	v2 =	vld [tilespmem:$0x90];
	_ =	sdelay $0x6  }
0x6d: {  	v1 =	vld.idx.msk [tilespmem:v1+s20+$0x0], $0xffff  }
0x6e: {  	v3 =	vld.idx.msk [tilespmem:v2+s21+$0x0], $0xffff;
	_ =	sdelay $0x4  }
0x6f: {  	v1 =	vadd.f32 v3, v1;
	_ =	sdelay $0x1  }
0x70: {  	v3 =	vmul.f32 $2.000000030e-01, v1  }
0x71: {  	vm9 =	vgt.f32 v1, $0.0e+00  }
0x72: {  	v1 =	vsel vm9, v1, v3  }
0x73: {  	v1 =	vmul.f32 $1.442695020e+00, v1;
	_ =	sdelay $0x1  }
0x74: {  	(erf) = vpow2.f32 v1;
	_ =	sdelay $0x8  }
0x75: {  	v1 =	vpop (erf)  }
0x76: {  	[tilespmem:$0x7910] =	vst v1  }
0x77: {  	[tilespmem:v2+s23+$0x0] =	vst.idx.add.f32.msk $0xffff, v1  }
0x78: {  	v1 =	vld [tilespmem:$0x20]  }
0x79: {  	v2 =	vld [tilespmem:$0xA0];
	_ =	sdelay $0x6  }
0x7a: {  	v1 =	vld.idx.msk [tilespmem:v1+s20+$0x0], $0xffff  }
0x7b: {  	v3 =	vld.idx.msk [tilespmem:v2+s21+$0x0], $0xffff;
	_ =	sdelay $0x4  }
0x7c: {  	v1 =	vadd.f32 v3, v1;
	_ =	sdelay $0x1  }
0x7d: {  	v3 =	vmul.f32 $2.000000030e-01, v1  }
0x7e: {  	vm10 =	vgt.f32 v1, $0.0e+00  }
0x7f: {  	v1 =	vsel vm10, v1, v3  }
0x80: {  	v1 =	vmul.f32 $1.442695020e+00, v1;
	_ =	sdelay $0x1  }
0x81: {  	(erf) = vpow2.f32 v1;
	_ =	sdelay $0x8  }
0x82: {  	v1 =	vpop (erf)  }
0x83: {  	[tilespmem:$0x7920] =	vst v1  }
0x84: {  	[tilespmem:v2+s23+$0x0] =	vst.idx.add.f32.msk $0xffff, v1  }
0x85: {  	v1 =	vld [tilespmem:$0x30]  }
0x86: {  	v2 =	vld [tilespmem:$0xB0];
	_ =	sdelay $0x6  }
0x87: {  	v1 =	vld.idx.msk [tilespmem:v1+s20+$0x0], $0xffff  }
0x88: {  	v3 =	vld.idx.msk [tilespmem:v2+s21+$0x0], $0xffff;
	_ =	sdelay $0x4  }
0x89: {  	v1 =	vadd.f32 v3, v1;
	_ =	sdelay $0x1  }
0x8a: {  	v3 =	vmul.f32 $2.000000030e-01, v1  }
0x8b: {  	vm11 =	vgt.f32 v1, $0.0e+00  }
0x8c: {  	v1 =	vsel vm11, v1, v3  }
0x8d: {  	v1 =	vmul.f32 $1.442695020e+00, v1;
	_ =	sdelay $0x1  }
0x8e: {  	(erf) = vpow2.f32 v1;
	_ =	sdelay $0x8  }
0x8f: {  	v1 =	vpop (erf)  }
0x90: {  	[tilespmem:$0x7930] =	vst v1  }
0x91: {  	[tilespmem:v2+s23+$0x0] =	vst.idx.add.f32.msk $0xffff, v1  }
0x92: {  	v1 =	vld [tilespmem:$0x40]  }
0x93: {  	v2 =	vld [tilespmem:$0xC0];
	_ =	sdelay $0x6  }
0x94: {  	v1 =	vld.idx.msk [tilespmem:v1+s20+$0x0], $0xffff  }
0x95: {  	v3 =	vld.idx.msk [tilespmem:v2+s21+$0x0], $0xffff;
	_ =	sdelay $0x4  }
0x96: {  	v1 =	vadd.f32 v3, v1;
	_ =	sdelay $0x1  }
0x97: {  	v3 =	vmul.f32 $2.000000030e-01, v1  }
0x98: {  	vm12 =	vgt.f32 v1, $0.0e+00  }
0x99: {  	v1 =	vsel vm12, v1, v3  }
0x9a: {  	v1 =	vmul.f32 $1.442695020e+00, v1;
	_ =	sdelay $0x1  }
0x9b: {  	(erf) = vpow2.f32 v1;
	_ =	sdelay $0x8  }
0x9c: {  	v1 =	vpop (erf)  }
0x9d: {  	[tilespmem:$0x7940] =	vst v1  }
0x9e: {  	[tilespmem:v2+s23+$0x0] =	vst.idx.add.f32.msk $0xffff, v1  }
0x9f: {  	v1 =	vld [tilespmem:$0x50]  }
0xa0: {  	v2 =	vld [tilespmem:$0xD0];
	_ =	sdelay $0x6  }
0xa1: {  	v1 =	vld.idx.msk [tilespmem:v1+s20+$0x0], $0xffff  }
0xa2: {  	v3 =	vld.idx.msk [tilespmem:v2+s21+$0x0], $0xffff;
	_ =	sdelay $0x4  }
0xa3: {  	v1 =	vadd.f32 v3, v1;
	_ =	sdelay $0x1  }
0xa4: {  	v3 =	vmul.f32 $2.000000030e-01, v1  }
0xa5: {  	vm13 =	vgt.f32 v1, $0.0e+00  }
0xa6: {  	v1 =	vsel vm13, v1, v3  }
0xa7: {  	v1 =	vmul.f32 $1.442695020e+00, v1;
	_ =	sdelay $0x1  }
0xa8: {  	(erf) = vpow2.f32 v1;
	_ =	sdelay $0x8  }
0xa9: {  	v1 =	vpop (erf)  }
0xaa: {  	[tilespmem:$0x7950] =	vst v1  }
0xab: {  	[tilespmem:v2+s23+$0x0] =	vst.idx.add.f32.msk $0xffff, v1  }
0xac: {  	v1 =	vld [tilespmem:$0x60]  }
0xad: {  	v2 =	vld [tilespmem:$0xE0];
	_ =	sdelay $0x6  }
0xae: {  	v1 =	vld.idx.msk [tilespmem:v1+s20+$0x0], $0xffff  }
0xaf: {  	v3 =	vld.idx.msk [tilespmem:v2+s21+$0x0], $0xffff;
	_ =	sdelay $0x4  }
0xb0: {  	v1 =	vadd.f32 v3, v1;
	_ =	sdelay $0x1  }
0xb1: {  	v3 =	vmul.f32 $2.000000030e-01, v1  }
0xb2: {  	vm14 =	vgt.f32 v1, $0.0e+00  }
0xb3: {  	v1 =	vsel vm14, v1, v3  }
0xb4: {  	v1 =	vmul.f32 $1.442695020e+00, v1;
	_ =	sdelay $0x1  }
0xb5: {  	(erf) = vpow2.f32 v1;
	_ =	sdelay $0x8  }
0xb6: {  	v1 =	vpop (erf)  }
0xb7: {  	[tilespmem:$0x7960] =	vst v1  }
0xb8: {  	[tilespmem:v2+s23+$0x0] =	vst.idx.add.f32.msk $0xffff, v1  }
0xb9: {  	v1 =	vld [tilespmem:$0x70]  }
0xba: {  	v2 =	vld [tilespmem:$0xF0];
	_ =	sdelay $0x6  }
0xbb: {  	v1 =	vld.idx.msk [tilespmem:v1+s20+$0x0], $0xffff  }
0xbc: {  	v3 =	vld.idx.msk [tilespmem:v2+s21+$0x0], $0xffff;
	_ =	sdelay $0x4  }
0xbd: {  	v1 =	vadd.f32 v3, v1;
	_ =	sdelay $0x1  }
0xbe: {  	v3 =	vmul.f32 $2.000000030e-01, v1  }
0xbf: {  	vm15 =	vgt.f32 v1, $0.0e+00  }
0xc0: {  	v1 =	vsel vm15, v1, v3  }
0xc1: {  	v1 =	vmul.f32 $1.442695020e+00, v1;
	_ =	sdelay $0x1  }
0xc2: {  	(erf) = vpow2.f32 v1;
	_ =	sdelay $0x8  }
0xc3: {  	v1 =	vpop (erf)  }
0xc4: {  	[tilespmem:$0x7970] =	vst v1  }
0xc5: {  	[tilespmem:v2+s23+$0x0] =	vst.idx.add.f32.msk $0xffff, v1;
	v1 =	vmov s28  }
0xc6: {  	v1 =	vand.u32 $0xFFFFFFFE, v1  }
0xc7: {  	v2 =	vbroadcast v1, $0x0;
	_ =	sdelay $0x1  }
0xc8: {  	_ =	swait.ge [sflag:s24], $0x4000  }
0xc9: {  	[sflag:s24] =	ssyncset.done $0x0  }
0xca: {  	s30 =	simm.s32 $0x7A80;
	[sflag:s24] =	ssyncadd.s32 $0xFFFFC000  }
0xcb: {  	v5 =	vld [tilespmem:s30+$0xFFFFFFF0]  }
0xcc: {  	v6 =	vld.idx.msk [tilespmem:v2+s25+$0x0], $0xffff  }
0xcd: {  	v7 =	vld [tilespmem:s30+$0xFFFFFF80]  }
0xce: {  	v8 =	vld [tilespmem:s30+$0xFFFFFFA0]  }
0xcf: {  	v4 =	vld [tilespmem:s30+$0xFFFFFFB0]  }
0xd0: {  	v3 =	vld [tilespmem:s30+$0xFFFFFFD0]  }
0xd1: {  	v10 =	vld [tilespmem:s30+$0xFFFFFF90];
	v5 =	vmul.f32 v5, v6  }
0xd2: {  	v9 =	vld [tilespmem:s30+$0xFFFFFFE0];
	v7 =	vmul.f32 v7, v6  }
0xd3: {  	v11 =	vld [tilespmem:s30+$0xFFFFFFC0];
	v8 =	vmul.f32 v8, v6;
	[tilespmem:s30+$0xFFFFFFF0] =	vst v5  }
0xd4: {  	v4 =	vmul.f32 v4, v6;
	[tilespmem:s30+$0xFFFFFF80] =	vst v7  }
0xd5: {  	s2 =	simm.s32 $0x1;
	v3 =	vmul.f32 v3, v6;
	[tilespmem:s30+$0xFFFFFFA0] =	vst v8  }
0xd6: {  	v5 =	vmul.f32 v10, v6;
	[tilespmem:s30+$0xFFFFFFB0] =	vst v4;
	v7 =	vmov s2  }
0xd7: {  	v1 =	vld [tilespmem:s30+$0x0];
	v4 =	vmul.f32 v9, v6;
	[tilespmem:s30+$0xFFFFFFD0] =	vst v3  }
0xd8: {  	v2 =	vld [tilespmem:s30+$0x10];
	v3 =	vmul.f32 v11, v6;
	[tilespmem:s30+$0xFFFFFF90] =	vst v5  }
0xd9: {  	[tilespmem:s30+$0xFFFFFFE0] =	vst v4;
	v5 =	vld [tilespmem:s30+$0x30]  }
0xda: {  	[tilespmem:s30+$0xFFFFFFC0] =	vst v3;
	v4 =	vld [tilespmem:s30+$0x70]  }
0xdb: {  	s31 =	simm.s32 $0x2;
	s0 =	simm.s32 $0x7A80;
	v3 =	vld.idx.msk [tilespmem:v7+s25+$0x0], $0xffff  }
.LBB2_7:
0xdc: {  	p0 =	sne.s32 s31, $0x7E  }
0xdd: {  	v6 =	vld [tilespmem:s30+$0x20];
	s0 =	sadd.s32 $0x100, s0;
	s2 =	smov.u32 s31;
	s31 =	sadd.s32 $0x2, s31  }
0xde: {  	v7 =	vld [tilespmem:s30+$0x40]  }
0xdf: {  	v8 =	vld [tilespmem:s30+$0x50]  }
0xe0: {  	v9 =	vld [tilespmem:s30+$0x60];
	_ =	sdelay $0x1  }
0xe1: {  	v1 =	vmul.f32 v1, v3;
	v2 =	vmul.f32 v2, v3  }
0xe2: {  	v5 =	vmul.f32 v5, v3;
	v6 =	vmul.f32 v6, v3  }
0xe3: {  	v10 =	vmov s2;
	v7 =	vmul.f32 v7, v3;
	[tilespmem:s30+$0x0] =	vst v1;
	v8 =	vmul.f32 v8, v3  }
0xe4: {  	v10 =	vand.u32 $0xFFFFFFFE, v10;
	v1 =	vld [tilespmem:s0+$0x0];
	[tilespmem:s30+$0x30] =	vst v5;
	v5 =	vmul.f32 v9, v3;
	v3 =	vmul.f32 v4, v3  }
0xe5: {  	v4 =	vbroadcast v10, $0x0;
	[tilespmem:s30+$0x10] =	vst v2  }
0xe6: {  	[tilespmem:s30+$0x70] =	vst v3  }
0xe7: {  	v3 =	vld [tilespmem:s0+$0xFFFFFFD0];
	[tilespmem:s30+$0x20] =	vst v6  }
0xe8: {  	v6 =	vld [tilespmem:s0+$0xFFFFFFB0];
	[tilespmem:s30+$0x60] =	vst v5  }
0xe9: {  	v5 =	vld [tilespmem:s0+$0xFFFFFFE0];
	[tilespmem:s30+$0x40] =	vst v7  }
0xea: {  	v7 =	vld [tilespmem:s0+$0xFFFFFFF0];
	[tilespmem:s30+$0x50] =	vst v8;
	s30 =	smov.u32 s0  }
0xeb: {  	v4 =	vld.idx.msk [tilespmem:v4+s25+$0x0], $0xffff  }
0xec: {  	v8 =	vld [tilespmem:s0+$0xFFFFFF80]  }
0xed: {  	v9 =	vld [tilespmem:s0+$0xFFFFFFA0]  }
0xee: {  	v10 =	vld [tilespmem:s0+$0xFFFFFF90]  }
0xef: {  	v11 =	vld [tilespmem:s0+$0xFFFFFFC0]  }
0xf0: {  	v2 =	vld [tilespmem:s0+$0x10]  }
0xf1: {  	v7 =	vmul.f32 v7, v4;
	v8 =	vmul.f32 v8, v4  }
0xf2: {  	v5 =	vmul.f32 v5, v4;
	v9 =	vmul.f32 v9, v4  }
0xf3: {  	v6 =	vmul.f32 v6, v4;
	v10 =	vmul.f32 v10, v4;
	[tilespmem:s0+$0xFFFFFFF0] =	vst v7  }
0xf4: {  	v3 =	vmul.f32 v3, v4;
	[tilespmem:s0+$0xFFFFFF80] =	vst v8;
	v7 =	vmul.f32 v11, v4  }
0xf5: {  	s2 =	sadd.s32 $0x1, s2;
	[tilespmem:s0+$0xFFFFFFA0] =	vst v9  }
0xf6: {  	[tilespmem:s0+$0xFFFFFFB0] =	vst v6;
	v6 =	vmov s2  }
.Ltmp2:
0xf7: {  	[tilespmem:s0+$0xFFFFFFD0] =	vst v3;
	(pc) =	sbr.rel @p0 .LBB2_7-.Ltmp2, $4  }
0xf8: {  	[tilespmem:s0+$0xFFFFFF90] =	vst v10  }
0xf9: {  	[tilespmem:s0+$0xFFFFFFE0] =	vst v5;
	v5 =	vld [tilespmem:s0+$0x30]  }
0xfa: {  	[tilespmem:s0+$0xFFFFFFC0] =	vst v7;
	v4 =	vld [tilespmem:s0+$0x70]  }
0xfb: {  	v3 =	vld.idx.msk [tilespmem:v6+s25+$0x0], $0xffff  }
0xfc: {  	_ =	sdelay $0x1  }
0xfd: {  	v6 =	vld [tilespmem:s30+$0x20];
	_ =	sdelay $0x1  }
0xfe: {  	v7 =	vld [tilespmem:s30+$0x60];
	v1 =	vmul.f32 v1, v3  }
0xff: {  	v8 =	vld [tilespmem:s30+$0x40];
	v5 =	vmul.f32 v5, v3  }
0x100: {  	v9 =	vld [tilespmem:s30+$0x50];
	v2 =	vmul.f32 v2, v3;
	[tilespmem:s30+$0x0] =	vst v1  }
0x101: {  	v63 =	vmul.f32 v6, v3;
	[tilespmem:s30+$0x30] =	vst v5  }
0x102: {  	v1 =	vmul.f32 v4, v3;
	[tilespmem:s30+$0x10] =	vst v2  }
0x103: {  	v2 =	vmul.f32 v7, v3;
	[tilespmem:s30+$0x20] =	vst v63  }
0x104: {  	[tilespmem:s30+$0x70] =	vst v1;
	v1 =	vmul.f32 v8, v3  }
0x105: {  	s29 =	sadd.s32 $0x1, s29;
	v3 =	vmul.f32 v9, v3;
	[tilespmem:s30+$0x60] =	vst v2  }
0x106: {  	p0 =	sne.s32 s29, $0x51;
	[tilespmem:s30+$0x40] =	vst v1  }
.Ltmp3:
0x107: {  	[tilespmem:s30+$0x50] =	vst v3;
	(pc) =	sbr.rel @p0 .LBB2_6-.Ltmp3, $4  }
0x108: {  	[spmem:s1] =	stream.indirect.scatter.add.f32 [tilespmem:s18], [sflag:$0x2], $0x80, s22, s22, $0xb8;
	[tilespmem:$0x1F600] =	vst v63  }
0x109: {  	_ =	swait.ge [sflag:s19], $0x4000  }
0x10a: {  	[sflag:s19] =	ssyncset.done $0x0  }
0x10b: {  	[sflag:s19] =	ssyncadd.s32 $0xFFFFC000  }
0x10c: {  	[bflag:$0x0] =	sbarrier.arrive $0xFFFF;
	s0 =	simm.s32 $0x0  }
0x10d: {  	[hbm4b:s15+s0] =	stream.linear.scatter [tilespmem:s23], [sflag:$0x2], $0x2780, $0x38;
	[tilespmem:$0x1F600] =	vst v63  }
0x10e: {  	s31 =	sshll.u32 s3, $0x6;
	s26 =	sadd.s32 $0x1, s26;
	_ =	swait.ge [sflag:s19], $0x2780  }
0x10f: {  	s2 =	sshrl.u32 s9, $0x3;
	p0 =	sne.s32 s26, s17;
	[sflag:s19] =	ssyncset.done $0x0  }
.Ltmp4:
0x110: {  	s0 =	sor.u32 $0x1C02, s31;
	[sflag:s19] =	ssyncadd.s32 $0xFFFFD880;
	(pc) =	sbr.rel @p0 .LBB2_1-.Ltmp4, $4  }
0x111: {  	[hbm:s16], [sflag:s0] =	dma.local [spmem:s2], $0x2780  }
0x112: {  	_ =	swait.ge [sflag:s19], $0x2780  }
0x113: {  	[sflag:s19] =	ssyncset.done $0x0  }
0x114: {  	[sflag:s19] =	ssyncadd.s32 $0xFFFFD880  }
0x115: {  	_ =	sfence.sel $0x180000  }
0x116: {  	[bflag:$0x0] =	sbarrier.arrive $0xFFFF  }
0x117: {  	_ =	strace $0x9000004A  }
0x118: {  	[bflag:$0x2] =	sbarrier.arrive $0xFFFF  }
0x119: {  	p0 =	sne.s32 s3, $0x0;
	s0 =	rddreg [dreg:$0x2]  }
0x11a: {  	s0 =	sadd.s32 @!p0 $0x100000, s0  }
0x11b: {  	[sflag:s0] =	ssyncadd.tile.s32 @!p0 $0x1;
	_ =	shalt  }
.Lfunc_end2:
_tile_overlayer_lowered:
.L_overlay_start_2:
0x11c: {  	(tag) =	ssettag $0x2  }
0x11d: {  	s0 =	rddreg [dreg:$0x0];
	s2 =	stileid.u32  }
0x11e: {  	s1 =	rddreg [dreg:$0x1];
	p0 =	sne.s32 s2, $0x0  }
0x11f: {  	s3 =	rddreg [dreg:$0x2];
	[bflag:$0x3] =	sbarrier.arrive $0xFFFF;
	s2 =	simm.s32 @!p0 $0x1C02  }
0x120: {  	[timem:s3], [sflag:s2] =	dma.local @!p0 [hbm:s0], s1  }
0x121: {  	s0 =	simm.s32 @!p0 $0x2  }
0x122: {  	_ =	swait.ge @!p0 [sflag:s0], s1  }
0x123: {  	s1 =	ssub.s32 @!p0 $0x0, s1;
	[sflag:s0] =	ssyncset.done @!p0 $0x0  }
0x124: {  	[sflag:s0] =	ssyncadd.s32 @!p0 s1  }
0x125: {  	[bflag:$0x3] =	sbarrier.arrive $0xFFFF  }
0x126: {  	_ =	shalt  }

// kernel: kernel.9.cloned.1.call-start
scs
__scs_entry_jumppad:
0x0: {  	(pc) =	sbr.rel $0x88, $3  }
0x1: {  	(tag) =	ssettag $0x0;
	lr =	simm.s32 $0x1  }
0x2: {  	[smem:$0x3F92] =	sst lr;
	_ =	strace $0xD0000000  }
0x3: {  	_ = 	snop  }
0x4: {  	_ = 	snop  }
0x5: {  	_ = 	snop  }
0x6: {  	_ = 	snop  }
0x7: {  	_ = 	snop  }
__scs_overlays_trampoline_lowered:
0x8: {  	[smem:$0x3FA1] =	sst s0  }
0x9: {  	[smem:$0x3FA2] =	sst s1  }
0xa: {  	[smem:$0x3FA3] =	sst s2  }
0xb: {  	[smem:$0x3FA4] =	sst s3  }
0xc: {  	[smem:$0x3FA5] =	sst s4  }
0xd: {  	[smem:$0x3FA6] =	sst s5  }
0xe: {  	[smem:$0x3FA7] =	sst s6  }
0xf: {  	[smem:$0x3FA8] =	sst s7  }
0x10: {  	[smem:$0x3FA9] =	sst s8  }
0x11: {  	[smem:$0x3FAA] =	sst s9;
	s0 =	simm.s32 @!p0 $0x0  }
0x12: {  	s1 =	sld [smem:$0x3F90];
	s0 =	simm.s32 @p0 $0x1  }
0x13: {  	[smem:$0x3FAB] =	sst s0;
	s0 =	simm.s32 @!p1 $0x0  }
0x14: {  	s2 =	sld [smem:$0x3F8F];
	s0 =	simm.s32 @p1 $0x1  }
0x15: {  	[smem:$0x3FAC] =	sst s0;
	s0 =	simm.s32 @!p2 $0x0  }
0x16: {  	s3 =	sld [smem:$0x3FDB];
	s0 =	simm.s32 @p2 $0x1  }
0x17: {  	s4 =	simm.s32 $0x1BF5;
	[smem:$0x3FAE] =	sst s0  }
0x18: {  	s0 =	sld [smem:$0x3F91];
	_ =	swait.ge [sflag:s4], $0x0  }
0x19: {  	s7 =	sld [smem:$0x3F92]  }
0x1a: {  	s8 =	sadd.s32 $0xFFFFE003, lr  }
0x1b: {  	s9 =	sadd.s32 $0xFFFFFEF7, lr;
	s5 =	simm.s32 $0xFFFFFFFF;
	p2 =	slt.u32 s8, $0xFFFFF086  }
0x1c: {  	p1 =	slt.u32 s9, $0xF7A;
	s5 =	simm.s32 @!p2 $0x0  }
0x1d: {  	s5 =	simm.s32 @p1 $0x1;
	p0 =	seq.s32 s7, s2  }
0x1e: {  	s7 =	smul.u32 @!p0 $0xF7A, s2;
	p2 =	seq.s32 @!p0 s5, $0x0  }
0x1f: {  	s9 =	smul.u32 $0xF7A, s1;
	s8 =	simm.s32 @!p0 $0x1BF5;
	p2 =	por !p2, p0  }
0x20: {  	[sflag:s8] =	ssyncset.s32 @!p0 $0xFFFFF086;
	s6 =	sadd.s32 @!p0 s3, s7;
	s7 =	simm.s32 @!p0 $0x108  }
0x21: {  	s3 =	sadd.s32 s3, s9;
	s6 =	sadd.s32 @!p0 $0x88, s6;
	s7 =	simm.s32 @p2 $0x1082  }
0x22: {  	[simem:s7], [sflag:s8] =	dma.local @!p0 [hbm:s6], $0xF7A  }
0x23: {  	s9 =	sor.u32 $0xD0000000, s2;
	s6 =	simm.s32 $0x108;
	_ =	swait.ge @!p0 [sflag:s8], $0x0  }
0x24: {  	s3 =	sadd.s32 $0x88, s3;
	s6 =	simm.s32 @!p1 $0x1082;
	[sflag:s4] =	ssyncset.s32 $0xFFFFF086  }
0x25: {  	[simem:s6], [sflag:s4] =	dma.local [hbm:s3], $0xF7A  }
0x26: {  	[smem:$0x3F92] =	sst s1;
	(tag) =	ssettag s2;
	_ =	strace s9  }
0x27: {  	s1 =	sld [smem:$0x3FA2]  }
0x28: {  	s2 =	sld [smem:$0x3FA3]  }
0x29: {  	s4 =	sld [smem:$0x3FA5]  }
0x2a: {  	p0 =	seq.s32 s5, $0x0;
	s5 =	sld [smem:$0x3FA6]  }
0x2b: {  	s6 =	sld [smem:$0x3FA7]  }
0x2c: {  	s7 =	sld [smem:$0x3FA8]  }
0x2d: {  	s3 =	simm.s32 $0x108;
	s8 =	sld [smem:$0x3FA9]  }
0x2e: {  	s3 =	simm.s32 @!p0 $0x1082;
	s9 =	sld [smem:$0x3FAA]  }
0x2f: {  	lr =	sadd.s32 s0, s3;
	s0 =	sld [smem:$0x3FA1]  }
0x30: {  	s3 =	sld [smem:$0x3FA4]  }
0x31: {  	[smem:$0x3FAD] =	sst s10  }
0x32: {  	s10 =	sld [smem:$0x3FAB];
	_ =	sdelay $0x3  }
0x33: {  	p0 =	seq.s32 s10, $0x1;
	s10 =	sld [smem:$0x3FAD];
	_ =	sdelay $0x3  }
0x34: {  	[smem:$0x3FAD] =	sst s10  }
0x35: {  	s10 =	sld [smem:$0x3FAC];
	_ =	sdelay $0x3  }
0x36: {  	p1 =	seq.s32 s10, $0x1;
	s10 =	sld [smem:$0x3FAD];
	_ =	sdelay $0x3  }
0x37: {  	[smem:$0x3FAD] =	sst s10  }
0x38: {  	s10 =	sld [smem:$0x3FAE]  }
0x39: {  	_ = 	snop;
	(pc) =	sbr.ind lr, $3  }
0x3a: {  	_ = 	snop  }
0x3b: {  	_ = 	snop  }
0x3c: {  	p2 =	seq.s32 s10, $0x1;
	s10 =	sld [smem:$0x3FAD]  }
0x3d: {  	_ =	shalt  }
0x3e: {  	_ =	shalt  }
0x3f: {  	_ =	shalt  }
0x40: {  	_ =	shalt  }
0x41: {  	_ =	shalt  }
0x42: {  	_ =	shalt  }
0x43: {  	_ =	shalt  }
0x44: {  	_ =	shalt  }
0x45: {  	_ =	shalt  }
0x46: {  	_ =	shalt  }
0x47: {  	_ =	shalt  }
0x48: {  	_ =	shalt  }
0x49: {  	_ =	shalt  }
0x4a: {  	_ =	shalt  }
0x4b: {  	_ =	shalt  }
0x4c: {  	_ =	shalt  }
0x4d: {  	_ =	shalt  }
0x4e: {  	_ =	shalt  }
0x4f: {  	_ =	shalt  }
0x50: {  	_ =	shalt  }
0x51: {  	_ =	shalt  }
0x52: {  	_ =	shalt  }
0x53: {  	_ =	shalt  }
0x54: {  	_ =	shalt  }
0x55: {  	_ =	shalt  }
0x56: {  	_ =	shalt  }
0x57: {  	_ =	shalt  }
0x58: {  	_ =	shalt  }
0x59: {  	_ =	shalt  }
0x5a: {  	_ =	shalt  }
0x5b: {  	_ =	shalt  }
0x5c: {  	_ =	shalt  }
0x5d: {  	_ =	shalt  }
0x5e: {  	_ =	shalt  }
0x5f: {  	_ =	shalt  }
0x60: {  	_ =	shalt  }
0x61: {  	_ =	shalt  }
0x62: {  	_ =	shalt  }
0x63: {  	_ =	shalt  }
0x64: {  	_ =	shalt  }
0x65: {  	_ =	shalt  }
0x66: {  	_ =	shalt  }
0x67: {  	_ =	shalt  }
0x68: {  	_ =	shalt  }
0x69: {  	_ =	shalt  }
0x6a: {  	_ =	shalt  }
0x6b: {  	_ =	shalt  }
0x6c: {  	_ =	shalt  }
0x6d: {  	_ =	shalt  }
0x6e: {  	_ =	shalt  }
0x6f: {  	_ =	shalt  }
0x70: {  	_ =	shalt  }
0x71: {  	_ =	shalt  }
0x72: {  	_ =	shalt  }
0x73: {  	_ =	shalt  }
0x74: {  	_ =	shalt  }
0x75: {  	_ =	shalt  }
0x76: {  	_ =	shalt  }
0x77: {  	_ =	shalt  }
0x78: {  	_ =	shalt  }
0x79: {  	_ =	shalt  }
0x7a: {  	_ =	shalt  }
0x7b: {  	_ =	shalt  }
0x7c: {  	_ =	shalt  }
0x7d: {  	_ =	shalt  }
0x7e: {  	_ =	shalt  }
0x7f: {  	_ =	shalt  }
0x80: {  	_ =	shalt  }
0x81: {  	_ =	shalt  }
0x82: {  	_ =	shalt  }
0x83: {  	_ =	shalt  }
0x84: {  	_ =	shalt  }
0x85: {  	_ =	shalt  }
0x86: {  	_ =	shalt  }
0x87: {  	_ =	shalt  }
.Lfunc_end0:
.L_simem_size_0:
called_computation_lowered:
.L_overlay_start_0:
0x88: {  	s2 =	sld [smem:$0x3FD9]  }
0x89: {  	s3 =	sld [smem:$0x3FFE];
	_ =	sdelay $0x1  }
0x8a: {  	s1 =	srdreg.scid  }
0x8b: {  	s0 =	sand.u32 $0x1, s1  }
0x8c: {  	s16 =	sshll.u32 s0, $0xA;
	s2 =	sadd.s32 s3, s2  }
0x8d: {  	s2 =	sadd.s32 s2, s16  }
0x8e: {  	[smem:$0x3FB9] =	sst s2  }
0x8f: {  	_ = 	snop  }
0x90: {  	(tm) =	ssettm $0x1  }
0x91: {  	s17 =	sld [smem:$0x3FFB];
	_ =	sdelay $0x3  }
0x92: {  	_ =	strace s17  }
0x93: {  	s2 =	sld [smem:$0x3FFC];
	_ =	sdelay $0x3  }
0x94: {  	_ =	strace s2  }
0x95: {  	s2 =	sld [smem:$0x3FFD];
	_ =	sdelay $0x3  }
0x96: {  	_ =	strace s2  }
0x97: {  	_ =	strace $0x8FFFFFFF  }
0x98: {  	s18 =	sld [smem:$0x3FDB];
	_ =	sdelay $0x1  }
0x99: {  	s19 =	simm.s32 $_scs_section_size  }
0x9a: {  	s4 =	simm.s32 $_size__tile_overlayer_lowered;
	s5 =	simm.s32 $_tile_overlayer_lowered  }
0x9b: {  	s22 =	simm.s32 $0x1BFF;
	s21 =	sshll.u32 s5, $0x1;
	s2 =	sadd.s32 s19, s18  }
0x9c: {  	s6 =	simm.s32 $0x0;
	s20 =	sshll.u32 s4, $0x1;
	s4 =	sadd.s32 s21, s2  }
0x9d: {  	[timem:s6], [sflag:s22] =	dma.local [hbm:s4], s20  }
0x9e: {  	_ =	swait.ge [sflag:s22], s20  }
0x9f: {  	s3 =	ssub.s32 $0x0, s20;
	[sflag:s22] =	ssyncset.done $0x0  }
0xa0: {  	[sflag:s22] =	ssyncadd.s32 s3;
	_ =	sdelay $0x1  }
0xa1: {  	s23 =	simm.s32 $0x1B8B  }
0xa2: {  	_ =	swait.ge [sflag:s23], $0x1  }
0xa3: {  	[sflag:s23] =	ssyncset.done $0x0  }
0xa4: {  	s25 =	simm.s32 $0x1B8E;
	s24 =	sld [smem:$0x3FFE];
	[sflag:s23] =	ssyncadd.s32 $0xFFFFFFFF  }
0xa5: {  	s26 =	simm.s32 $execute0_lowered;
	[smem:$0x3FD2] =	sst s25  }
0xa6: {  	s4 =	sshll.u32 s26, $0x1;
	_ =	strace $0x80000046;
	[dreg:$0x1] =	wrdreg $0xFFFFFFFF  }
0xa7: {  	s28 =	simm.s32 $_size_execute0_lowered;
	s2 =	sadd.s32 s2, s4;
	[dreg:$0x0] =	wrdreg $0x0  }
0xa8: {  	s4 =	sshll.u32 s28, $0x1;
	[dreg:$0x2] =	wrdreg s2  }
0xa9: {  	[dreg:$0x3] =	wrdreg s4  }
0xaa: {  	[dreg:$0x4] =	wrdreg $0xC0  }
0xab: {  	_ =	task [dreg:s6], $0x5FFFF  }
0xac: {  	[dreg:$0x1] =	wrdreg $0xFFFFFFFF  }
0xad: {  	[dreg:$0x0] =	wrdreg $0x60  }
0xae: {  	[dreg:$0x2] =	wrdreg s24  }
0xaf: {  	[dreg:$0x3] =	wrdreg $0xBA000  }
0xb0: {  	[dreg:$0x4] =	wrdreg $0x9  }
0xb1: {  	_ =	task.clear_ibuf [dreg:s6], $0x5FFFF;
	_ =	strace $0x90000046  }
0xb2: {  	s29 =	simm.s32 $0x9;
	_ =	strace $0x80000048  }
0xb3: {  	_ =	swait.ge [sflag:s29], $0x1  }
0xb4: {  	[sflag:s29] =	ssyncadd.s32 $0xFFFFFFFF  }
0xb5: {  	_ =	strace $0x90000048  }
0xb6: {  	_ =	sfence  }
0xb7: {  	s30 =	sld [smem:$0x0];
	_ =	sdelay $0x2  }
0xb8: {  	s31 =	sshll.u32 s1, $0xD;
	s1 =	sshrl.u32 s1, $0x2  }
0xb9: {  	s3 =	sand.u32 $0x4000, s31;
	s1 =	sadd.s32 s1, s30  }
0xba: {  	s0 =	sor.u32 s3, s0;
	s1 =	sshll.u32 s1, $0x11  }
0xbb: {  	s0 =	sor.u32 s1, s0  }
0xbc: {  	s0 =	sadd.s32 $0x8F2B, s0  }
0xbd: {  	[sflag:s0] =	ssyncadd.remote.s32 $0x1  }
0xbe: {  	_ =	sfence.sel $0xFFFF  }
0xbf: {  	[dreg:$0x0] =	wrdreg $0xFFFFFFFF;
	(pc) =	sbr.abs _section_cstart, $3  }
0xc0: {  	[dreg:$0x1] =	wrdreg $0xFFFFFFFF  }
0xc1: {  	_ =	task.clear_ibuf [dreg:s6], $0x2FFFF;
	_ =	strace $0x9FFFFFFF  }
0xc2: {  	(tm) =	ssettm $0x7FFFFFFF  }
0xc3: {  	_ =	shalt  }
tec
execute0_lowered:
.L_overlay_start_1:
0x0: {  	(tag) =	ssettag $0x1  }
0x1: {  	s0 =	rddreg [dreg:$0x0]  }
0x2: {  	s1 =	rddreg [dreg:$0x1];
	s3 =	simm.s32 $0x0;
	s2 =	srdreg.scid  }
0x3: {  	s18 =	simm.s32 $0x7A00;
	s19 =	simm.s32 $0x2;
	s20 =	simm.s32 $0x100  }
0x4: {  	s21 =	simm.s32 $0x2900;
	s22 =	simm.s32 $0x80;
	s23 =	simm.s32 $0x5100  }
0x5: {  	s24 =	simm.s32 $0x1;
	s25 =	simm.s32 $0x7900;
	s26 =	simm.s32 $0x0  }
0x6: {  	s28 =	simm.s32 $0x0;
	[smem:$0x7FF] =	sst s3;
	s2 =	sand.u32 $0x1, s2  }
0x7: {  	s3 =	stileid.u32;
	s4 =	sadd.s32 $0x1E00, s0;
	s5 =	sadd.s32 $0xCE00, s0  }
0x8: {  	s6 =	sadd.s32 $0x17E00, s0;
	s7 =	sadd.s32 $0x3F600, s0;
	s8 =	smul.u32 $0x13C000, s2  }
0x9: {  	_ =	strace $0x80000047;
	s9 =	smul.u32 $0x13C00, s3;
	s10 =	sshll.u32 s2, $0x4  }
0xa: {  	s29 =	smul.u32 $0x4F000, s3;
	s2 =	ssub.s32 $0x2, s2;
	s14 =	sor.u32 s3, s10  }
0xb: {  	s31 =	sshrl.u32 s2, $0x1;
	s9 =	sadd.s32 s9, s8;
	s8 =	sadd.s32 $0x3FC00, s0  }
0xc: {  	s11 =	smul.u32 $0x500, s14;
	s30 =	sshrl.u32 s29, $0x2;
	s2 =	ssub.s32 s2, s31  }
0xd: {  	s14 =	smul.u32 $0x2C00, s14;
	s9 =	sshrl.u32 s9, $0x3;
	s17 =	smax.u32 s2, $0x1  }
0xe: {  	s16 =	sadd.s32 s9, s0;
	s0 =	sadd.s32 s11, s0;
	s9 =	sadd.s32 s30, s1  }
0xf: {  	s10 =	sadd.s32 $0x4000, s9;
	s11 =	sadd.s32 $0x8000, s9;
	s12 =	sadd.s32 $0xC000, s9  }
0x10: {  	v0 =	vimm.f32 $0.0e+00;
	s13 =	sadd.s32 $0x10000, s9;
	s15 =	sadd.s32 $0x40200, s0;
	s16 =	sadd.s32 $0x4A200, s16  }
.LBB2_1:
0x11: {  	s0 =	simm.s32 $0x0;
	s2 =	simm.s32 $0x200  }
.LBB2_2:
0x12: {  	p0 =	sne.s32 s2, $0xFE00;
	[tilespmem:s0+$0x7A70] =	vst v0  }
0x13: {  	[tilespmem:s0+$0x7A00] =	vst v0  }
0x14: {  	[tilespmem:s0+$0x7A10] =	vst v0  }
.Ltmp0:
0x15: {  	[tilespmem:s0+$0x7A20] =	vst v0;
	(pc) =	sbr.rel @p0 .LBB2_2-.Ltmp0, $4  }
0x16: {  	[tilespmem:s0+$0x7A30] =	vst v0  }
0x17: {  	[tilespmem:s0+$0x7A40] =	vst v0  }
0x18: {  	[tilespmem:s0+$0x7A50] =	vst v0  }
0x19: {  	[tilespmem:s0+$0x7A60] =	vst v0;
	s0 =	sshra.s32 s2, $0x2;
	s2 =	sadd.s32 $0x200, s2  }
0x1a: {  	[tilespmem:s0+$0x7A70] =	vst v0  }
0x1b: {  	[tilespmem:s0+$0x7A00] =	vst v0  }
0x1c: {  	[tilespmem:s0+$0x7A10] =	vst v0  }
0x1d: {  	[tilespmem:s0+$0x7A20] =	vst v0  }
0x1e: {  	[tilespmem:s0+$0x7A30] =	vst v0  }
0x1f: {  	[tilespmem:s0+$0x7A40] =	vst v0  }
0x20: {  	[tilespmem:s0+$0x7A50] =	vst v0  }
0x21: {  	[tilespmem:s0+$0x7A60] =	vst v0  }
0x22: {  	[spmem:s9] =	stream.linear.scatter [tilespmem:s18], [sflag:$0x2], $0x4000, $0x38;
	[tilespmem:$0x1F600] =	vst v63  }
0x23: {  	_ =	swait.ge [sflag:s19], $0x4000  }
0x24: {  	[sflag:s19] =	ssyncset.done $0x0  }
0x25: {  	[sflag:s19] =	ssyncadd.s32 $0xFFFFC000  }
0x26: {  	[spmem:s10] =	stream.linear.scatter [tilespmem:s18], [sflag:$0x2], $0x4000, $0x38;
	[tilespmem:$0x1F600] =	vst v63  }
0x27: {  	_ =	swait.ge [sflag:s19], $0x4000  }
0x28: {  	[sflag:s19] =	ssyncset.done $0x0  }
0x29: {  	[sflag:s19] =	ssyncadd.s32 $0xFFFFC000  }
0x2a: {  	[spmem:s11] =	stream.linear.scatter [tilespmem:s18], [sflag:$0x2], $0x4000, $0x38;
	[tilespmem:$0x1F600] =	vst v63  }
0x2b: {  	_ =	swait.ge [sflag:s19], $0x4000  }
0x2c: {  	[sflag:s19] =	ssyncset.done $0x0  }
0x2d: {  	[sflag:s19] =	ssyncadd.s32 $0xFFFFC000  }
0x2e: {  	[spmem:s12] =	stream.linear.scatter [tilespmem:s18], [sflag:$0x2], $0x4000, $0x38;
	[tilespmem:$0x1F600] =	vst v63  }
0x2f: {  	_ =	swait.ge [sflag:s19], $0x4000  }
0x30: {  	[sflag:s19] =	ssyncset.done $0x0  }
0x31: {  	[sflag:s19] =	ssyncadd.s32 $0xFFFFC000  }
0x32: {  	[spmem:s13] =	stream.linear.scatter [tilespmem:s18], [sflag:$0x2], $0x3C00, $0x38;
	[tilespmem:$0x1F600] =	vst v63  }
0x33: {  	_ =	swait.ge [sflag:s19], $0x3C00  }
0x34: {  	[sflag:s19] =	ssyncset.done $0x0  }
0x35: {  	s0 =	simm.s32 $0x0;
	s2 =	simm.s32 $0x200;
	[sflag:s19] =	ssyncadd.s32 $0xFFFFC400  }
.LBB2_4:
0x36: {  	p0 =	sne.s32 s2, $0x9C00;
	[tilespmem:s0+$0x5170] =	vst v0  }
0x37: {  	[tilespmem:s0+$0x5100] =	vst v0  }
0x38: {  	[tilespmem:s0+$0x5110] =	vst v0  }
.Ltmp1:
0x39: {  	[tilespmem:s0+$0x5120] =	vst v0;
	(pc) =	sbr.rel @p0 .LBB2_4-.Ltmp1, $4  }
0x3a: {  	[tilespmem:s0+$0x5130] =	vst v0  }
0x3b: {  	[tilespmem:s0+$0x5140] =	vst v0  }
0x3c: {  	[tilespmem:s0+$0x5150] =	vst v0  }
0x3d: {  	[tilespmem:s0+$0x5160] =	vst v0;
	s0 =	sshra.s32 s2, $0x2;
	s2 =	sadd.s32 $0x200, s2  }
0x3e: {  	[tilespmem:s0+$0x5170] =	vst v0  }
0x3f: {  	[tilespmem:s0+$0x5100] =	vst v0  }
0x40: {  	[tilespmem:s0+$0x5110] =	vst v0  }
0x41: {  	[tilespmem:s0+$0x5120] =	vst v0  }
0x42: {  	[tilespmem:s0+$0x5130] =	vst v0  }
0x43: {  	[tilespmem:s0+$0x5140] =	vst v0  }
0x44: {  	[tilespmem:s0+$0x5150] =	vst v0  }
0x45: {  	[tilespmem:s0+$0x5160] =	vst v0  }
0x46: {  	[tilespmem:s20], [sflag:$0x2] =	stream.linear.gather [hbm4b:s7+s28], $0x2780, $0x38;
	[tilespmem:$0x1F600] =	vst v63  }
0x47: {  	_ =	swait.ge [sflag:s19], $0x2780  }
0x48: {  	[sflag:s19] =	ssyncset.done $0x0  }
0x49: {  	[sflag:s19] =	ssyncadd.s32 $0xFFFFD880  }
0x4a: {  	[tilespmem:s21], [sflag:$0x2] =	stream.linear.gather [hbm4b:s8+s28], $0x2780, $0x38;
	[tilespmem:$0x1F600] =	vst v63  }
0x4b: {  	_ =	swait.ge [sflag:s19], $0x2780  }
0x4c: {  	[sflag:s19] =	ssyncset.done $0x0  }
0x4d: {  	[sflag:s19] =	ssyncadd.s32 $0xFFFFD880  }
0x4e: {  	s29 =	simm.s32 $0x0;
	[bflag:$0x0] =	sbarrier.arrive $0xFFFF  }
.LBB2_6:
0x4f: {  	s0 =	sshll.u32 s29, $0x7  }
0x50: {  	s2 =	sand.u32 $0x3C00, s0  }
0x51: {  	s0 =	sand.u32 $0x380, s0;
	s2 =	sadd.s32 s14, s2  }
0x52: {  	s0 =	sor.u32 s0, s2  }
0x53: {  	s0 =	sshrl.u32 s0, $0x3  }
0x54: {  	s2 =	sadd.s32 s4, s0  }
0x55: {  	[tilespmem:s28], [sflag:$0x2] =	stream.linear.gather [hbm4b:s2+s28], $0x80, $0x38;
	[tilespmem:$0x1F600] =	vst v63  }
0x56: {  	_ =	swait.ge [sflag:s19], $0x80  }
0x57: {  	[sflag:s19] =	ssyncset.done $0x0  }
0x58: {  	s0 =	sadd.s32 s5, s0;
	[sflag:s19] =	ssyncadd.s32 $0xFFFFFF80  }
0x59: {  	[tilespmem:s22], [sflag:$0x2] =	stream.linear.gather [hbm4b:s0+s28], $0x80, $0x38;
	[tilespmem:$0x1F600] =	vst v63  }
0x5a: {  	_ =	swait.ge [sflag:s19], $0x80  }
0x5b: {  	[sflag:s19] =	ssyncset.done $0x0  }
0x5c: {  	[sflag:s19] =	ssyncadd.s32 $0xFFFFFF80  }
0x5d: {  	[tilespmem:s18], [sflag:$0x1] =	stream.indirect.gather [hbm4b:s6+s22], $0x80, s28, s22, $0xb8;
	[tilespmem:$0x1F600] =	vst v63  }
0x5e: {  	v1 =	vld [tilespmem:$0x0]  }
0x5f: {  	v2 =	vld [tilespmem:$0x80];
	_ =	sdelay $0x6  }
0x60: {  	v1 =	vld.idx.msk [tilespmem:v1+s20+$0x0], $0xffff  }
0x61: {  	v3 =	vld.idx.msk [tilespmem:v2+s21+$0x0], $0xffff;
	_ =	sdelay $0x4  }
0x62: {  	v1 =	vadd.f32 v3, v1;
	_ =	sdelay $0x1  }
0x63: {  	v3 =	vmul.f32 $2.000000030e-01, v1  }
0x64: {  	vm0 =	vgt.f32 v1, $0.0e+00  }
0x65: {  	v1 =	vsel vm0, v1, v3  }
0x66: {  	v1 =	vmul.f32 $1.442695020e+00, v1;
	_ =	sdelay $0x1  }
0x67: {  	(erf) = vpow2.f32 v1;
	_ =	sdelay $0x8  }
0x68: {  	v1 =	vpop (erf)  }
0x69: {  	[tilespmem:$0x7900] =	vst v1  }
0x6a: {  	[tilespmem:v2+s23+$0x0] =	vst.idx.add.f32.msk $0xffff, v1  }
0x6b: {  	v1 =	vld [tilespmem:$0x10]  }
0x6c: {  	v2 =	vld [tilespmem:$0x90];
	_ =	sdelay $0x6  }
0x6d: {  	v1 =	vld.idx.msk [tilespmem:v1+s20+$0x0], $0xffff  }
0x6e: {  	v3 =	vld.idx.msk [tilespmem:v2+s21+$0x0], $0xffff;
	_ =	sdelay $0x4  }
0x6f: {  	v1 =	vadd.f32 v3, v1;
	_ =	sdelay $0x1  }
0x70: {  	v3 =	vmul.f32 $2.000000030e-01, v1  }
0x71: {  	vm9 =	vgt.f32 v1, $0.0e+00  }
0x72: {  	v1 =	vsel vm9, v1, v3  }
0x73: {  	v1 =	vmul.f32 $1.442695020e+00, v1;
	_ =	sdelay $0x1  }
0x74: {  	(erf) = vpow2.f32 v1;
	_ =	sdelay $0x8  }
0x75: {  	v1 =	vpop (erf)  }
0x76: {  	[tilespmem:$0x7910] =	vst v1  }
0x77: {  	[tilespmem:v2+s23+$0x0] =	vst.idx.add.f32.msk $0xffff, v1  }
0x78: {  	v1 =	vld [tilespmem:$0x20]  }
0x79: {  	v2 =	vld [tilespmem:$0xA0];
	_ =	sdelay $0x6  }
0x7a: {  	v1 =	vld.idx.msk [tilespmem:v1+s20+$0x0], $0xffff  }
0x7b: {  	v3 =	vld.idx.msk [tilespmem:v2+s21+$0x0], $0xffff;
	_ =	sdelay $0x4  }
0x7c: {  	v1 =	vadd.f32 v3, v1;
	_ =	sdelay $0x1  }
0x7d: {  	v3 =	vmul.f32 $2.000000030e-01, v1  }
0x7e: {  	vm10 =	vgt.f32 v1, $0.0e+00  }
0x7f: {  	v1 =	vsel vm10, v1, v3  }
0x80: {  	v1 =	vmul.f32 $1.442695020e+00, v1;
	_ =	sdelay $0x1  }
0x81: {  	(erf) = vpow2.f32 v1;
	_ =	sdelay $0x8  }
0x82: {  	v1 =	vpop (erf)  }
0x83: {  	[tilespmem:$0x7920] =	vst v1  }
0x84: {  	[tilespmem:v2+s23+$0x0] =	vst.idx.add.f32.msk $0xffff, v1  }
0x85: {  	v1 =	vld [tilespmem:$0x30]  }
0x86: {  	v2 =	vld [tilespmem:$0xB0];
	_ =	sdelay $0x6  }
0x87: {  	v1 =	vld.idx.msk [tilespmem:v1+s20+$0x0], $0xffff  }
0x88: {  	v3 =	vld.idx.msk [tilespmem:v2+s21+$0x0], $0xffff;
	_ =	sdelay $0x4  }
0x89: {  	v1 =	vadd.f32 v3, v1;
	_ =	sdelay $0x1  }
0x8a: {  	v3 =	vmul.f32 $2.000000030e-01, v1  }
0x8b: {  	vm11 =	vgt.f32 v1, $0.0e+00  }
0x8c: {  	v1 =	vsel vm11, v1, v3  }
0x8d: {  	v1 =	vmul.f32 $1.442695020e+00, v1;
	_ =	sdelay $0x1  }
0x8e: {  	(erf) = vpow2.f32 v1;
	_ =	sdelay $0x8  }
0x8f: {  	v1 =	vpop (erf)  }
0x90: {  	[tilespmem:$0x7930] =	vst v1  }
0x91: {  	[tilespmem:v2+s23+$0x0] =	vst.idx.add.f32.msk $0xffff, v1  }
0x92: {  	v1 =	vld [tilespmem:$0x40]  }
0x93: {  	v2 =	vld [tilespmem:$0xC0];
	_ =	sdelay $0x6  }
0x94: {  	v1 =	vld.idx.msk [tilespmem:v1+s20+$0x0], $0xffff  }
0x95: {  	v3 =	vld.idx.msk [tilespmem:v2+s21+$0x0], $0xffff;
	_ =	sdelay $0x4  }
0x96: {  	v1 =	vadd.f32 v3, v1;
	_ =	sdelay $0x1  }
0x97: {  	v3 =	vmul.f32 $2.000000030e-01, v1  }
0x98: {  	vm12 =	vgt.f32 v1, $0.0e+00  }
0x99: {  	v1 =	vsel vm12, v1, v3  }
0x9a: {  	v1 =	vmul.f32 $1.442695020e+00, v1;
	_ =	sdelay $0x1  }
0x9b: {  	(erf) = vpow2.f32 v1;
	_ =	sdelay $0x8  }
0x9c: {  	v1 =	vpop (erf)  }
0x9d: {  	[tilespmem:$0x7940] =	vst v1  }
0x9e: {  	[tilespmem:v2+s23+$0x0] =	vst.idx.add.f32.msk $0xffff, v1  }
0x9f: {  	v1 =	vld [tilespmem:$0x50]  }
0xa0: {  	v2 =	vld [tilespmem:$0xD0];
	_ =	sdelay $0x6  }
0xa1: {  	v1 =	vld.idx.msk [tilespmem:v1+s20+$0x0], $0xffff  }
0xa2: {  	v3 =	vld.idx.msk [tilespmem:v2+s21+$0x0], $0xffff;
	_ =	sdelay $0x4  }
0xa3: {  	v1 =	vadd.f32 v3, v1;
	_ =	sdelay $0x1  }
0xa4: {  	v3 =	vmul.f32 $2.000000030e-01, v1  }
0xa5: {  	vm13 =	vgt.f32 v1, $0.0e+00  }
0xa6: {  	v1 =	vsel vm13, v1, v3  }
0xa7: {  	v1 =	vmul.f32 $1.442695020e+00, v1;
	_ =	sdelay $0x1  }
0xa8: {  	(erf) = vpow2.f32 v1;
	_ =	sdelay $0x8  }
0xa9: {  	v1 =	vpop (erf)  }
0xaa: {  	[tilespmem:$0x7950] =	vst v1  }
0xab: {  	[tilespmem:v2+s23+$0x0] =	vst.idx.add.f32.msk $0xffff, v1  }
0xac: {  	v1 =	vld [tilespmem:$0x60]  }
0xad: {  	v2 =	vld [tilespmem:$0xE0];
	_ =	sdelay $0x6  }
0xae: {  	v1 =	vld.idx.msk [tilespmem:v1+s20+$0x0], $0xffff  }
0xaf: {  	v3 =	vld.idx.msk [tilespmem:v2+s21+$0x0], $0xffff;
	_ =	sdelay $0x4  }
0xb0: {  	v1 =	vadd.f32 v3, v1;
	_ =	sdelay $0x1  }
0xb1: {  	v3 =	vmul.f32 $2.000000030e-01, v1  }
0xb2: {  	vm14 =	vgt.f32 v1, $0.0e+00  }
0xb3: {  	v1 =	vsel vm14, v1, v3  }
0xb4: {  	v1 =	vmul.f32 $1.442695020e+00, v1;
	_ =	sdelay $0x1  }
0xb5: {  	(erf) = vpow2.f32 v1;
	_ =	sdelay $0x8  }
0xb6: {  	v1 =	vpop (erf)  }
0xb7: {  	[tilespmem:$0x7960] =	vst v1  }
0xb8: {  	[tilespmem:v2+s23+$0x0] =	vst.idx.add.f32.msk $0xffff, v1  }
0xb9: {  	v1 =	vld [tilespmem:$0x70]  }
0xba: {  	v2 =	vld [tilespmem:$0xF0];
	_ =	sdelay $0x6  }
0xbb: {  	v1 =	vld.idx.msk [tilespmem:v1+s20+$0x0], $0xffff  }
0xbc: {  	v3 =	vld.idx.msk [tilespmem:v2+s21+$0x0], $0xffff;
	_ =	sdelay $0x4  }
0xbd: {  	v1 =	vadd.f32 v3, v1;
	_ =	sdelay $0x1  }
0xbe: {  	v3 =	vmul.f32 $2.000000030e-01, v1  }
0xbf: {  	vm15 =	vgt.f32 v1, $0.0e+00  }
0xc0: {  	v1 =	vsel vm15, v1, v3  }
0xc1: {  	v1 =	vmul.f32 $1.442695020e+00, v1;
	_ =	sdelay $0x1  }
0xc2: {  	(erf) = vpow2.f32 v1;
	_ =	sdelay $0x8  }
0xc3: {  	v1 =	vpop (erf)  }
0xc4: {  	[tilespmem:$0x7970] =	vst v1  }
0xc5: {  	[tilespmem:v2+s23+$0x0] =	vst.idx.add.f32.msk $0xffff, v1;
	v1 =	vmov s28  }
0xc6: {  	v1 =	vand.u32 $0xFFFFFFFE, v1  }
0xc7: {  	v2 =	vbroadcast v1, $0x0;
	_ =	sdelay $0x1  }
0xc8: {  	_ =	swait.ge [sflag:s24], $0x4000  }
0xc9: {  	[sflag:s24] =	ssyncset.done $0x0  }
0xca: {  	s30 =	simm.s32 $0x7A80;
	[sflag:s24] =	ssyncadd.s32 $0xFFFFC000  }
0xcb: {  	v5 =	vld [tilespmem:s30+$0xFFFFFFF0]  }
0xcc: {  	v6 =	vld.idx.msk [tilespmem:v2+s25+$0x0], $0xffff  }
0xcd: {  	v7 =	vld [tilespmem:s30+$0xFFFFFF80]  }
0xce: {  	v8 =	vld [tilespmem:s30+$0xFFFFFFA0]  }
0xcf: {  	v4 =	vld [tilespmem:s30+$0xFFFFFFB0]  }
0xd0: {  	v3 =	vld [tilespmem:s30+$0xFFFFFFD0]  }
0xd1: {  	v10 =	vld [tilespmem:s30+$0xFFFFFF90];
	v5 =	vmul.f32 v5, v6  }
0xd2: {  	v9 =	vld [tilespmem:s30+$0xFFFFFFE0];
	v7 =	vmul.f32 v7, v6  }
0xd3: {  	v11 =	vld [tilespmem:s30+$0xFFFFFFC0];
	v8 =	vmul.f32 v8, v6;
	[tilespmem:s30+$0xFFFFFFF0] =	vst v5  }
0xd4: {  	v4 =	vmul.f32 v4, v6;
	[tilespmem:s30+$0xFFFFFF80] =	vst v7  }
0xd5: {  	s2 =	simm.s32 $0x1;
	v3 =	vmul.f32 v3, v6;
	[tilespmem:s30+$0xFFFFFFA0] =	vst v8  }
0xd6: {  	v5 =	vmul.f32 v10, v6;
	[tilespmem:s30+$0xFFFFFFB0] =	vst v4;
	v7 =	vmov s2  }
0xd7: {  	v1 =	vld [tilespmem:s30+$0x0];
	v4 =	vmul.f32 v9, v6;
	[tilespmem:s30+$0xFFFFFFD0] =	vst v3  }
0xd8: {  	v2 =	vld [tilespmem:s30+$0x10];
	v3 =	vmul.f32 v11, v6;
	[tilespmem:s30+$0xFFFFFF90] =	vst v5  }
0xd9: {  	[tilespmem:s30+$0xFFFFFFE0] =	vst v4;
	v5 =	vld [tilespmem:s30+$0x30]  }
0xda: {  	[tilespmem:s30+$0xFFFFFFC0] =	vst v3;
	v4 =	vld [tilespmem:s30+$0x70]  }
0xdb: {  	s31 =	simm.s32 $0x2;
	s0 =	simm.s32 $0x7A80;
	v3 =	vld.idx.msk [tilespmem:v7+s25+$0x0], $0xffff  }
.LBB2_7:
0xdc: {  	p0 =	sne.s32 s31, $0x7E  }
0xdd: {  	v6 =	vld [tilespmem:s30+$0x20];
	s0 =	sadd.s32 $0x100, s0;
	s2 =	smov.u32 s31;
	s31 =	sadd.s32 $0x2, s31  }
0xde: {  	v7 =	vld [tilespmem:s30+$0x40]  }
0xdf: {  	v8 =	vld [tilespmem:s30+$0x50]  }
0xe0: {  	v9 =	vld [tilespmem:s30+$0x60];
	_ =	sdelay $0x1  }
0xe1: {  	v1 =	vmul.f32 v1, v3;
	v2 =	vmul.f32 v2, v3  }
0xe2: {  	v5 =	vmul.f32 v5, v3;
	v6 =	vmul.f32 v6, v3  }
0xe3: {  	v10 =	vmov s2;
	v7 =	vmul.f32 v7, v3;
	[tilespmem:s30+$0x0] =	vst v1;
	v8 =	vmul.f32 v8, v3  }
0xe4: {  	v10 =	vand.u32 $0xFFFFFFFE, v10;
	v1 =	vld [tilespmem:s0+$0x0];
	[tilespmem:s30+$0x30] =	vst v5;
	v5 =	vmul.f32 v9, v3;
	v3 =	vmul.f32 v4, v3  }
0xe5: {  	v4 =	vbroadcast v10, $0x0;
	[tilespmem:s30+$0x10] =	vst v2  }
0xe6: {  	[tilespmem:s30+$0x70] =	vst v3  }
0xe7: {  	v3 =	vld [tilespmem:s0+$0xFFFFFFD0];
	[tilespmem:s30+$0x20] =	vst v6  }
0xe8: {  	v6 =	vld [tilespmem:s0+$0xFFFFFFB0];
	[tilespmem:s30+$0x60] =	vst v5  }
0xe9: {  	v5 =	vld [tilespmem:s0+$0xFFFFFFE0];
	[tilespmem:s30+$0x40] =	vst v7  }
0xea: {  	v7 =	vld [tilespmem:s0+$0xFFFFFFF0];
	[tilespmem:s30+$0x50] =	vst v8;
	s30 =	smov.u32 s0  }
0xeb: {  	v4 =	vld.idx.msk [tilespmem:v4+s25+$0x0], $0xffff  }
0xec: {  	v8 =	vld [tilespmem:s0+$0xFFFFFF80]  }
0xed: {  	v9 =	vld [tilespmem:s0+$0xFFFFFFA0]  }
0xee: {  	v10 =	vld [tilespmem:s0+$0xFFFFFF90]  }
0xef: {  	v11 =	vld [tilespmem:s0+$0xFFFFFFC0]  }
0xf0: {  	v2 =	vld [tilespmem:s0+$0x10]  }
0xf1: {  	v7 =	vmul.f32 v7, v4;
	v8 =	vmul.f32 v8, v4  }
0xf2: {  	v5 =	vmul.f32 v5, v4;
	v9 =	vmul.f32 v9, v4  }
0xf3: {  	v6 =	vmul.f32 v6, v4;
	v10 =	vmul.f32 v10, v4;
	[tilespmem:s0+$0xFFFFFFF0] =	vst v7  }
0xf4: {  	v3 =	vmul.f32 v3, v4;
	[tilespmem:s0+$0xFFFFFF80] =	vst v8;
	v7 =	vmul.f32 v11, v4  }
0xf5: {  	s2 =	sadd.s32 $0x1, s2;
	[tilespmem:s0+$0xFFFFFFA0] =	vst v9  }
0xf6: {  	[tilespmem:s0+$0xFFFFFFB0] =	vst v6;
	v6 =	vmov s2  }
.Ltmp2:
0xf7: {  	[tilespmem:s0+$0xFFFFFFD0] =	vst v3;
	(pc) =	sbr.rel @p0 .LBB2_7-.Ltmp2, $4  }
0xf8: {  	[tilespmem:s0+$0xFFFFFF90] =	vst v10  }
0xf9: {  	[tilespmem:s0+$0xFFFFFFE0] =	vst v5;
	v5 =	vld [tilespmem:s0+$0x30]  }
0xfa: {  	[tilespmem:s0+$0xFFFFFFC0] =	vst v7;
	v4 =	vld [tilespmem:s0+$0x70]  }
0xfb: {  	v3 =	vld.idx.msk [tilespmem:v6+s25+$0x0], $0xffff  }
0xfc: {  	_ =	sdelay $0x1  }
0xfd: {  	v6 =	vld [tilespmem:s30+$0x20];
	_ =	sdelay $0x1  }
0xfe: {  	v7 =	vld [tilespmem:s30+$0x60];
	v1 =	vmul.f32 v1, v3  }
0xff: {  	v8 =	vld [tilespmem:s30+$0x40];
	v5 =	vmul.f32 v5, v3  }
0x100: {  	v9 =	vld [tilespmem:s30+$0x50];
	v2 =	vmul.f32 v2, v3;
	[tilespmem:s30+$0x0] =	vst v1  }
0x101: {  	v63 =	vmul.f32 v6, v3;
	[tilespmem:s30+$0x30] =	vst v5  }
0x102: {  	v1 =	vmul.f32 v4, v3;
	[tilespmem:s30+$0x10] =	vst v2  }
0x103: {  	v2 =	vmul.f32 v7, v3;
	[tilespmem:s30+$0x20] =	vst v63  }
0x104: {  	[tilespmem:s30+$0x70] =	vst v1;
	v1 =	vmul.f32 v8, v3  }
0x105: {  	s29 =	sadd.s32 $0x1, s29;
	v3 =	vmul.f32 v9, v3;
	[tilespmem:s30+$0x60] =	vst v2  }
0x106: {  	p0 =	sne.s32 s29, $0x51;
	[tilespmem:s30+$0x40] =	vst v1  }
.Ltmp3:
0x107: {  	[tilespmem:s30+$0x50] =	vst v3;
	(pc) =	sbr.rel @p0 .LBB2_6-.Ltmp3, $4  }
0x108: {  	[spmem:s1] =	stream.indirect.scatter.add.f32 [tilespmem:s18], [sflag:$0x2], $0x80, s22, s22, $0xb8;
	[tilespmem:$0x1F600] =	vst v63  }
0x109: {  	_ =	swait.ge [sflag:s19], $0x4000  }
0x10a: {  	[sflag:s19] =	ssyncset.done $0x0  }
0x10b: {  	[sflag:s19] =	ssyncadd.s32 $0xFFFFC000  }
0x10c: {  	[bflag:$0x0] =	sbarrier.arrive $0xFFFF;
	s0 =	simm.s32 $0x0  }
0x10d: {  	[hbm4b:s15+s0] =	stream.linear.scatter [tilespmem:s23], [sflag:$0x2], $0x2780, $0x38;
	[tilespmem:$0x1F600] =	vst v63  }
0x10e: {  	s31 =	sshll.u32 s3, $0x6;
	s26 =	sadd.s32 $0x1, s26;
	_ =	swait.ge [sflag:s19], $0x2780  }
0x10f: {  	s2 =	sshrl.u32 s9, $0x3;
	p0 =	sne.s32 s26, s17;
	[sflag:s19] =	ssyncset.done $0x0  }
.Ltmp4:
0x110: {  	s0 =	sor.u32 $0x1C02, s31;
	[sflag:s19] =	ssyncadd.s32 $0xFFFFD880;
	(pc) =	sbr.rel @p0 .LBB2_1-.Ltmp4, $4  }
0x111: {  	[hbm:s16], [sflag:s0] =	dma.local [spmem:s2], $0x2780  }
0x112: {  	_ =	swait.ge [sflag:s19], $0x2780  }
0x113: {  	[sflag:s19] =	ssyncset.done $0x0  }
0x114: {  	[sflag:s19] =	ssyncadd.s32 $0xFFFFD880  }
0x115: {  	_ =	sfence.sel $0x180000  }
0x116: {  	[bflag:$0x0] =	sbarrier.arrive $0xFFFF  }
0x117: {  	_ =	strace $0x90000047  }
0x118: {  	[bflag:$0x2] =	sbarrier.arrive $0xFFFF  }
0x119: {  	p0 =	sne.s32 s3, $0x0;
	s0 =	rddreg [dreg:$0x2]  }
0x11a: {  	s0 =	sadd.s32 @!p0 $0x100000, s0  }
0x11b: {  	[sflag:s0] =	ssyncadd.tile.s32 @!p0 $0x1;
	_ =	shalt  }
.Lfunc_end2:
_tile_overlayer_lowered:
.L_overlay_start_2:
0x11c: {  	(tag) =	ssettag $0x2  }
0x11d: {  	s0 =	rddreg [dreg:$0x0];
	s2 =	stileid.u32  }
0x11e: {  	s1 =	rddreg [dreg:$0x1];
	p0 =	sne.s32 s2, $0x0  }
0x11f: {  	s3 =	rddreg [dreg:$0x2];
	[bflag:$0x3] =	sbarrier.arrive $0xFFFF;
	s2 =	simm.s32 @!p0 $0x1C02  }
0x120: {  	[timem:s3], [sflag:s2] =	dma.local @!p0 [hbm:s0], s1  }
0x121: {  	s0 =	simm.s32 @!p0 $0x2  }
0x122: {  	_ =	swait.ge @!p0 [sflag:s0], s1  }
0x123: {  	s1 =	ssub.s32 @!p0 $0x0, s1;
	[sflag:s0] =	ssyncset.done @!p0 $0x0  }
0x124: {  	[sflag:s0] =	ssyncadd.s32 @!p0 s1  }
0x125: {  	[bflag:$0x3] =	sbarrier.arrive $0xFFFF  }
0x126: {  	_ =	shalt  }

</sc_bundles>
